<compile_context>
chip_gen: v7x
topology: tpu7x:2x2x1
jax: 0.10.2.dev20260603
libtpu: 0.0.44.dev20260713+nightly
codegen_flags: <defaults>
</compile_context>

<pallas_src>
import functools

import jax
import jax.numpy as jnp
from jax import lax
from jax.experimental import pallas as pl
from jax.experimental.pallas import tpu as pltpu
from jax.experimental.pallas import tpu_sc as plsc

N_NODES = 10000
N_FEATS = 128
N_HEADS = 8
D_HEAD = 16
N_EDGES = 320000
ALPHA = 0.2

NC = 2
NS = 16
NW = NC * NS
EPW = N_EDGES // NW
CHUNK = 80
NCHUNK = EPW // CHUNK
NPAIR = (NCHUNK - 1) // 2
N_PAD = 10240
RPT = N_PAD // NS
ZROWS = 128

BLK = 1000
GRID = N_NODES // BLK


def _dense_body(x_ref, wf_ref, aa_ref, wh_ref, ee_ref, eer_ref, mx_ref,
                cv_ref):
    i = pl.program_id(0)
    wh = jnp.dot(x_ref[...], wf_ref[...], preferred_element_type=jnp.float32)
    wh_ref[...] = wh.astype(jnp.bfloat16)
    ee = jnp.dot(wh, aa_ref[...], preferred_element_type=jnp.float32)
    ee_ref[...] = ee
    eer_ref[...] = jnp.concatenate(
        [ee[:, N_HEADS:2 * N_HEADS], ee[:, 0:N_HEADS]], axis=1)
    rm = jnp.max(ee, axis=0, keepdims=True)

    @pl.when(i == 0)
    def _():
        mx_ref[...] = rm

    @pl.when(i > 0)
    def _():
        mx_ref[...] = jnp.maximum(mx_ref[...], rm)

    @pl.when(i == pl.num_programs(0) - 1)
    def _():
        m = mx_ref[...]
        s = m[:, 0:N_HEADS] + m[:, N_HEADS:2 * N_HEADS]
        cv_ref[:, 0:N_HEADS] = jnp.maximum(s, ALPHA * s)
        cv_ref[:, N_HEADS:2 * N_HEADS] = jnp.full((1, N_HEADS), 1e9,
                                                  jnp.float32)


def _phase_a(x, wf, aa):
    return pl.pallas_call(
        _dense_body,
        grid=(GRID,),
        in_specs=[
            pl.BlockSpec((BLK, N_FEATS), lambda i: (i, 0)),
            pl.BlockSpec((N_FEATS, N_FEATS), lambda i: (0, 0)),
            pl.BlockSpec((N_FEATS, 2 * N_HEADS), lambda i: (0, 0)),
        ],
        out_specs=[
            pl.BlockSpec((BLK, N_FEATS), lambda i: (i, 0)),
            pl.BlockSpec((BLK, 2 * N_HEADS), lambda i: (i, 0)),
            pl.BlockSpec((BLK, 2 * N_HEADS), lambda i: (i, 0)),
            pl.BlockSpec((1, 2 * N_HEADS), lambda i: (0, 0)),
            pl.BlockSpec((1, 2 * N_HEADS), lambda i: (0, 0)),
        ],
        out_shape=[
            jax.ShapeDtypeStruct((N_NODES, N_FEATS), jnp.bfloat16),
            jax.ShapeDtypeStruct((N_NODES, 2 * N_HEADS), jnp.float32),
            jax.ShapeDtypeStruct((N_NODES, 2 * N_HEADS), jnp.float32),
            jax.ShapeDtypeStruct((1, 2 * N_HEADS), jnp.float32),
            jax.ShapeDtypeStruct((1, 2 * N_HEADS), jnp.float32),
        ],
    )(x, wf, aa)


def _sc_body(ee_hbm, eer_hbm, wh_hbm, src_hbm, dst_hbm, cv_hbm,
             acc_hbm, den_hbm,
             sbuf0, dbuf0, sbuf1, dbuf1, dsc, ee_s0, ee_d0, whr0,
             ee_s1, ee_d1, whr1, whs,
             ex_v, cv_v,
             acc_sh, den_sh, semg0, semg1, semi0, semi1):
    c = lax.axis_index("c")
    s = lax.axis_index("s")
    wid = c * NS + s
    r0 = s * RPT

    @pl.loop(0, CHUNK)
    def _zb_fill(r):
        for g in range(N_FEATS // 16):
            whs[r, pl.ds(g * 16, 16)] = jnp.zeros((16,), jnp.float32)

    lane = jnp.arange(16, dtype=jnp.int32)
    lo8 = lane < 8
    rowpair = lane >> 3

    @pl.loop(0, CHUNK // 2)
    def _zden_fill(r):
        plsc.store_scatter(ex_v, [2 * r + rowpair, lane & 7],
                           jnp.zeros((16,), jnp.float32))

    @pl.loop(0, RPT // CHUNK)
    def _zcopy(k):
        pltpu.sync_copy(whs, acc_sh.at[pl.ds(r0 + k * CHUNK, CHUNK)])
        pltpu.sync_copy(ex_v, den_sh.at[pl.ds(r0 + k * CHUNK, CHUNK)])

    plsc.subcore_barrier()

    pltpu.sync_copy(cv_hbm, cv_v)
    cvec = cv_v[...]
    hp = jnp.arange(16, dtype=jnp.int32)
    hsel = [2 * g + (hp >> 3) for g in range(N_FEATS // 32)]
    hmask = jnp.int32(-65536)

    def issue_i(cidx, sb, db, sem):
        base = wid * EPW + cidx * CHUNK
        pltpu.async_copy(src_hbm.at[pl.ds(base, CHUNK)], sb, sem)
        pltpu.async_copy(dst_hbm.at[pl.ds(base, CHUNK)], db, sem)

    def drain_i(sb, db, sem):
        pltpu.make_async_copy(src_hbm.at[pl.ds(0, CHUNK)], sb, sem).wait()
        pltpu.make_async_copy(dst_hbm.at[pl.ds(0, CHUNK)], db, sem).wait()

    def issue_g(sb, db, eesb, eedb, whb, sem):
        pltpu.async_copy(ee_hbm.at[sb], eesb, sem)
        pltpu.async_copy(eer_hbm.at[db], eedb, sem)
        pltpu.async_copy(wh_hbm.at[sb], whb, sem)

    def drain_g(eesb, eedb, whb, sem):
        pltpu.make_async_copy(ee_hbm.at[pl.ds(0, CHUNK)], eesb, sem).wait()
        pltpu.make_async_copy(eer_hbm.at[pl.ds(0, CHUNK)], eedb, sem).wait()
        pltpu.make_async_copy(wh_hbm.at[pl.ds(0, CHUNK)], whb, sem).wait()

    def save_didx(db):
        for g in range(CHUNK // 16):
            dsc[pl.ds(g * 16, 16)] = db[pl.ds(g * 16, 16)]

    def compute(db, eesb, eedb, whb):
        @plsc.parallel_loop(0, CHUNK, unroll=4)
        def _edge(b):
            bb = jnp.full((16,), b, jnp.int32)
            sv = eesb[b, :] + eedb[b, :]
            sv = jnp.maximum(sv, ALPHA * sv)
            ex = jnp.exp(sv - cvec)
            plsc.store_scatter(ex_v, [bb, lane & 7], ex, mask=lo8)
            for g in range(N_FEATS // 32):
                bh = ex.at[hsel[g]].get(mode='promise_in_bounds')
                v = whb[b, pl.ds(g * 16, 16)]
                flo = plsc.bitcast(v << 16, jnp.float32)
                fhi = plsc.bitcast(v & hmask, jnp.float32)
                whs[b, pl.ds(g * 32, 16)] = flo * bh
                whs[b, pl.ds(g * 32 + 16, 16)] = fhi * bh

        pltpu.sync_copy(ex_v, den_sh.at[db], add=True)
        pltpu.sync_copy(whs, acc_sh.at[db], add=True)

    issue_i(0, sbuf0, dbuf0, semi0)
    issue_i(1, sbuf1, dbuf1, semi1)
    drain_i(sbuf0, dbuf0, semi0)
    issue_g(sbuf0, dbuf0, ee_s0, ee_d0, whr0, semg0)

    @pl.loop(0, NPAIR)
    def _pair(p):
        drain_g(ee_s0, ee_d0, whr0, semg0)
        save_didx(dbuf0)
        drain_i(sbuf1, dbuf1, semi1)
        issue_g(sbuf1, dbuf1, ee_s1, ee_d1, whr1, semg1)
        issue_i(2 * p + 2, sbuf0, dbuf0, semi0)
        compute(dsc, ee_s0, ee_d0, whr0)
        drain_g(ee_s1, ee_d1, whr1, semg1)
        save_didx(dbuf1)
        drain_i(sbuf0, dbuf0, semi0)
        issue_g(sbuf0, dbuf0, ee_s0, ee_d0, whr0, semg0)
        issue_i(jnp.minimum(2 * p + 3, NCHUNK - 1), sbuf1, dbuf1, semi1)
        compute(dsc, ee_s1, ee_d1, whr1)

    drain_g(ee_s0, ee_d0, whr0, semg0)
    drain_i(sbuf1, dbuf1, semi1)
    compute(dbuf0, ee_s0, ee_d0, whr0)

    plsc.subcore_barrier()
    pltpu.sync_copy(acc_sh.at[pl.ds(r0, RPT)], acc_hbm.at[c].at[pl.ds(r0, RPT)])
    pltpu.sync_copy(den_sh.at[pl.ds(r0, RPT)], den_hbm.at[c].at[pl.ds(r0, RPT)])


def _phase_b(ee, eer, wh, src2, dst2, cv):
    mesh = plsc.VectorSubcoreMesh(core_axis_name="c", subcore_axis_name="s",
                                  num_cores=NC, num_subcores=NS)
    f = pl.kernel(
        _sc_body,
        out_type=[
            jax.ShapeDtypeStruct((NC, N_PAD, N_FEATS), jnp.float32),
            jax.ShapeDtypeStruct((NC, N_PAD, N_HEADS), jnp.float32),
        ],
        mesh=mesh,
        scratch_types=[
            pltpu.VMEM((CHUNK,), jnp.int32),
            pltpu.VMEM((CHUNK,), jnp.int32),
            pltpu.VMEM((CHUNK,), jnp.int32),
            pltpu.VMEM((CHUNK,), jnp.int32),
            pltpu.VMEM((CHUNK,), jnp.int32),
            pltpu.VMEM((CHUNK, 2 * N_HEADS), jnp.float32),
            pltpu.VMEM((CHUNK, 2 * N_HEADS), jnp.float32),
            pltpu.VMEM((CHUNK, N_FEATS // 2), jnp.int32),
            pltpu.VMEM((CHUNK, 2 * N_HEADS), jnp.float32),
            pltpu.VMEM((CHUNK, 2 * N_HEADS), jnp.float32),
            pltpu.VMEM((CHUNK, N_FEATS // 2), jnp.int32),
            pltpu.VMEM((CHUNK, N_FEATS), jnp.float32),
            pltpu.VMEM((CHUNK, N_HEADS), jnp.float32),
            pltpu.VMEM((16,), jnp.float32),
            pltpu.VMEM_SHARED((N_PAD, N_FEATS), jnp.float32),
            pltpu.VMEM_SHARED((N_PAD, N_HEADS), jnp.float32),
            pltpu.SemaphoreType.DMA,
            pltpu.SemaphoreType.DMA,
            pltpu.SemaphoreType.DMA,
            pltpu.SemaphoreType.DMA,
        ],
        compiler_params=pltpu.CompilerParams(needs_layout_passes=False,
                                             use_tc_tiling_on_sc=False),
    )
    return f(ee, eer, wh, src2, dst2, cv)


def _norm_body(a0_ref, a1_ref, d0_ref, d1_ref, e8_ref, pm_ref, o_ref):
    d = d0_ref[0] + d1_ref[0]
    scale = 1.0 / jnp.maximum(d, 1e-16)
    sc = jnp.dot(scale, e8_ref[...], preferred_element_type=jnp.float32)
    o_ref[...] = jnp.dot((a0_ref[0] + a1_ref[0]) * sc, pm_ref[...],
                         preferred_element_type=jnp.float32)


def _phase_c(acc, den, e8, pm):
    return pl.pallas_call(
        _norm_body,
        grid=(GRID,),
        in_specs=[
            pl.BlockSpec((1, BLK, N_FEATS), lambda i: (0, i, 0)),
            pl.BlockSpec((1, BLK, N_FEATS), lambda i: (1, i, 0)),
            pl.BlockSpec((1, BLK, N_HEADS), lambda i: (0, i, 0)),
            pl.BlockSpec((1, BLK, N_HEADS), lambda i: (1, i, 0)),
            pl.BlockSpec((N_HEADS, N_FEATS), lambda i: (0, 0)),
            pl.BlockSpec((N_FEATS, N_FEATS), lambda i: (0, 0)),
        ],
        out_specs=pl.BlockSpec((BLK, N_FEATS), lambda i: (i, 0)),
        out_shape=jax.ShapeDtypeStruct((N_NODES, N_FEATS), jnp.float32),
    )(acc, acc, den, den, e8, pm)


def kernel(x, edge_index, W, a):
    wf = jnp.transpose(W, (1, 0, 2)).reshape(N_FEATS, N_FEATS)
    a1 = a[:, :D_HEAD, 0]
    a2 = a[:, D_HEAD:, 0]
    eye = jnp.eye(N_HEADS, dtype=jnp.float32)
    aa = jnp.concatenate([
        jnp.einsum('ho,hk->hok', a1, eye).reshape(N_FEATS, N_HEADS),
        jnp.einsum('ho,hk->hok', a2, eye).reshape(N_FEATS, N_HEADS),
    ], axis=1)
    wh16, ee, eer, _mx, cv = _phase_a(x, wf, aa)
    wh_pk = jax.lax.bitcast_convert_type(
        wh16.reshape(N_NODES, N_FEATS // 2, 2), jnp.int32)

    acc, den = _phase_b(ee, eer, wh_pk, edge_index[0], edge_index[1],
                        cv.reshape(2 * N_HEADS))

    cols = jnp.arange(N_FEATS)
    g = cols // 32
    r = cols % 32
    orig = 32 * g + jnp.where(r < 16, 2 * r, 2 * (r - 16) + 1)
    pm = (orig[:, None] == cols[None, :]).astype(jnp.float32)
    e8p = (jnp.arange(N_HEADS)[:, None] == (orig // D_HEAD)[None, :]
           ).astype(jnp.float32)
    return _phase_c(acc, den, e8p, pm)

# --- scband reference (transcript-rebuilt; emitter-appended) ---
"""Pipeline reference for scband-cross-gginversed-88639535055061 (READ-ONLY COPY).

The authoritative reference and input builder live on the scoring server;
editing this copy changes nothing except your own understanding.
"""

import jax, jax.numpy as jnp
import numpy as np

N_NODES = 10000
N_EDGES = 320000
NFEATS = 128
NHID = 128
NHEADS = 8
D_HEAD = NHID // NHEADS
ALPHA = 0.2


def setup_inputs(seed: int = 0) -> dict:
    key = jax.random.key(seed)
    k1, k2, k3, k4 = jax.random.split(key, 4)
    x = jax.random.normal(k1, (N_NODES, NFEATS), dtype=jnp.float32)
    edge_index = jax.random.randint(k2, (2, N_EDGES), 0, N_NODES, dtype=jnp.int32)
    # xavier_uniform with gain=1.414 per head: W [H, in, out], a [H, 2*out, 1]
    lim_W = 1.414 * float(np.sqrt(6.0 / (NFEATS + D_HEAD)))
    W = jax.random.uniform(k3, (NHEADS, NFEATS, D_HEAD), minval=-lim_W, maxval=lim_W, dtype=jnp.float32)
    lim_a = 1.414 * float(np.sqrt(6.0 / (2 * D_HEAD + 1)))
    a = jax.random.uniform(k4, (NHEADS, 2 * D_HEAD, 1), minval=-lim_a, maxval=lim_a, dtype=jnp.float32)
    return {"x": x, "edge_index": edge_index, "W": W, "a": a}


def reference(x, edge_index, W, a):
    # Multi-head directed GAT: dst nodes attend over incoming src nodes,
    # per-head attention softmaxed over each dst node's mailbox (incoming edges),
    # heads concatenated. Dropout inactive (eval mode / dropout=0.0).
    src = edge_index[0]
    dst = edge_index[1]
    # Wh per head: [H, N, D_HEAD]
    Wh = jnp.einsum('nd,hdo->hno', x, W)
    a1 = a[:, :D_HEAD, 0]   # [H, D_HEAD]
    a2 = a[:, D_HEAD:, 0]   # [H, D_HEAD]
    e1 = jnp.einsum('hno,ho->hn', Wh, a1)  # [H, N]
    e2 = jnp.einsum('hno,ho->hn', Wh, a2)  # [H, N]
    e = jax.nn.leaky_relu(e1[:, src] + e2[:, dst], negative_slope=ALPHA)  # [H, E]

    def per_head(e_h, Wh_h):
        m = jax.ops.segment_max(e_h, dst, num_segments=N_NODES)
        ex = jnp.exp(e_h - m[dst])
        denom = jax.ops.segment_sum(ex, dst, num_segments=N_NODES)
        attn = ex / jnp.maximum(denom[dst], 1e-16)
        h_prime_h = jax.ops.segment_sum(attn[:, None] * Wh_h[src], dst, num_segments=N_NODES)
        return h_prime_h  # [N, D_HEAD]

    outs = jax.vmap(per_head)(e, Wh)              # [H, N, D_HEAD]
    h_itype = jnp.transpose(outs, (1, 0, 2)).reshape(N_NODES, NHEADS * D_HEAD)
    return h_itype

if __name__ == "__main__":
    import jax
    _d = setup_inputs()
    print(jax.jit(kernel)(*tuple(_d.values())))

</pallas_src>

<mosaic_0001>
#map = affine_map<(d0, d1) -> (0, 0)>
#map1 = affine_map<(d0, d1) -> (0)>
#map2 = affine_map<(d0, d1) -> (0, 0, 0)>
module attributes {stable_mosaic.version = 14 : i64} {
  func.func @_sc_body(%arg0: i32, %arg1: i32, %arg2: memref<10000x16xf32, #tpu.memory_space<hbm>>, %arg3: memref<10000x16xf32, #tpu.memory_space<hbm>>, %arg4: memref<10000x64xi32, #tpu.memory_space<hbm>>, %arg5: memref<320000xi32, #tpu.memory_space<hbm>>, %arg6: memref<320000xi32, #tpu.memory_space<hbm>>, %arg7: memref<16xf32, #tpu.memory_space<hbm>>, %arg8: memref<2x10240x128xf32, #tpu.memory_space<hbm>>, %arg9: memref<2x10240x8xf32, #tpu.memory_space<hbm>>, %arg10: memref<80xi32, #tpu.memory_space<vmem>>, %arg11: memref<80xi32, #tpu.memory_space<vmem>>, %arg12: memref<80xi32, #tpu.memory_space<vmem>>, %arg13: memref<80xi32, #tpu.memory_space<vmem>>, %arg14: memref<80xi32, #tpu.memory_space<vmem>>, %arg15: memref<80x16xf32, #tpu.memory_space<vmem>>, %arg16: memref<80x16xf32, #tpu.memory_space<vmem>>, %arg17: memref<80x64xi32, #tpu.memory_space<vmem>>, %arg18: memref<80x16xf32, #tpu.memory_space<vmem>>, %arg19: memref<80x16xf32, #tpu.memory_space<vmem>>, %arg20: memref<80x64xi32, #tpu.memory_space<vmem>>, %arg21: memref<80x128xf32, #tpu.memory_space<vmem>>, %arg22: memref<80x8xf32, #tpu.memory_space<vmem>>, %arg23: memref<16xf32, #tpu.memory_space<vmem>>, %arg24: memref<10240x128xf32, #tpu.memory_space<vmem_shared>>, %arg25: memref<10240x8xf32, #tpu.memory_space<vmem_shared>>, %arg26: memref<!tpu.dma_semaphore, #tpu.memory_space<semaphore_mem>>, %arg27: memref<!tpu.dma_semaphore, #tpu.memory_space<semaphore_mem>>, %arg28: memref<!tpu.dma_semaphore, #tpu.memory_space<semaphore_mem>>, %arg29: memref<!tpu.dma_semaphore, #tpu.memory_space<semaphore_mem>>) attributes {dimension_semantics = [#tpu.dimension_semantics<core_parallel>, #tpu.dimension_semantics<subcore_parallel>], iteration_bounds = array<i64: 2, 16>, scalar_prefetch = 0 : i64, scratch_operands = 20 : i64, tpu.core_type = #tpu.core_type<sc_vector_subcore>, window_params = [{transform_indices = #map}, {transform_indices = #map}, {transform_indices = #map}, {transform_indices = #map1}, {transform_indices = #map1}, {transform_indices = #map1}, {transform_indices = #map2}, {transform_indices = #map2}]} {
    %mul3A = arith.constant 16 : i32
    %mul3A_0 = arith.muli %arg0, %mul3A : i32
    %add3A = arith.addi %mul3A_0, %arg1 : i32
    %mul3A_1 = arith.constant 640 : i32
    %mul3A_2 = arith.muli %arg1, %mul3A_1 : i32
    %scan3A = arith.constant 0 : i32
    %scan3A_3 = arith.constant 80 : i32
    %scan3A_4 = arith.addi %scan3A, %scan3A_3 : i32
    %scan3A_5 = arith.constant 1 : i32
    scf.for %scan3A_114 = %scan3A to %scan3A_4 step %scan3A_5  : i32 {
      %mul3A_115 = arith.constant 1 : i32
      %mul3A_116 = arith.muli %scan3A_114, %mul3A_115 : i32
      %add3A_117 = arith.constant 0 : i32
      %add3A_118 = arith.addi %add3A_117, %mul3A_116 : i32
      %broadcast_in_dim3A = arith.constant 0.000000e+00 : f32
      %broadcast_in_dim3A_119 = vector.broadcast %broadcast_in_dim3A : f32 to vector<16xf32>
      %swap3A = arith.index_cast %add3A_118 : i32 to index
      %swap3A_120 = arith.constant 0 : index
      %swap3A_121 = tpu.vector_load %arg21[%swap3A, %swap3A_120] {strides = array<i32>} : memref<80x128xf32, #tpu.memory_space<vmem>>, vector<16xf32>,
      tpu.vector_store %arg21[%swap3A, %swap3A_120], %broadcast_in_dim3A_119 {strides = array<i32>} : memref<80x128xf32, #tpu.memory_space<vmem>>, vector<16xf32>,
      %broadcast_in_dim3A_122 = arith.constant 0.000000e+00 : f32
      %broadcast_in_dim3A_123 = vector.broadcast %broadcast_in_dim3A_122 : f32 to vector<16xf32>
      %swap3A_124 = arith.index_cast %add3A_118 : i32 to index
      %swap3A_125 = arith.constant 16 : index
      %swap3A_126 = tpu.vector_load %arg21[%swap3A_124, %swap3A_125] {strides = array<i32>} : memref<80x128xf32, #tpu.memory_space<vmem>>, vector<16xf32>,
      tpu.vector_store %arg21[%swap3A_124, %swap3A_125], %broadcast_in_dim3A_123 {strides = array<i32>} : memref<80x128xf32, #tpu.memory_space<vmem>>, vector<16xf32>,
      %broadcast_in_dim3A_127 = arith.constant 0.000000e+00 : f32
      %broadcast_in_dim3A_128 = vector.broadcast %broadcast_in_dim3A_127 : f32 to vector<16xf32>
      %swap3A_129 = arith.index_cast %add3A_118 : i32 to index
      %swap3A_130 = arith.constant 32 : index
      %swap3A_131 = tpu.vector_load %arg21[%swap3A_129, %swap3A_130] {strides = array<i32>} : memref<80x128xf32, #tpu.memory_space<vmem>>, vector<16xf32>,
      tpu.vector_store %arg21[%swap3A_129, %swap3A_130], %broadcast_in_dim3A_128 {strides = array<i32>} : memref<80x128xf32, #tpu.memory_space<vmem>>, vector<16xf32>,
      %broadcast_in_dim3A_132 = arith.constant 0.000000e+00 : f32
      %broadcast_in_dim3A_133 = vector.broadcast %broadcast_in_dim3A_132 : f32 to vector<16xf32>
      %swap3A_134 = arith.index_cast %add3A_118 : i32 to index
      %swap3A_135 = arith.constant 48 : index
      %swap3A_136 = tpu.vector_load %arg21[%swap3A_134, %swap3A_135] {strides = array<i32>} : memref<80x128xf32, #tpu.memory_space<vmem>>, vector<16xf32>,
      tpu.vector_store %arg21[%swap3A_134, %swap3A_135], %broadcast_in_dim3A_133 {strides = array<i32>} : memref<80x128xf32, #tpu.memory_space<vmem>>, vector<16xf32>,
      %broadcast_in_dim3A_137 = arith.constant 0.000000e+00 : f32
      %broadcast_in_dim3A_138 = vector.broadcast %broadcast_in_dim3A_137 : f32 to vector<16xf32>
      %swap3A_139 = arith.index_cast %add3A_118 : i32 to index
      %swap3A_140 = arith.constant 64 : index
      %swap3A_141 = tpu.vector_load %arg21[%swap3A_139, %swap3A_140] {strides = array<i32>} : memref<80x128xf32, #tpu.memory_space<vmem>>, vector<16xf32>,
      tpu.vector_store %arg21[%swap3A_139, %swap3A_140], %broadcast_in_dim3A_138 {strides = array<i32>} : memref<80x128xf32, #tpu.memory_space<vmem>>, vector<16xf32>,
      %broadcast_in_dim3A_142 = arith.constant 0.000000e+00 : f32
      %broadcast_in_dim3A_143 = vector.broadcast %broadcast_in_dim3A_142 : f32 to vector<16xf32>
      %swap3A_144 = arith.index_cast %add3A_118 : i32 to index
      %swap3A_145 = arith.constant 80 : index
      %swap3A_146 = tpu.vector_load %arg21[%swap3A_144, %swap3A_145] {strides = array<i32>} : memref<80x128xf32, #tpu.memory_space<vmem>>, vector<16xf32>,
      tpu.vector_store %arg21[%swap3A_144, %swap3A_145], %broadcast_in_dim3A_143 {strides = array<i32>} : memref<80x128xf32, #tpu.memory_space<vmem>>, vector<16xf32>,
      %broadcast_in_dim3A_147 = arith.constant 0.000000e+00 : f32
      %broadcast_in_dim3A_148 = vector.broadcast %broadcast_in_dim3A_147 : f32 to vector<16xf32>
      %swap3A_149 = arith.index_cast %add3A_118 : i32 to index
      %swap3A_150 = arith.constant 96 : index
      %swap3A_151 = tpu.vector_load %arg21[%swap3A_149, %swap3A_150] {strides = array<i32>} : memref<80x128xf32, #tpu.memory_space<vmem>>, vector<16xf32>,
      tpu.vector_store %arg21[%swap3A_149, %swap3A_150], %broadcast_in_dim3A_148 {strides = array<i32>} : memref<80x128xf32, #tpu.memory_space<vmem>>, vector<16xf32>,
      %broadcast_in_dim3A_152 = arith.constant 0.000000e+00 : f32
      %broadcast_in_dim3A_153 = vector.broadcast %broadcast_in_dim3A_152 : f32 to vector<16xf32>
      %swap3A_154 = arith.index_cast %add3A_118 : i32 to index
      %swap3A_155 = arith.constant 112 : index
      %swap3A_156 = tpu.vector_load %arg21[%swap3A_154, %swap3A_155] {strides = array<i32>} : memref<80x128xf32, #tpu.memory_space<vmem>>, vector<16xf32>,
      tpu.vector_store %arg21[%swap3A_154, %swap3A_155], %broadcast_in_dim3A_153 {strides = array<i32>} : memref<80x128xf32, #tpu.memory_space<vmem>>, vector<16xf32>,
    }
    %scan3A_6 = arith.constant 80 : i32
    %iota3A = tpu.iota {dimensions = array<i32: 0>} : vector<16xi32>
    %lt3A = arith.constant 8 : i32
    %lt3A_7 = vector.broadcast %lt3A : i32 to vector<16xi32>
    %lt3A_8 = arith.cmpi slt, %iota3A, %lt3A_7 : vector<16xi32>
    %shift_right_arithmetic3A = arith.constant 3 : i32
    %shift_right_arithmetic3A_9 = vector.broadcast %shift_right_arithmetic3A : i32 to vector<16xi32>
    %shift_right_arithmetic3A_10 = arith.shrsi %iota3A, %shift_right_arithmetic3A_9 : vector<16xi32>
    %scan3A_11 = arith.constant 0 : i32
    %scan3A_12 = arith.constant 40 : i32
    %scan3A_13 = arith.addi %scan3A_11, %scan3A_12 : i32
    %scan3A_14 = arith.constant 1 : i32
    scf.for %scan3A_114 = %scan3A_11 to %scan3A_13 step %scan3A_14  : i32 {
      %mul3A_115 = arith.constant 1 : i32
      %mul3A_116 = arith.muli %scan3A_114, %mul3A_115 : i32
      %add3A_117 = arith.constant 0 : i32
      %add3A_118 = arith.addi %add3A_117, %mul3A_116 : i32
      %mul3A_119 = arith.constant 2 : i32
      %mul3A_120 = arith.muli %mul3A_119, %add3A_118 : i32
      %add3A_121 = vector.broadcast %mul3A_120 : i32 to vector<16xi32>
      %add3A_122 = arith.addi %add3A_121, %shift_right_arithmetic3A_10 : vector<16xi32>
      %and3A = arith.constant 7 : i32
      %and3A_123 = vector.broadcast %and3A : i32 to vector<16xi32>
      %and3A_124 = arith.andi %iota3A, %and3A_123 : vector<16xi32>
      %broadcast_in_dim3A = arith.constant 0.000000e+00 : f32
      %broadcast_in_dim3A_125 = vector.broadcast %broadcast_in_dim3A : f32 to vector<16xf32>
      tpu.vector_store_idx %arg22[%add3A_122, %and3A_124], %broadcast_in_dim3A_125 : memref<80x8xf32, #tpu.memory_space<vmem>>[vector<16xi32>, vector<16xi32>], vector<16xf32>,
    }
    %scan3A_15 = arith.constant 40 : i32
    %scan3A_16 = arith.constant 0 : i32
    %scan3A_17 = arith.constant 8 : i32
    %scan3A_18 = arith.addi %scan3A_16, %scan3A_17 : i32
    %scan3A_19 = arith.constant 1 : i32
    scf.for %scan3A_114 = %scan3A_16 to %scan3A_18 step %scan3A_19  : i32 {
      %mul3A_115 = arith.constant 1 : i32
      %mul3A_116 = arith.muli %scan3A_114, %mul3A_115 : i32
      %add3A_117 = arith.constant 0 : i32
      %add3A_118 = arith.addi %add3A_117, %mul3A_116 : i32
      %mul3A_119 = arith.constant 80 : i32
      %mul3A_120 = arith.muli %add3A_118, %mul3A_119 : i32
      %add3A_121 = arith.addi %mul3A_2, %mul3A_120 : i32
      "tpu.region"() ({
        %run_scoped3A = tpu.sem_alloc : memref<!tpu.dma_semaphore, #tpu.memory_space<semaphore_mem>>
        %dma_start3A_125 = arith.constant 0 : i32
        %dma_start3A_126 = tpu.memref_slice %arg24[%add3A_121, %dma_start3A_125] : memref<10240x128xf32, #tpu.memory_space<vmem_shared>> -> memref<80x128xf32, #tpu.memory_space<vmem_shared>>
        %dma_start3A_127 = arith.constant 0 : i32
        %dma_start3A_128 = tpu.memref_slice %arg24[%add3A_121, %dma_start3A_127] : memref<10240x128xf32, #tpu.memory_space<vmem_shared>> -> memref<80x128xf32, #tpu.memory_space<vmem_shared>>
        tpu.enqueue_dma source(%arg21 : memref<80x128xf32, #tpu.memory_space<vmem>>) target(%dma_start3A_128 : memref<80x128xf32, #tpu.memory_space<vmem_shared>>) target_semaphore(%run_scoped3A : memref<!tpu.dma_semaphore, #tpu.memory_space<semaphore_mem>>)
        %dma_wait3A_129 = arith.constant 0 : i32
        %dma_wait3A_130 = tpu.memref_slice %arg24[%add3A_121, %dma_wait3A_129] : memref<10240x128xf32, #tpu.memory_space<vmem_shared>> -> memref<80x128xf32, #tpu.memory_space<vmem_shared>>
        %dma_wait3A_131 = arith.constant 0 : i32
        %dma_wait3A_132 = tpu.memref_slice %arg24[%add3A_121, %dma_wait3A_131] : memref<10240x128xf32, #tpu.memory_space<vmem_shared>> -> memref<80x128xf32, #tpu.memory_space<vmem_shared>>
        tpu.wait_dma2 semaphore(%run_scoped3A : memref<!tpu.dma_semaphore, #tpu.memory_space<semaphore_mem>>) src(%arg21 : memref<80x128xf32, #tpu.memory_space<vmem>>) dst(%dma_wait3A_132 : memref<80x128xf32, #tpu.memory_space<vmem_shared>>)
        tpu.yield
      }) : () -> ()
      %mul3A_122 = arith.constant 80 : i32
      %mul3A_123 = arith.muli %add3A_118, %mul3A_122 : i32
      %add3A_124 = arith.addi %mul3A_2, %mul3A_123 : i32
      "tpu.region"() ({
        %run_scoped3A = tpu.sem_alloc : memref<!tpu.dma_semaphore, #tpu.memory_space<semaphore_mem>>
        %dma_start3A_125 = arith.constant 0 : i32
        %dma_start3A_126 = tpu.memref_slice %arg25[%add3A_124, %dma_start3A_125] : memref<10240x8xf32, #tpu.memory_space<vmem_shared>> -> memref<80x8xf32, #tpu.memory_space<vmem_shared>>
        %dma_start3A_127 = arith.constant 0 : i32
        %dma_start3A_128 = tpu.memref_slice %arg25[%add3A_124, %dma_start3A_127] : memref<10240x8xf32, #tpu.memory_space<vmem_shared>> -> memref<80x8xf32, #tpu.memory_space<vmem_shared>>
        tpu.enqueue_dma source(%arg22 : memref<80x8xf32, #tpu.memory_space<vmem>>) target(%dma_start3A_128 : memref<80x8xf32, #tpu.memory_space<vmem_shared>>) target_semaphore(%run_scoped3A : memref<!tpu.dma_semaphore, #tpu.memory_space<semaphore_mem>>)
        %dma_wait3A_129 = arith.constant 0 : i32
        %dma_wait3A_130 = tpu.memref_slice %arg25[%add3A_124, %dma_wait3A_129] : memref<10240x8xf32, #tpu.memory_space<vmem_shared>> -> memref<80x8xf32, #tpu.memory_space<vmem_shared>>
        %dma_wait3A_131 = arith.constant 0 : i32
        %dma_wait3A_132 = tpu.memref_slice %arg25[%add3A_124, %dma_wait3A_131] : memref<10240x8xf32, #tpu.memory_space<vmem_shared>> -> memref<80x8xf32, #tpu.memory_space<vmem_shared>>
        tpu.wait_dma2 semaphore(%run_scoped3A : memref<!tpu.dma_semaphore, #tpu.memory_space<semaphore_mem>>) src(%arg22 : memref<80x8xf32, #tpu.memory_space<vmem>>) dst(%dma_wait3A_132 : memref<80x8xf32, #tpu.memory_space<vmem_shared>>)
        tpu.yield
      }) : () -> ()
    }
    %scan3A_20 = arith.constant 8 : i32
    %barrier3A = arith.constant 0 : index
    tpu.barrier barrier_id(%barrier3A)
    "tpu.region"() ({
      %run_scoped3A = tpu.sem_alloc : memref<!tpu.dma_semaphore, #tpu.memory_space<semaphore_mem>>
      tpu.enqueue_dma source(%arg7 : memref<16xf32, #tpu.memory_space<hbm>>) target(%arg23 : memref<16xf32, #tpu.memory_space<vmem>>) target_semaphore(%run_scoped3A : memref<!tpu.dma_semaphore, #tpu.memory_space<semaphore_mem>>)
      tpu.wait_dma2 semaphore(%run_scoped3A : memref<!tpu.dma_semaphore, #tpu.memory_space<semaphore_mem>>) src(%arg7 : memref<16xf32, #tpu.memory_space<hbm>>) dst(%arg23 : memref<16xf32, #tpu.memory_space<vmem>>)
      tpu.yield
    }) : () -> ()
    %get3A = arith.constant 0 : index
    %get3A_21 = tpu.vector_load %arg23[%get3A] {strides = array<i32>} : memref<16xf32, #tpu.memory_space<vmem>>, vector<16xf32>,
    %iota3A_22 = tpu.iota {dimensions = array<i32: 0>} : vector<16xi32>
    %shift_right_arithmetic3A_23 = arith.constant 3 : i32
    %shift_right_arithmetic3A_24 = vector.broadcast %shift_right_arithmetic3A_23 : i32 to vector<16xi32>
    %shift_right_arithmetic3A_25 = arith.shrsi %iota3A_22, %shift_right_arithmetic3A_24 : vector<16xi32>
    %add3A_26 = arith.constant 0 : i32
    %add3A_27 = vector.broadcast %add3A_26 : i32 to vector<16xi32>
    %add3A_28 = arith.addi %add3A_27, %shift_right_arithmetic3A_25 : vector<16xi32>
    %shift_right_arithmetic3A_29 = arith.constant 3 : i32
    %shift_right_arithmetic3A_30 = vector.broadcast %shift_right_arithmetic3A_29 : i32 to vector<16xi32>
    %shift_right_arithmetic3A_31 = arith.shrsi %iota3A_22, %shift_right_arithmetic3A_30 : vector<16xi32>
    %add3A_32 = arith.constant 2 : i32
    %add3A_33 = vector.broadcast %add3A_32 : i32 to vector<16xi32>
    %add3A_34 = arith.addi %add3A_33, %shift_right_arithmetic3A_31 : vector<16xi32>
    %shift_right_arithmetic3A_35 = arith.constant 3 : i32
    %shift_right_arithmetic3A_36 = vector.broadcast %shift_right_arithmetic3A_35 : i32 to vector<16xi32>
    %shift_right_arithmetic3A_37 = arith.shrsi %iota3A_22, %shift_right_arithmetic3A_36 : vector<16xi32>
    %add3A_38 = arith.constant 4 : i32
    %add3A_39 = vector.broadcast %add3A_38 : i32 to vector<16xi32>
    %add3A_40 = arith.addi %add3A_39, %shift_right_arithmetic3A_37 : vector<16xi32>
    %shift_right_arithmetic3A_41 = arith.constant 3 : i32
    %shift_right_arithmetic3A_42 = vector.broadcast %shift_right_arithmetic3A_41 : i32 to vector<16xi32>
    %shift_right_arithmetic3A_43 = arith.shrsi %iota3A_22, %shift_right_arithmetic3A_42 : vector<16xi32>
    %add3A_44 = arith.constant 6 : i32
    %add3A_45 = vector.broadcast %add3A_44 : i32 to vector<16xi32>
    %add3A_46 = arith.addi %add3A_45, %shift_right_arithmetic3A_43 : vector<16xi32>
    %mul3A_47 = arith.constant 10000 : i32
    %mul3A_48 = arith.muli %add3A, %mul3A_47 : i32
    %add3A_49 = arith.constant 0 : i32
    %add3A_50 = arith.addi %mul3A_48, %add3A_49 : i32
    %dma_start3A = tpu.memref_slice %arg5[%add3A_50] : memref<320000xi32, #tpu.memory_space<hbm>> -> memref<80xi32, #tpu.memory_space<hbm>>
    %dma_start3A_51 = tpu.memref_slice %arg5[%add3A_50] : memref<320000xi32, #tpu.memory_space<hbm>> -> memref<80xi32, #tpu.memory_space<hbm>>
    tpu.enqueue_dma source(%dma_start3A_51 : memref<80xi32, #tpu.memory_space<hbm>>) target(%arg10 : memref<80xi32, #tpu.memory_space<vmem>>) target_semaphore(%arg28 : memref<!tpu.dma_semaphore, #tpu.memory_space<semaphore_mem>>)
    %dma_start3A_52 = tpu.memref_slice %arg6[%add3A_50] : memref<320000xi32, #tpu.memory_space<hbm>> -> memref<80xi32, #tpu.memory_space<hbm>>
    %dma_start3A_53 = tpu.memref_slice %arg6[%add3A_50] : memref<320000xi32, #tpu.memory_space<hbm>> -> memref<80xi32, #tpu.memory_space<hbm>>
    tpu.enqueue_dma source(%dma_start3A_53 : memref<80xi32, #tpu.memory_space<hbm>>) target(%arg11 : memref<80xi32, #tpu.memory_space<vmem>>) target_semaphore(%arg28 : memref<!tpu.dma_semaphore, #tpu.memory_space<semaphore_mem>>)
    %mul3A_54 = arith.constant 10000 : i32
    %mul3A_55 = arith.muli %add3A, %mul3A_54 : i32
    %add3A_56 = arith.constant 80 : i32
    %add3A_57 = arith.addi %mul3A_55, %add3A_56 : i32
    %dma_start3A_58 = tpu.memref_slice %arg5[%add3A_57] : memref<320000xi32, #tpu.memory_space<hbm>> -> memref<80xi32, #tpu.memory_space<hbm>>
    %dma_start3A_59 = tpu.memref_slice %arg5[%add3A_57] : memref<320000xi32, #tpu.memory_space<hbm>> -> memref<80xi32, #tpu.memory_space<hbm>>
    tpu.enqueue_dma source(%dma_start3A_59 : memref<80xi32, #tpu.memory_space<hbm>>) target(%arg12 : memref<80xi32, #tpu.memory_space<vmem>>) target_semaphore(%arg29 : memref<!tpu.dma_semaphore, #tpu.memory_space<semaphore_mem>>)
    %dma_start3A_60 = tpu.memref_slice %arg6[%add3A_57] : memref<320000xi32, #tpu.memory_space<hbm>> -> memref<80xi32, #tpu.memory_space<hbm>>
    %dma_start3A_61 = tpu.memref_slice %arg6[%add3A_57] : memref<320000xi32, #tpu.memory_space<hbm>> -> memref<80xi32, #tpu.memory_space<hbm>>
    tpu.enqueue_dma source(%dma_start3A_61 : memref<80xi32, #tpu.memory_space<hbm>>) target(%arg13 : memref<80xi32, #tpu.memory_space<vmem>>) target_semaphore(%arg29 : memref<!tpu.dma_semaphore, #tpu.memory_space<semaphore_mem>>)
    %dma_wait3A = arith.constant 0 : i32
    %dma_wait3A_62 = tpu.memref_slice %arg5[%dma_wait3A] : memref<320000xi32, #tpu.memory_space<hbm>> -> memref<80xi32, #tpu.memory_space<hbm>>
    %dma_wait3A_63 = arith.constant 0 : i32
    %dma_wait3A_64 = tpu.memref_slice %arg5[%dma_wait3A_63] : memref<320000xi32, #tpu.memory_space<hbm>> -> memref<80xi32, #tpu.memory_space<hbm>>
    tpu.wait_dma2 semaphore(%arg28 : memref<!tpu.dma_semaphore, #tpu.memory_space<semaphore_mem>>) src(%dma_wait3A_64 : memref<80xi32, #tpu.memory_space<hbm>>) dst(%arg10 : memref<80xi32, #tpu.memory_space<vmem>>)
    %dma_wait3A_65 = arith.constant 0 : i32
    %dma_wait3A_66 = tpu.memref_slice %arg6[%dma_wait3A_65] : memref<320000xi32, #tpu.memory_space<hbm>> -> memref<80xi32, #tpu.memory_space<hbm>>
    %dma_wait3A_67 = arith.constant 0 : i32
    %dma_wait3A_68 = tpu.memref_slice %arg6[%dma_wait3A_67] : memref<320000xi32, #tpu.memory_space<hbm>> -> memref<80xi32, #tpu.memory_space<hbm>>
    tpu.wait_dma2 semaphore(%arg28 : memref<!tpu.dma_semaphore, #tpu.memory_space<semaphore_mem>>) src(%dma_wait3A_68 : memref<80xi32, #tpu.memory_space<hbm>>) dst(%arg11 : memref<80xi32, #tpu.memory_space<vmem>>)
    %dma_start3A_69 = arith.constant 0 : i32
    %dma_start3A_70 = arith.constant 0 : i32
    %dma_start3A_71 = tpu.memref_slice %arg2[%dma_start3A_69, %dma_start3A_70] : memref<10000x16xf32, #tpu.memory_space<hbm>> -> memref<10000x16xf32, #tpu.memory_space<hbm>>
    tpu.enqueue_indirect_dma source(%dma_start3A_71 : memref<10000x16xf32, #tpu.memory_space<hbm>>) target(%arg15 : memref<80x16xf32, #tpu.memory_space<vmem>>) offsets(%arg10 : memref<80xi32, #tpu.memory_space<vmem>>) semaphore(%arg26 : memref<!tpu.dma_semaphore, #tpu.memory_space<semaphore_mem>>)
    %dma_start3A_72 = arith.constant 0 : i32
    %dma_start3A_73 = arith.constant 0 : i32
    %dma_start3A_74 = tpu.memref_slice %arg3[%dma_start3A_72, %dma_start3A_73] : memref<10000x16xf32, #tpu.memory_space<hbm>> -> memref<10000x16xf32, #tpu.memory_space<hbm>>
    tpu.enqueue_indirect_dma source(%dma_start3A_74 : memref<10000x16xf32, #tpu.memory_space<hbm>>) target(%arg16 : memref<80x16xf32, #tpu.memory_space<vmem>>) offsets(%arg11 : memref<80xi32, #tpu.memory_space<vmem>>) semaphore(%arg26 : memref<!tpu.dma_semaphore, #tpu.memory_space<semaphore_mem>>)
    %dma_start3A_75 = arith.constant 0 : i32
    %dma_start3A_76 = arith.constant 0 : i32
    %dma_start3A_77 = tpu.memref_slice %arg4[%dma_start3A_75, %dma_start3A_76] : memref<10000x64xi32, #tpu.memory_space<hbm>> -> memref<10000x64xi32, #tpu.memory_space<hbm>>
    tpu.enqueue_indirect_dma source(%dma_start3A_77 : memref<10000x64xi32, #tpu.memory_space<hbm>>) target(%arg17 : memref<80x64xi32, #tpu.memory_space<vmem>>) offsets(%arg10 : memref<80xi32, #tpu.memory_space<vmem>>) semaphore(%arg26 : memref<!tpu.dma_semaphore, #tpu.memory_space<semaphore_mem>>)
    %scan3A_78 = arith.constant -65536 : i32
    %scan3A_79 = arith.constant 0 : i32
    %scan3A_80 = arith.constant 62 : i32
    %scan3A_81 = arith.addi %scan3A_79, %scan3A_80 : i32
    %scan3A_82 = arith.constant 1 : i32
    scf.for %scan3A_114 = %scan3A_79 to %scan3A_81 step %scan3A_82  : i32 {
      %mul3A_115 = arith.constant 1 : i32
      %mul3A_116 = arith.muli %scan3A_114, %mul3A_115 : i32
      %add3A_117 = arith.constant 0 : i32
      %add3A_118 = arith.addi %add3A_117, %mul3A_116 : i32
      %dma_wait3A_119 = arith.constant 0 : i32
      %dma_wait3A_120 = arith.constant 0 : i32
      %dma_wait3A_121 = tpu.memref_slice %arg2[%dma_wait3A_119, %dma_wait3A_120] : memref<10000x16xf32, #tpu.memory_space<hbm>> -> memref<80x16xf32, #tpu.memory_space<hbm>>
      %dma_wait3A_122 = arith.constant 0 : i32
      %dma_wait3A_123 = arith.constant 0 : i32
      %dma_wait3A_124 = tpu.memref_slice %arg2[%dma_wait3A_122, %dma_wait3A_123] : memref<10000x16xf32, #tpu.memory_space<hbm>> -> memref<80x16xf32, #tpu.memory_space<hbm>>
      tpu.wait_dma2 semaphore(%arg26 : memref<!tpu.dma_semaphore, #tpu.memory_space<semaphore_mem>>) src(%dma_wait3A_124 : memref<80x16xf32, #tpu.memory_space<hbm>>) dst(%arg15 : memref<80x16xf32, #tpu.memory_space<vmem>>)
      %dma_wait3A_125 = arith.constant 0 : i32
      %dma_wait3A_126 = arith.constant 0 : i32
      %dma_wait3A_127 = tpu.memref_slice %arg3[%dma_wait3A_125, %dma_wait3A_126] : memref<10000x16xf32, #tpu.memory_space<hbm>> -> memref<80x16xf32, #tpu.memory_space<hbm>>
      %dma_wait3A_128 = arith.constant 0 : i32
      %dma_wait3A_129 = arith.constant 0 : i32
      %dma_wait3A_130 = tpu.memref_slice %arg3[%dma_wait3A_128, %dma_wait3A_129] : memref<10000x16xf32, #tpu.memory_space<hbm>> -> memref<80x16xf32, #tpu.memory_space<hbm>>
      tpu.wait_dma2 semaphore(%arg26 : memref<!tpu.dma_semaphore, #tpu.memory_space<semaphore_mem>>) src(%dma_wait3A_130 : memref<80x16xf32, #tpu.memory_space<hbm>>) dst(%arg16 : memref<80x16xf32, #tpu.memory_space<vmem>>)
      %dma_wait3A_131 = arith.constant 0 : i32
      %dma_wait3A_132 = arith.constant 0 : i32
      %dma_wait3A_133 = tpu.memref_slice %arg4[%dma_wait3A_131, %dma_wait3A_132] : memref<10000x64xi32, #tpu.memory_space<hbm>> -> memref<80x64xi32, #tpu.memory_space<hbm>>
      %dma_wait3A_134 = arith.constant 0 : i32
      %dma_wait3A_135 = arith.constant 0 : i32
      %dma_wait3A_136 = tpu.memref_slice %arg4[%dma_wait3A_134, %dma_wait3A_135] : memref<10000x64xi32, #tpu.memory_space<hbm>> -> memref<80x64xi32, #tpu.memory_space<hbm>>
      tpu.wait_dma2 semaphore(%arg26 : memref<!tpu.dma_semaphore, #tpu.memory_space<semaphore_mem>>) src(%dma_wait3A_136 : memref<80x64xi32, #tpu.memory_space<hbm>>) dst(%arg17 : memref<80x64xi32, #tpu.memory_space<vmem>>)
      %get3A_137 = arith.constant 0 : index
      %get3A_138 = tpu.vector_load %arg11[%get3A_137] {strides = array<i32>} : memref<80xi32, #tpu.memory_space<vmem>>, vector<16xi32>,
      %swap3A = arith.constant 0 : index
      %swap3A_139 = tpu.vector_load %arg14[%swap3A] {strides = array<i32>} : memref<80xi32, #tpu.memory_space<vmem>>, vector<16xi32>,
      tpu.vector_store %arg14[%swap3A], %get3A_138 {strides = array<i32>} : memref<80xi32, #tpu.memory_space<vmem>>, vector<16xi32>,
      %get3A_140 = arith.constant 16 : index
      %get3A_141 = tpu.vector_load %arg11[%get3A_140] {strides = array<i32>} : memref<80xi32, #tpu.memory_space<vmem>>, vector<16xi32>,
      %swap3A_142 = arith.constant 16 : index
      %swap3A_143 = tpu.vector_load %arg14[%swap3A_142] {strides = array<i32>} : memref<80xi32, #tpu.memory_space<vmem>>, vector<16xi32>,
      tpu.vector_store %arg14[%swap3A_142], %get3A_141 {strides = array<i32>} : memref<80xi32, #tpu.memory_space<vmem>>, vector<16xi32>,
      %get3A_144 = arith.constant 32 : index
      %get3A_145 = tpu.vector_load %arg11[%get3A_144] {strides = array<i32>} : memref<80xi32, #tpu.memory_space<vmem>>, vector<16xi32>,
      %swap3A_146 = arith.constant 32 : index
      %swap3A_147 = tpu.vector_load %arg14[%swap3A_146] {strides = array<i32>} : memref<80xi32, #tpu.memory_space<vmem>>, vector<16xi32>,
      tpu.vector_store %arg14[%swap3A_146], %get3A_145 {strides = array<i32>} : memref<80xi32, #tpu.memory_space<vmem>>, vector<16xi32>,
      %get3A_148 = arith.constant 48 : index
      %get3A_149 = tpu.vector_load %arg11[%get3A_148] {strides = array<i32>} : memref<80xi32, #tpu.memory_space<vmem>>, vector<16xi32>,
      %swap3A_150 = arith.constant 48 : index
      %swap3A_151 = tpu.vector_load %arg14[%swap3A_150] {strides = array<i32>} : memref<80xi32, #tpu.memory_space<vmem>>, vector<16xi32>,
      tpu.vector_store %arg14[%swap3A_150], %get3A_149 {strides = array<i32>} : memref<80xi32, #tpu.memory_space<vmem>>, vector<16xi32>,
      %get3A_152 = arith.constant 64 : index
      %get3A_153 = tpu.vector_load %arg11[%get3A_152] {strides = array<i32>} : memref<80xi32, #tpu.memory_space<vmem>>, vector<16xi32>,
      %swap3A_154 = arith.constant 64 : index
      %swap3A_155 = tpu.vector_load %arg14[%swap3A_154] {strides = array<i32>} : memref<80xi32, #tpu.memory_space<vmem>>, vector<16xi32>,
      tpu.vector_store %arg14[%swap3A_154], %get3A_153 {strides = array<i32>} : memref<80xi32, #tpu.memory_space<vmem>>, vector<16xi32>,
      %dma_wait3A_156 = arith.constant 0 : i32
      %dma_wait3A_157 = tpu.memref_slice %arg5[%dma_wait3A_156] : memref<320000xi32, #tpu.memory_space<hbm>> -> memref<80xi32, #tpu.memory_space<hbm>>
      %dma_wait3A_158 = arith.constant 0 : i32
      %dma_wait3A_159 = tpu.memref_slice %arg5[%dma_wait3A_158] : memref<320000xi32, #tpu.memory_space<hbm>> -> memref<80xi32, #tpu.memory_space<hbm>>
      tpu.wait_dma2 semaphore(%arg29 : memref<!tpu.dma_semaphore, #tpu.memory_space<semaphore_mem>>) src(%dma_wait3A_159 : memref<80xi32, #tpu.memory_space<hbm>>) dst(%arg12 : memref<80xi32, #tpu.memory_space<vmem>>)
      %dma_wait3A_160 = arith.constant 0 : i32
      %dma_wait3A_161 = tpu.memref_slice %arg6[%dma_wait3A_160] : memref<320000xi32, #tpu.memory_space<hbm>> -> memref<80xi32, #tpu.memory_space<hbm>>
      %dma_wait3A_162 = arith.constant 0 : i32
      %dma_wait3A_163 = tpu.memref_slice %arg6[%dma_wait3A_162] : memref<320000xi32, #tpu.memory_space<hbm>> -> memref<80xi32, #tpu.memory_space<hbm>>
      tpu.wait_dma2 semaphore(%arg29 : memref<!tpu.dma_semaphore, #tpu.memory_space<semaphore_mem>>) src(%dma_wait3A_163 : memref<80xi32, #tpu.memory_space<hbm>>) dst(%arg13 : memref<80xi32, #tpu.memory_space<vmem>>)
      %dma_start3A_164 = arith.constant 0 : i32
      %dma_start3A_165 = arith.constant 0 : i32
      %dma_start3A_166 = tpu.memref_slice %arg2[%dma_start3A_164, %dma_start3A_165] : memref<10000x16xf32, #tpu.memory_space<hbm>> -> memref<10000x16xf32, #tpu.memory_space<hbm>>
      tpu.enqueue_indirect_dma source(%dma_start3A_166 : memref<10000x16xf32, #tpu.memory_space<hbm>>) target(%arg18 : memref<80x16xf32, #tpu.memory_space<vmem>>) offsets(%arg12 : memref<80xi32, #tpu.memory_space<vmem>>) semaphore(%arg27 : memref<!tpu.dma_semaphore, #tpu.memory_space<semaphore_mem>>)
      %dma_start3A_167 = arith.constant 0 : i32
      %dma_start3A_168 = arith.constant 0 : i32
      %dma_start3A_169 = tpu.memref_slice %arg3[%dma_start3A_167, %dma_start3A_168] : memref<10000x16xf32, #tpu.memory_space<hbm>> -> memref<10000x16xf32, #tpu.memory_space<hbm>>
      tpu.enqueue_indirect_dma source(%dma_start3A_169 : memref<10000x16xf32, #tpu.memory_space<hbm>>) target(%arg19 : memref<80x16xf32, #tpu.memory_space<vmem>>) offsets(%arg13 : memref<80xi32, #tpu.memory_space<vmem>>) semaphore(%arg27 : memref<!tpu.dma_semaphore, #tpu.memory_space<semaphore_mem>>)
      %dma_start3A_170 = arith.constant 0 : i32
      %dma_start3A_171 = arith.constant 0 : i32
      %dma_start3A_172 = tpu.memref_slice %arg4[%dma_start3A_170, %dma_start3A_171] : memref<10000x64xi32, #tpu.memory_space<hbm>> -> memref<10000x64xi32, #tpu.memory_space<hbm>>
      tpu.enqueue_indirect_dma source(%dma_start3A_172 : memref<10000x64xi32, #tpu.memory_space<hbm>>) target(%arg20 : memref<80x64xi32, #tpu.memory_space<vmem>>) offsets(%arg12 : memref<80xi32, #tpu.memory_space<vmem>>) semaphore(%arg27 : memref<!tpu.dma_semaphore, #tpu.memory_space<semaphore_mem>>)
      %mul3A_173 = arith.constant 2 : i32
      %mul3A_174 = arith.muli %mul3A_173, %add3A_118 : i32
      %add3A_175 = arith.constant 2 : i32
      %add3A_176 = arith.addi %mul3A_174, %add3A_175 : i32
      %mul3A_177 = arith.constant 10000 : i32
      %mul3A_178 = arith.muli %add3A, %mul3A_177 : i32
      %mul3A_179 = arith.constant 80 : i32
      %mul3A_180 = arith.muli %add3A_176, %mul3A_179 : i32
      %add3A_181 = arith.addi %mul3A_178, %mul3A_180 : i32
      %dma_start3A_182 = tpu.memref_slice %arg5[%add3A_181] : memref<320000xi32, #tpu.memory_space<hbm>> -> memref<80xi32, #tpu.memory_space<hbm>>
      %dma_start3A_183 = tpu.memref_slice %arg5[%add3A_181] : memref<320000xi32, #tpu.memory_space<hbm>> -> memref<80xi32, #tpu.memory_space<hbm>>
      tpu.enqueue_dma source(%dma_start3A_183 : memref<80xi32, #tpu.memory_space<hbm>>) target(%arg10 : memref<80xi32, #tpu.memory_space<vmem>>) target_semaphore(%arg28 : memref<!tpu.dma_semaphore, #tpu.memory_space<semaphore_mem>>)
      %dma_start3A_184 = tpu.memref_slice %arg6[%add3A_181] : memref<320000xi32, #tpu.memory_space<hbm>> -> memref<80xi32, #tpu.memory_space<hbm>>
      %dma_start3A_185 = tpu.memref_slice %arg6[%add3A_181] : memref<320000xi32, #tpu.memory_space<hbm>> -> memref<80xi32, #tpu.memory_space<hbm>>
      tpu.enqueue_dma source(%dma_start3A_185 : memref<80xi32, #tpu.memory_space<hbm>>) target(%arg11 : memref<80xi32, #tpu.memory_space<vmem>>) target_semaphore(%arg28 : memref<!tpu.dma_semaphore, #tpu.memory_space<semaphore_mem>>)
      %parallel_loop3A_186 = arith.constant 0 : i32
      %parallel_loop3A_187 = arith.constant 80 : i32
      %parallel_loop3A_188 = arith.constant 1 : i32
      scf.for %parallel_loop3A_261 = %parallel_loop3A_186 to %parallel_loop3A_187 step %parallel_loop3A_188  : i32 {
        %parallel_loop3A_262 = vector.broadcast %parallel_loop3A_261 : i32 to vector<16xi32>
        %parallel_loop3A_263 = arith.index_cast %parallel_loop3A_261 : i32 to index
        %parallel_loop3A_264 = arith.constant 0 : index
        %parallel_loop3A_265 = tpu.vector_load %arg15[%parallel_loop3A_263, %parallel_loop3A_264] {strides = array<i32>} : memref<80x16xf32, #tpu.memory_space<vmem>>, vector<16xf32>,
        %parallel_loop3A_266 = arith.index_cast %parallel_loop3A_261 : i32 to index
        %parallel_loop3A_267 = arith.constant 0 : index
        %parallel_loop3A_268 = tpu.vector_load %arg16[%parallel_loop3A_266, %parallel_loop3A_267] {strides = array<i32>} : memref<80x16xf32, #tpu.memory_space<vmem>>, vector<16xf32>,
        %parallel_loop3A_269 = arith.addf %parallel_loop3A_265, %parallel_loop3A_268 : vector<16xf32>
        %parallel_loop3A_270 = arith.constant 2.000000e-01 : f32
        %parallel_loop3A_271 = vector.broadcast %parallel_loop3A_270 : f32 to vector<16xf32>
        %parallel_loop3A_272 = arith.mulf %parallel_loop3A_271, %parallel_loop3A_269 : vector<16xf32>
        %parallel_loop3A_273 = arith.maximumf %parallel_loop3A_269, %parallel_loop3A_272 : vector<16xf32>
        %parallel_loop3A_274 = arith.subf %parallel_loop3A_273, %get3A_21 : vector<16xf32>
        %parallel_loop3A_275 = math.exp %parallel_loop3A_274 : vector<16xf32>
        %parallel_loop3A_276 = arith.constant 7 : i32
        %parallel_loop3A_277 = vector.broadcast %parallel_loop3A_276 : i32 to vector<16xi32>
        %parallel_loop3A_278 = arith.andi %iota3A, %parallel_loop3A_277 : vector<16xi32>
        tpu.vector_store_idx %arg22[%parallel_loop3A_262, %parallel_loop3A_278], %parallel_loop3A_275 masked %lt3A_8 : memref<80x8xf32, #tpu.memory_space<vmem>>[vector<16xi32>, vector<16xi32>], vector<16xf32>, vector<16xi1>
        %parallel_loop3A_279 = arith.constant 0 : i32
        %parallel_loop3A_280 = vector.broadcast %parallel_loop3A_279 : i32 to vector<16xi32>
        %parallel_loop3A_281 = arith.cmpi slt, %add3A_28, %parallel_loop3A_280 : vector<16xi32>
        %parallel_loop3A_282 = arith.constant 16 : i32
        %parallel_loop3A_283 = vector.broadcast %parallel_loop3A_282 : i32 to vector<16xi32>
        %parallel_loop3A_284 = arith.addi %add3A_28, %parallel_loop3A_283 : vector<16xi32>
        %parallel_loop3A_285 = arith.select %parallel_loop3A_281, %parallel_loop3A_284, %add3A_28 : vector<16xi1>, vector<16xi32>
        %parallel_loop3A_286 = vector.shape_cast %parallel_loop3A_285 : vector<16xi32> to vector<16x1xi32>
        %parallel_loop3A_287 = vector.shape_cast %parallel_loop3A_286 : vector<16x1xi32> to vector<16xi32>
        %parallel_loop3A_288 = tpu.dynamic_gather %parallel_loop3A_275[%parallel_loop3A_287] in [0] : vector<16xf32>, vector<16xi32> -> vector<16xf32>
        %parallel_loop3A_289 = arith.index_cast %parallel_loop3A_261 : i32 to index
        %parallel_loop3A_290 = arith.constant 0 : index
        %parallel_loop3A_291 = tpu.vector_load %arg17[%parallel_loop3A_289, %parallel_loop3A_290] {strides = array<i32>} : memref<80x64xi32, #tpu.memory_space<vmem>>, vector<16xi32>,
        %parallel_loop3A_292 = arith.constant 16 : i32
        %parallel_loop3A_293 = vector.broadcast %parallel_loop3A_292 : i32 to vector<16xi32>
        %parallel_loop3A_294 = arith.shli %parallel_loop3A_291, %parallel_loop3A_293 : vector<16xi32>
        %parallel_loop3A_295 = vector.bitcast %parallel_loop3A_294 : vector<16xi32> to vector<16xf32>
        %parallel_loop3A_296 = vector.broadcast %scan3A_78 : i32 to vector<16xi32>
        %parallel_loop3A_297 = arith.andi %parallel_loop3A_291, %parallel_loop3A_296 : vector<16xi32>
        %parallel_loop3A_298 = vector.bitcast %parallel_loop3A_297 : vector<16xi32> to vector<16xf32>
        %parallel_loop3A_299 = arith.mulf %parallel_loop3A_295, %parallel_loop3A_288 : vector<16xf32>
        %parallel_loop3A_300 = arith.index_cast %parallel_loop3A_261 : i32 to index
        %parallel_loop3A_301 = arith.constant 0 : index
        %parallel_loop3A_302 = tpu.vector_load %arg21[%parallel_loop3A_300, %parallel_loop3A_301] {strides = array<i32>} : memref<80x128xf32, #tpu.memory_space<vmem>>, vector<16xf32>,
        tpu.vector_store %arg21[%parallel_loop3A_300, %parallel_loop3A_301], %parallel_loop3A_299 {strides = array<i32>} : memref<80x128xf32, #tpu.memory_space<vmem>>, vector<16xf32>,
        %parallel_loop3A_303 = arith.mulf %parallel_loop3A_298, %parallel_loop3A_288 : vector<16xf32>
        %parallel_loop3A_304 = arith.index_cast %parallel_loop3A_261 : i32 to index
        %parallel_loop3A_305 = arith.constant 16 : index
        %parallel_loop3A_306 = tpu.vector_load %arg21[%parallel_loop3A_304, %parallel_loop3A_305] {strides = array<i32>} : memref<80x128xf32, #tpu.memory_space<vmem>>, vector<16xf32>,
        tpu.vector_store %arg21[%parallel_loop3A_304, %parallel_loop3A_305], %parallel_loop3A_303 {strides = array<i32>} : memref<80x128xf32, #tpu.memory_space<vmem>>, vector<16xf32>,
        %parallel_loop3A_307 = arith.constant 0 : i32
        %parallel_loop3A_308 = vector.broadcast %parallel_loop3A_307 : i32 to vector<16xi32>
        %parallel_loop3A_309 = arith.cmpi slt, %add3A_34, %parallel_loop3A_308 : vector<16xi32>
        %parallel_loop3A_310 = arith.constant 16 : i32
        %parallel_loop3A_311 = vector.broadcast %parallel_loop3A_310 : i32 to vector<16xi32>
        %parallel_loop3A_312 = arith.addi %add3A_34, %parallel_loop3A_311 : vector<16xi32>
        %parallel_loop3A_313 = arith.select %parallel_loop3A_309, %parallel_loop3A_312, %add3A_34 : vector<16xi1>, vector<16xi32>
        %parallel_loop3A_314 = vector.shape_cast %parallel_loop3A_313 : vector<16xi32> to vector<16x1xi32>
        %parallel_loop3A_315 = vector.shape_cast %parallel_loop3A_314 : vector<16x1xi32> to vector<16xi32>
        %parallel_loop3A_316 = tpu.dynamic_gather %parallel_loop3A_275[%parallel_loop3A_315] in [0] : vector<16xf32>, vector<16xi32> -> vector<16xf32>
        %parallel_loop3A_317 = arith.index_cast %parallel_loop3A_261 : i32 to index
        %parallel_loop3A_318 = arith.constant 16 : index
        %parallel_loop3A_319 = tpu.vector_load %arg17[%parallel_loop3A_317, %parallel_loop3A_318] {strides = array<i32>} : memref<80x64xi32, #tpu.memory_space<vmem>>, vector<16xi32>,
        %parallel_loop3A_320 = arith.constant 16 : i32
        %parallel_loop3A_321 = vector.broadcast %parallel_loop3A_320 : i32 to vector<16xi32>
        %parallel_loop3A_322 = arith.shli %parallel_loop3A_319, %parallel_loop3A_321 : vector<16xi32>
        %parallel_loop3A_323 = vector.bitcast %parallel_loop3A_322 : vector<16xi32> to vector<16xf32>
        %parallel_loop3A_324 = vector.broadcast %scan3A_78 : i32 to vector<16xi32>
        %parallel_loop3A_325 = arith.andi %parallel_loop3A_319, %parallel_loop3A_324 : vector<16xi32>
        %parallel_loop3A_326 = vector.bitcast %parallel_loop3A_325 : vector<16xi32> to vector<16xf32>
        %parallel_loop3A_327 = arith.mulf %parallel_loop3A_323, %parallel_loop3A_316 : vector<16xf32>
        %parallel_loop3A_328 = arith.index_cast %parallel_loop3A_261 : i32 to index
        %parallel_loop3A_329 = arith.constant 32 : index
        %parallel_loop3A_330 = tpu.vector_load %arg21[%parallel_loop3A_328, %parallel_loop3A_329] {strides = array<i32>} : memref<80x128xf32, #tpu.memory_space<vmem>>, vector<16xf32>,
        tpu.vector_store %arg21[%parallel_loop3A_328, %parallel_loop3A_329], %parallel_loop3A_327 {strides = array<i32>} : memref<80x128xf32, #tpu.memory_space<vmem>>, vector<16xf32>,
        %parallel_loop3A_331 = arith.mulf %parallel_loop3A_326, %parallel_loop3A_316 : vector<16xf32>
        %parallel_loop3A_332 = arith.index_cast %parallel_loop3A_261 : i32 to index
        %parallel_loop3A_333 = arith.constant 48 : index
        %parallel_loop3A_334 = tpu.vector_load %arg21[%parallel_loop3A_332, %parallel_loop3A_333] {strides = array<i32>} : memref<80x128xf32, #tpu.memory_space<vmem>>, vector<16xf32>,
        tpu.vector_store %arg21[%parallel_loop3A_332, %parallel_loop3A_333], %parallel_loop3A_331 {strides = array<i32>} : memref<80x128xf32, #tpu.memory_space<vmem>>, vector<16xf32>,
        %parallel_loop3A_335 = arith.constant 0 : i32
        %parallel_loop3A_336 = vector.broadcast %parallel_loop3A_335 : i32 to vector<16xi32>
        %parallel_loop3A_337 = arith.cmpi slt, %add3A_40, %parallel_loop3A_336 : vector<16xi32>
        %parallel_loop3A_338 = arith.constant 16 : i32
        %parallel_loop3A_339 = vector.broadcast %parallel_loop3A_338 : i32 to vector<16xi32>
        %parallel_loop3A_340 = arith.addi %add3A_40, %parallel_loop3A_339 : vector<16xi32>
        %parallel_loop3A_341 = arith.select %parallel_loop3A_337, %parallel_loop3A_340, %add3A_40 : vector<16xi1>, vector<16xi32>
        %parallel_loop3A_342 = vector.shape_cast %parallel_loop3A_341 : vector<16xi32> to vector<16x1xi32>
        %parallel_loop3A_343 = vector.shape_cast %parallel_loop3A_342 : vector<16x1xi32> to vector<16xi32>
        %parallel_loop3A_344 = tpu.dynamic_gather %parallel_loop3A_275[%parallel_loop3A_343] in [0] : vector<16xf32>, vector<16xi32> -> vector<16xf32>
        %parallel_loop3A_345 = arith.index_cast %parallel_loop3A_261 : i32 to index
        %parallel_loop3A_346 = arith.constant 32 : index
        %parallel_loop3A_347 = tpu.vector_load %arg17[%parallel_loop3A_345, %parallel_loop3A_346] {strides = array<i32>} : memref<80x64xi32, #tpu.memory_space<vmem>>, vector<16xi32>,
        %parallel_loop3A_348 = arith.constant 16 : i32
        %parallel_loop3A_349 = vector.broadcast %parallel_loop3A_348 : i32 to vector<16xi32>
        %parallel_loop3A_350 = arith.shli %parallel_loop3A_347, %parallel_loop3A_349 : vector<16xi32>
        %parallel_loop3A_351 = vector.bitcast %parallel_loop3A_350 : vector<16xi32> to vector<16xf32>
        %parallel_loop3A_352 = vector.broadcast %scan3A_78 : i32 to vector<16xi32>
        %parallel_loop3A_353 = arith.andi %parallel_loop3A_347, %parallel_loop3A_352 : vector<16xi32>
        %parallel_loop3A_354 = vector.bitcast %parallel_loop3A_353 : vector<16xi32> to vector<16xf32>
        %parallel_loop3A_355 = arith.mulf %parallel_loop3A_351, %parallel_loop3A_344 : vector<16xf32>
        %parallel_loop3A_356 = arith.index_cast %parallel_loop3A_261 : i32 to index
        %parallel_loop3A_357 = arith.constant 64 : index
        %parallel_loop3A_358 = tpu.vector_load %arg21[%parallel_loop3A_356, %parallel_loop3A_357] {strides = array<i32>} : memref<80x128xf32, #tpu.memory_space<vmem>>, vector<16xf32>,
        tpu.vector_store %arg21[%parallel_loop3A_356, %parallel_loop3A_357], %parallel_loop3A_355 {strides = array<i32>} : memref<80x128xf32, #tpu.memory_space<vmem>>, vector<16xf32>,
        %parallel_loop3A_359 = arith.mulf %parallel_loop3A_354, %parallel_loop3A_344 : vector<16xf32>
        %parallel_loop3A_360 = arith.index_cast %parallel_loop3A_261 : i32 to index
        %parallel_loop3A_361 = arith.constant 80 : index
        %parallel_loop3A_362 = tpu.vector_load %arg21[%parallel_loop3A_360, %parallel_loop3A_361] {strides = array<i32>} : memref<80x128xf32, #tpu.memory_space<vmem>>, vector<16xf32>,
        tpu.vector_store %arg21[%parallel_loop3A_360, %parallel_loop3A_361], %parallel_loop3A_359 {strides = array<i32>} : memref<80x128xf32, #tpu.memory_space<vmem>>, vector<16xf32>,
        %parallel_loop3A_363 = arith.constant 0 : i32
        %parallel_loop3A_364 = vector.broadcast %parallel_loop3A_363 : i32 to vector<16xi32>
        %parallel_loop3A_365 = arith.cmpi slt, %add3A_46, %parallel_loop3A_364 : vector<16xi32>
        %parallel_loop3A_366 = arith.constant 16 : i32
        %parallel_loop3A_367 = vector.broadcast %parallel_loop3A_366 : i32 to vector<16xi32>
        %parallel_loop3A_368 = arith.addi %add3A_46, %parallel_loop3A_367 : vector<16xi32>
        %parallel_loop3A_369 = arith.select %parallel_loop3A_365, %parallel_loop3A_368, %add3A_46 : vector<16xi1>, vector<16xi32>
        %parallel_loop3A_370 = vector.shape_cast %parallel_loop3A_369 : vector<16xi32> to vector<16x1xi32>
        %parallel_loop3A_371 = vector.shape_cast %parallel_loop3A_370 : vector<16x1xi32> to vector<16xi32>
        %parallel_loop3A_372 = tpu.dynamic_gather %parallel_loop3A_275[%parallel_loop3A_371] in [0] : vector<16xf32>, vector<16xi32> -> vector<16xf32>
        %parallel_loop3A_373 = arith.index_cast %parallel_loop3A_261 : i32 to index
        %parallel_loop3A_374 = arith.constant 48 : index
        %parallel_loop3A_375 = tpu.vector_load %arg17[%parallel_loop3A_373, %parallel_loop3A_374] {strides = array<i32>} : memref<80x64xi32, #tpu.memory_space<vmem>>, vector<16xi32>,
        %parallel_loop3A_376 = arith.constant 16 : i32
        %parallel_loop3A_377 = vector.broadcast %parallel_loop3A_376 : i32 to vector<16xi32>
        %parallel_loop3A_378 = arith.shli %parallel_loop3A_375, %parallel_loop3A_377 : vector<16xi32>
        %parallel_loop3A_379 = vector.bitcast %parallel_loop3A_378 : vector<16xi32> to vector<16xf32>
        %parallel_loop3A_380 = vector.broadcast %scan3A_78 : i32 to vector<16xi32>
        %parallel_loop3A_381 = arith.andi %parallel_loop3A_375, %parallel_loop3A_380 : vector<16xi32>
        %parallel_loop3A_382 = vector.bitcast %parallel_loop3A_381 : vector<16xi32> to vector<16xf32>
        %parallel_loop3A_383 = arith.mulf %parallel_loop3A_379, %parallel_loop3A_372 : vector<16xf32>
        %parallel_loop3A_384 = arith.index_cast %parallel_loop3A_261 : i32 to index
        %parallel_loop3A_385 = arith.constant 96 : index
        %parallel_loop3A_386 = tpu.vector_load %arg21[%parallel_loop3A_384, %parallel_loop3A_385] {strides = array<i32>} : memref<80x128xf32, #tpu.memory_space<vmem>>, vector<16xf32>,
        tpu.vector_store %arg21[%parallel_loop3A_384, %parallel_loop3A_385], %parallel_loop3A_383 {strides = array<i32>} : memref<80x128xf32, #tpu.memory_space<vmem>>, vector<16xf32>,
        %parallel_loop3A_387 = arith.mulf %parallel_loop3A_382, %parallel_loop3A_372 : vector<16xf32>
        %parallel_loop3A_388 = arith.index_cast %parallel_loop3A_261 : i32 to index
        %parallel_loop3A_389 = arith.constant 112 : index
        %parallel_loop3A_390 = tpu.vector_load %arg21[%parallel_loop3A_388, %parallel_loop3A_389] {strides = array<i32>} : memref<80x128xf32, #tpu.memory_space<vmem>>, vector<16xf32>,
        tpu.vector_store %arg21[%parallel_loop3A_388, %parallel_loop3A_389], %parallel_loop3A_387 {strides = array<i32>} : memref<80x128xf32, #tpu.memory_space<vmem>>, vector<16xf32>,
      } {sc.loop_unroll_factor = 4 : i64, sc.parallel_access}
      "tpu.region"() ({
        %run_scoped3A = tpu.sem_alloc : memref<!tpu.dma_semaphore, #tpu.memory_space<semaphore_mem>>
        %dma_start3A_261 = arith.constant 0 : i32
        %dma_start3A_262 = arith.constant 0 : i32
        %dma_start3A_263 = tpu.memref_slice %arg25[%dma_start3A_261, %dma_start3A_262] : memref<10240x8xf32, #tpu.memory_space<vmem_shared>> -> memref<10240x8xf32, #tpu.memory_space<vmem_shared>>
        tpu.enqueue_indirect_dma source(%arg22 : memref<80x8xf32, #tpu.memory_space<vmem>>) target(%dma_start3A_263 : memref<10240x8xf32, #tpu.memory_space<vmem_shared>>) offsets(%arg14 : memref<80xi32, #tpu.memory_space<vmem>>) semaphore(%run_scoped3A : memref<!tpu.dma_semaphore, #tpu.memory_space<semaphore_mem>>) {add = true}
        %dma_wait3A_264 = arith.constant 0 : i32
        %dma_wait3A_265 = arith.constant 0 : i32
        %dma_wait3A_266 = tpu.memref_slice %arg25[%dma_wait3A_264, %dma_wait3A_265] : memref<10240x8xf32, #tpu.memory_space<vmem_shared>> -> memref<10240x8xf32, #tpu.memory_space<vmem_shared>>
        tpu.wait_indirect_dma semaphore(%run_scoped3A : memref<!tpu.dma_semaphore, #tpu.memory_space<semaphore_mem>>) src(%arg22 : memref<80x8xf32, #tpu.memory_space<vmem>>) dst(%dma_wait3A_266 : memref<10240x8xf32, #tpu.memory_space<vmem_shared>>)
        tpu.yield
      }) : () -> ()
      "tpu.region"() ({
        %run_scoped3A = tpu.sem_alloc : memref<!tpu.dma_semaphore, #tpu.memory_space<semaphore_mem>>
        %dma_start3A_261 = arith.constant 0 : i32
        %dma_start3A_262 = arith.constant 0 : i32
        %dma_start3A_263 = tpu.memref_slice %arg24[%dma_start3A_261, %dma_start3A_262] : memref<10240x128xf32, #tpu.memory_space<vmem_shared>> -> memref<10240x128xf32, #tpu.memory_space<vmem_shared>>
        tpu.enqueue_indirect_dma source(%arg21 : memref<80x128xf32, #tpu.memory_space<vmem>>) target(%dma_start3A_263 : memref<10240x128xf32, #tpu.memory_space<vmem_shared>>) offsets(%arg14 : memref<80xi32, #tpu.memory_space<vmem>>) semaphore(%run_scoped3A : memref<!tpu.dma_semaphore, #tpu.memory_space<semaphore_mem>>) {add = true}
        %dma_wait3A_264 = arith.constant 0 : i32
        %dma_wait3A_265 = arith.constant 0 : i32
        %dma_wait3A_266 = tpu.memref_slice %arg24[%dma_wait3A_264, %dma_wait3A_265] : memref<10240x128xf32, #tpu.memory_space<vmem_shared>> -> memref<10240x128xf32, #tpu.memory_space<vmem_shared>>
        tpu.wait_indirect_dma semaphore(%run_scoped3A : memref<!tpu.dma_semaphore, #tpu.memory_space<semaphore_mem>>) src(%arg21 : memref<80x128xf32, #tpu.memory_space<vmem>>) dst(%dma_wait3A_266 : memref<10240x128xf32, #tpu.memory_space<vmem_shared>>)
        tpu.yield
      }) : () -> ()
      %dma_wait3A_189 = arith.constant 0 : i32
      %dma_wait3A_190 = arith.constant 0 : i32
      %dma_wait3A_191 = tpu.memref_slice %arg2[%dma_wait3A_189, %dma_wait3A_190] : memref<10000x16xf32, #tpu.memory_space<hbm>> -> memref<80x16xf32, #tpu.memory_space<hbm>>
      %dma_wait3A_192 = arith.constant 0 : i32
      %dma_wait3A_193 = arith.constant 0 : i32
      %dma_wait3A_194 = tpu.memref_slice %arg2[%dma_wait3A_192, %dma_wait3A_193] : memref<10000x16xf32, #tpu.memory_space<hbm>> -> memref<80x16xf32, #tpu.memory_space<hbm>>
      tpu.wait_dma2 semaphore(%arg27 : memref<!tpu.dma_semaphore, #tpu.memory_space<semaphore_mem>>) src(%dma_wait3A_194 : memref<80x16xf32, #tpu.memory_space<hbm>>) dst(%arg18 : memref<80x16xf32, #tpu.memory_space<vmem>>)
      %dma_wait3A_195 = arith.constant 0 : i32
      %dma_wait3A_196 = arith.constant 0 : i32
      %dma_wait3A_197 = tpu.memref_slice %arg3[%dma_wait3A_195, %dma_wait3A_196] : memref<10000x16xf32, #tpu.memory_space<hbm>> -> memref<80x16xf32, #tpu.memory_space<hbm>>
      %dma_wait3A_198 = arith.constant 0 : i32
      %dma_wait3A_199 = arith.constant 0 : i32
      %dma_wait3A_200 = tpu.memref_slice %arg3[%dma_wait3A_198, %dma_wait3A_199] : memref<10000x16xf32, #tpu.memory_space<hbm>> -> memref<80x16xf32, #tpu.memory_space<hbm>>
      tpu.wait_dma2 semaphore(%arg27 : memref<!tpu.dma_semaphore, #tpu.memory_space<semaphore_mem>>) src(%dma_wait3A_200 : memref<80x16xf32, #tpu.memory_space<hbm>>) dst(%arg19 : memref<80x16xf32, #tpu.memory_space<vmem>>)
      %dma_wait3A_201 = arith.constant 0 : i32
      %dma_wait3A_202 = arith.constant 0 : i32
      %dma_wait3A_203 = tpu.memref_slice %arg4[%dma_wait3A_201, %dma_wait3A_202] : memref<10000x64xi32, #tpu.memory_space<hbm>> -> memref<80x64xi32, #tpu.memory_space<hbm>>
      %dma_wait3A_204 = arith.constant 0 : i32
      %dma_wait3A_205 = arith.constant 0 : i32
      %dma_wait3A_206 = tpu.memref_slice %arg4[%dma_wait3A_204, %dma_wait3A_205] : memref<10000x64xi32, #tpu.memory_space<hbm>> -> memref<80x64xi32, #tpu.memory_space<hbm>>
      tpu.wait_dma2 semaphore(%arg27 : memref<!tpu.dma_semaphore, #tpu.memory_space<semaphore_mem>>) src(%dma_wait3A_206 : memref<80x64xi32, #tpu.memory_space<hbm>>) dst(%arg20 : memref<80x64xi32, #tpu.memory_space<vmem>>)
      %get3A_207 = arith.constant 0 : index
      %get3A_208 = tpu.vector_load %arg13[%get3A_207] {strides = array<i32>} : memref<80xi32, #tpu.memory_space<vmem>>, vector<16xi32>,
      %swap3A_209 = arith.constant 0 : index
      %swap3A_210 = tpu.vector_load %arg14[%swap3A_209] {strides = array<i32>} : memref<80xi32, #tpu.memory_space<vmem>>, vector<16xi32>,
      tpu.vector_store %arg14[%swap3A_209], %get3A_208 {strides = array<i32>} : memref<80xi32, #tpu.memory_space<vmem>>, vector<16xi32>,
      %get3A_211 = arith.constant 16 : index
      %get3A_212 = tpu.vector_load %arg13[%get3A_211] {strides = array<i32>} : memref<80xi32, #tpu.memory_space<vmem>>, vector<16xi32>,
      %swap3A_213 = arith.constant 16 : index
      %swap3A_214 = tpu.vector_load %arg14[%swap3A_213] {strides = array<i32>} : memref<80xi32, #tpu.memory_space<vmem>>, vector<16xi32>,
      tpu.vector_store %arg14[%swap3A_213], %get3A_212 {strides = array<i32>} : memref<80xi32, #tpu.memory_space<vmem>>, vector<16xi32>,
      %get3A_215 = arith.constant 32 : index
      %get3A_216 = tpu.vector_load %arg13[%get3A_215] {strides = array<i32>} : memref<80xi32, #tpu.memory_space<vmem>>, vector<16xi32>,
      %swap3A_217 = arith.constant 32 : index
      %swap3A_218 = tpu.vector_load %arg14[%swap3A_217] {strides = array<i32>} : memref<80xi32, #tpu.memory_space<vmem>>, vector<16xi32>,
      tpu.vector_store %arg14[%swap3A_217], %get3A_216 {strides = array<i32>} : memref<80xi32, #tpu.memory_space<vmem>>, vector<16xi32>,
      %get3A_219 = arith.constant 48 : index
      %get3A_220 = tpu.vector_load %arg13[%get3A_219] {strides = array<i32>} : memref<80xi32, #tpu.memory_space<vmem>>, vector<16xi32>,
      %swap3A_221 = arith.constant 48 : index
      %swap3A_222 = tpu.vector_load %arg14[%swap3A_221] {strides = array<i32>} : memref<80xi32, #tpu.memory_space<vmem>>, vector<16xi32>,
      tpu.vector_store %arg14[%swap3A_221], %get3A_220 {strides = array<i32>} : memref<80xi32, #tpu.memory_space<vmem>>, vector<16xi32>,
      %get3A_223 = arith.constant 64 : index
      %get3A_224 = tpu.vector_load %arg13[%get3A_223] {strides = array<i32>} : memref<80xi32, #tpu.memory_space<vmem>>, vector<16xi32>,
      %swap3A_225 = arith.constant 64 : index
      %swap3A_226 = tpu.vector_load %arg14[%swap3A_225] {strides = array<i32>} : memref<80xi32, #tpu.memory_space<vmem>>, vector<16xi32>,
      tpu.vector_store %arg14[%swap3A_225], %get3A_224 {strides = array<i32>} : memref<80xi32, #tpu.memory_space<vmem>>, vector<16xi32>,
      %dma_wait3A_227 = arith.constant 0 : i32
      %dma_wait3A_228 = tpu.memref_slice %arg5[%dma_wait3A_227] : memref<320000xi32, #tpu.memory_space<hbm>> -> memref<80xi32, #tpu.memory_space<hbm>>
      %dma_wait3A_229 = arith.constant 0 : i32
      %dma_wait3A_230 = tpu.memref_slice %arg5[%dma_wait3A_229] : memref<320000xi32, #tpu.memory_space<hbm>> -> memref<80xi32, #tpu.memory_space<hbm>>
      tpu.wait_dma2 semaphore(%arg28 : memref<!tpu.dma_semaphore, #tpu.memory_space<semaphore_mem>>) src(%dma_wait3A_230 : memref<80xi32, #tpu.memory_space<hbm>>) dst(%arg10 : memref<80xi32, #tpu.memory_space<vmem>>)
      %dma_wait3A_231 = arith.constant 0 : i32
      %dma_wait3A_232 = tpu.memref_slice %arg6[%dma_wait3A_231] : memref<320000xi32, #tpu.memory_space<hbm>> -> memref<80xi32, #tpu.memory_space<hbm>>
      %dma_wait3A_233 = arith.constant 0 : i32
      %dma_wait3A_234 = tpu.memref_slice %arg6[%dma_wait3A_233] : memref<320000xi32, #tpu.memory_space<hbm>> -> memref<80xi32, #tpu.memory_space<hbm>>
      tpu.wait_dma2 semaphore(%arg28 : memref<!tpu.dma_semaphore, #tpu.memory_space<semaphore_mem>>) src(%dma_wait3A_234 : memref<80xi32, #tpu.memory_space<hbm>>) dst(%arg11 : memref<80xi32, #tpu.memory_space<vmem>>)
      %dma_start3A_235 = arith.constant 0 : i32
      %dma_start3A_236 = arith.constant 0 : i32
      %dma_start3A_237 = tpu.memref_slice %arg2[%dma_start3A_235, %dma_start3A_236] : memref<10000x16xf32, #tpu.memory_space<hbm>> -> memref<10000x16xf32, #tpu.memory_space<hbm>>
      tpu.enqueue_indirect_dma source(%dma_start3A_237 : memref<10000x16xf32, #tpu.memory_space<hbm>>) target(%arg15 : memref<80x16xf32, #tpu.memory_space<vmem>>) offsets(%arg10 : memref<80xi32, #tpu.memory_space<vmem>>) semaphore(%arg26 : memref<!tpu.dma_semaphore, #tpu.memory_space<semaphore_mem>>)
      %dma_start3A_238 = arith.constant 0 : i32
      %dma_start3A_239 = arith.constant 0 : i32
      %dma_start3A_240 = tpu.memref_slice %arg3[%dma_start3A_238, %dma_start3A_239] : memref<10000x16xf32, #tpu.memory_space<hbm>> -> memref<10000x16xf32, #tpu.memory_space<hbm>>
      tpu.enqueue_indirect_dma source(%dma_start3A_240 : memref<10000x16xf32, #tpu.memory_space<hbm>>) target(%arg16 : memref<80x16xf32, #tpu.memory_space<vmem>>) offsets(%arg11 : memref<80xi32, #tpu.memory_space<vmem>>) semaphore(%arg26 : memref<!tpu.dma_semaphore, #tpu.memory_space<semaphore_mem>>)
      %dma_start3A_241 = arith.constant 0 : i32
      %dma_start3A_242 = arith.constant 0 : i32
      %dma_start3A_243 = tpu.memref_slice %arg4[%dma_start3A_241, %dma_start3A_242] : memref<10000x64xi32, #tpu.memory_space<hbm>> -> memref<10000x64xi32, #tpu.memory_space<hbm>>
      tpu.enqueue_indirect_dma source(%dma_start3A_243 : memref<10000x64xi32, #tpu.memory_space<hbm>>) target(%arg17 : memref<80x64xi32, #tpu.memory_space<vmem>>) offsets(%arg10 : memref<80xi32, #tpu.memory_space<vmem>>) semaphore(%arg26 : memref<!tpu.dma_semaphore, #tpu.memory_space<semaphore_mem>>)
      %mul3A_244 = arith.constant 2 : i32
      %mul3A_245 = arith.muli %mul3A_244, %add3A_118 : i32
      %add3A_246 = arith.constant 3 : i32
      %add3A_247 = arith.addi %mul3A_245, %add3A_246 : i32
      %min3A = arith.constant 124 : i32
      %min3A_248 = arith.minsi %add3A_247, %min3A : i32
      %mul3A_249 = arith.constant 10000 : i32
      %mul3A_250 = arith.muli %add3A, %mul3A_249 : i32
      %mul3A_251 = arith.constant 80 : i32
      %mul3A_252 = arith.muli %min3A_248, %mul3A_251 : i32
      %add3A_253 = arith.addi %mul3A_250, %mul3A_252 : i32
      %dma_start3A_254 = tpu.memref_slice %arg5[%add3A_253] : memref<320000xi32, #tpu.memory_space<hbm>> -> memref<80xi32, #tpu.memory_space<hbm>>
      %dma_start3A_255 = tpu.memref_slice %arg5[%add3A_253] : memref<320000xi32, #tpu.memory_space<hbm>> -> memref<80xi32, #tpu.memory_space<hbm>>
      tpu.enqueue_dma source(%dma_start3A_255 : memref<80xi32, #tpu.memory_space<hbm>>) target(%arg12 : memref<80xi32, #tpu.memory_space<vmem>>) target_semaphore(%arg29 : memref<!tpu.dma_semaphore, #tpu.memory_space<semaphore_mem>>)
      %dma_start3A_256 = tpu.memref_slice %arg6[%add3A_253] : memref<320000xi32, #tpu.memory_space<hbm>> -> memref<80xi32, #tpu.memory_space<hbm>>
      %dma_start3A_257 = tpu.memref_slice %arg6[%add3A_253] : memref<320000xi32, #tpu.memory_space<hbm>> -> memref<80xi32, #tpu.memory_space<hbm>>
      tpu.enqueue_dma source(%dma_start3A_257 : memref<80xi32, #tpu.memory_space<hbm>>) target(%arg13 : memref<80xi32, #tpu.memory_space<vmem>>) target_semaphore(%arg29 : memref<!tpu.dma_semaphore, #tpu.memory_space<semaphore_mem>>)
      %parallel_loop3A_258 = arith.constant 0 : i32
      %parallel_loop3A_259 = arith.constant 80 : i32
      %parallel_loop3A_260 = arith.constant 1 : i32
      scf.for %parallel_loop3A_261 = %parallel_loop3A_258 to %parallel_loop3A_259 step %parallel_loop3A_260  : i32 {
        %parallel_loop3A_262 = vector.broadcast %parallel_loop3A_261 : i32 to vector<16xi32>
        %parallel_loop3A_263 = arith.index_cast %parallel_loop3A_261 : i32 to index
        %parallel_loop3A_264 = arith.constant 0 : index
        %parallel_loop3A_265 = tpu.vector_load %arg18[%parallel_loop3A_263, %parallel_loop3A_264] {strides = array<i32>} : memref<80x16xf32, #tpu.memory_space<vmem>>, vector<16xf32>,
        %parallel_loop3A_266 = arith.index_cast %parallel_loop3A_261 : i32 to index
        %parallel_loop3A_267 = arith.constant 0 : index
        %parallel_loop3A_268 = tpu.vector_load %arg19[%parallel_loop3A_266, %parallel_loop3A_267] {strides = array<i32>} : memref<80x16xf32, #tpu.memory_space<vmem>>, vector<16xf32>,
        %parallel_loop3A_269 = arith.addf %parallel_loop3A_265, %parallel_loop3A_268 : vector<16xf32>
        %parallel_loop3A_270 = arith.constant 2.000000e-01 : f32
        %parallel_loop3A_271 = vector.broadcast %parallel_loop3A_270 : f32 to vector<16xf32>
        %parallel_loop3A_272 = arith.mulf %parallel_loop3A_271, %parallel_loop3A_269 : vector<16xf32>
        %parallel_loop3A_273 = arith.maximumf %parallel_loop3A_269, %parallel_loop3A_272 : vector<16xf32>
        %parallel_loop3A_274 = arith.subf %parallel_loop3A_273, %get3A_21 : vector<16xf32>
        %parallel_loop3A_275 = math.exp %parallel_loop3A_274 : vector<16xf32>
        %parallel_loop3A_276 = arith.constant 7 : i32
        %parallel_loop3A_277 = vector.broadcast %parallel_loop3A_276 : i32 to vector<16xi32>
        %parallel_loop3A_278 = arith.andi %iota3A, %parallel_loop3A_277 : vector<16xi32>
        tpu.vector_store_idx %arg22[%parallel_loop3A_262, %parallel_loop3A_278], %parallel_loop3A_275 masked %lt3A_8 : memref<80x8xf32, #tpu.memory_space<vmem>>[vector<16xi32>, vector<16xi32>], vector<16xf32>, vector<16xi1>
        %parallel_loop3A_279 = arith.constant 0 : i32
        %parallel_loop3A_280 = vector.broadcast %parallel_loop3A_279 : i32 to vector<16xi32>
        %parallel_loop3A_281 = arith.cmpi slt, %add3A_28, %parallel_loop3A_280 : vector<16xi32>
        %parallel_loop3A_282 = arith.constant 16 : i32
        %parallel_loop3A_283 = vector.broadcast %parallel_loop3A_282 : i32 to vector<16xi32>
        %parallel_loop3A_284 = arith.addi %add3A_28, %parallel_loop3A_283 : vector<16xi32>
        %parallel_loop3A_285 = arith.select %parallel_loop3A_281, %parallel_loop3A_284, %add3A_28 : vector<16xi1>, vector<16xi32>
        %parallel_loop3A_286 = vector.shape_cast %parallel_loop3A_285 : vector<16xi32> to vector<16x1xi32>
        %parallel_loop3A_287 = vector.shape_cast %parallel_loop3A_286 : vector<16x1xi32> to vector<16xi32>
        %parallel_loop3A_288 = tpu.dynamic_gather %parallel_loop3A_275[%parallel_loop3A_287] in [0] : vector<16xf32>, vector<16xi32> -> vector<16xf32>
        %parallel_loop3A_289 = arith.index_cast %parallel_loop3A_261 : i32 to index
        %parallel_loop3A_290 = arith.constant 0 : index
        %parallel_loop3A_291 = tpu.vector_load %arg20[%parallel_loop3A_289, %parallel_loop3A_290] {strides = array<i32>} : memref<80x64xi32, #tpu.memory_space<vmem>>, vector<16xi32>,
        %parallel_loop3A_292 = arith.constant 16 : i32
        %parallel_loop3A_293 = vector.broadcast %parallel_loop3A_292 : i32 to vector<16xi32>
        %parallel_loop3A_294 = arith.shli %parallel_loop3A_291, %parallel_loop3A_293 : vector<16xi32>
        %parallel_loop3A_295 = vector.bitcast %parallel_loop3A_294 : vector<16xi32> to vector<16xf32>
        %parallel_loop3A_296 = vector.broadcast %scan3A_78 : i32 to vector<16xi32>
        %parallel_loop3A_297 = arith.andi %parallel_loop3A_291, %parallel_loop3A_296 : vector<16xi32>
        %parallel_loop3A_298 = vector.bitcast %parallel_loop3A_297 : vector<16xi32> to vector<16xf32>
        %parallel_loop3A_299 = arith.mulf %parallel_loop3A_295, %parallel_loop3A_288 : vector<16xf32>
        %parallel_loop3A_300 = arith.index_cast %parallel_loop3A_261 : i32 to index
        %parallel_loop3A_301 = arith.constant 0 : index
        %parallel_loop3A_302 = tpu.vector_load %arg21[%parallel_loop3A_300, %parallel_loop3A_301] {strides = array<i32>} : memref<80x128xf32, #tpu.memory_space<vmem>>, vector<16xf32>,
        tpu.vector_store %arg21[%parallel_loop3A_300, %parallel_loop3A_301], %parallel_loop3A_299 {strides = array<i32>} : memref<80x128xf32, #tpu.memory_space<vmem>>, vector<16xf32>,
        %parallel_loop3A_303 = arith.mulf %parallel_loop3A_298, %parallel_loop3A_288 : vector<16xf32>
        %parallel_loop3A_304 = arith.index_cast %parallel_loop3A_261 : i32 to index
        %parallel_loop3A_305 = arith.constant 16 : index
        %parallel_loop3A_306 = tpu.vector_load %arg21[%parallel_loop3A_304, %parallel_loop3A_305] {strides = array<i32>} : memref<80x128xf32, #tpu.memory_space<vmem>>, vector<16xf32>,
        tpu.vector_store %arg21[%parallel_loop3A_304, %parallel_loop3A_305], %parallel_loop3A_303 {strides = array<i32>} : memref<80x128xf32, #tpu.memory_space<vmem>>, vector<16xf32>,
        %parallel_loop3A_307 = arith.constant 0 : i32
        %parallel_loop3A_308 = vector.broadcast %parallel_loop3A_307 : i32 to vector<16xi32>
        %parallel_loop3A_309 = arith.cmpi slt, %add3A_34, %parallel_loop3A_308 : vector<16xi32>
        %parallel_loop3A_310 = arith.constant 16 : i32
        %parallel_loop3A_311 = vector.broadcast %parallel_loop3A_310 : i32 to vector<16xi32>
        %parallel_loop3A_312 = arith.addi %add3A_34, %parallel_loop3A_311 : vector<16xi32>
        %parallel_loop3A_313 = arith.select %parallel_loop3A_309, %parallel_loop3A_312, %add3A_34 : vector<16xi1>, vector<16xi32>
        %parallel_loop3A_314 = vector.shape_cast %parallel_loop3A_313 : vector<16xi32> to vector<16x1xi32>
        %parallel_loop3A_315 = vector.shape_cast %parallel_loop3A_314 : vector<16x1xi32> to vector<16xi32>
        %parallel_loop3A_316 = tpu.dynamic_gather %parallel_loop3A_275[%parallel_loop3A_315] in [0] : vector<16xf32>, vector<16xi32> -> vector<16xf32>
        %parallel_loop3A_317 = arith.index_cast %parallel_loop3A_261 : i32 to index
        %parallel_loop3A_318 = arith.constant 16 : index
        %parallel_loop3A_319 = tpu.vector_load %arg20[%parallel_loop3A_317, %parallel_loop3A_318] {strides = array<i32>} : memref<80x64xi32, #tpu.memory_space<vmem>>, vector<16xi32>,
        %parallel_loop3A_320 = arith.constant 16 : i32
        %parallel_loop3A_321 = vector.broadcast %parallel_loop3A_320 : i32 to vector<16xi32>
        %parallel_loop3A_322 = arith.shli %parallel_loop3A_319, %parallel_loop3A_321 : vector<16xi32>
        %parallel_loop3A_323 = vector.bitcast %parallel_loop3A_322 : vector<16xi32> to vector<16xf32>
        %parallel_loop3A_324 = vector.broadcast %scan3A_78 : i32 to vector<16xi32>
        %parallel_loop3A_325 = arith.andi %parallel_loop3A_319, %parallel_loop3A_324 : vector<16xi32>
        %parallel_loop3A_326 = vector.bitcast %parallel_loop3A_325 : vector<16xi32> to vector<16xf32>
        %parallel_loop3A_327 = arith.mulf %parallel_loop3A_323, %parallel_loop3A_316 : vector<16xf32>
        %parallel_loop3A_328 = arith.index_cast %parallel_loop3A_261 : i32 to index
        %parallel_loop3A_329 = arith.constant 32 : index
        %parallel_loop3A_330 = tpu.vector_load %arg21[%parallel_loop3A_328, %parallel_loop3A_329] {strides = array<i32>} : memref<80x128xf32, #tpu.memory_space<vmem>>, vector<16xf32>,
        tpu.vector_store %arg21[%parallel_loop3A_328, %parallel_loop3A_329], %parallel_loop3A_327 {strides = array<i32>} : memref<80x128xf32, #tpu.memory_space<vmem>>, vector<16xf32>,
        %parallel_loop3A_331 = arith.mulf %parallel_loop3A_326, %parallel_loop3A_316 : vector<16xf32>
        %parallel_loop3A_332 = arith.index_cast %parallel_loop3A_261 : i32 to index
        %parallel_loop3A_333 = arith.constant 48 : index
        %parallel_loop3A_334 = tpu.vector_load %arg21[%parallel_loop3A_332, %parallel_loop3A_333] {strides = array<i32>} : memref<80x128xf32, #tpu.memory_space<vmem>>, vector<16xf32>,
        tpu.vector_store %arg21[%parallel_loop3A_332, %parallel_loop3A_333], %parallel_loop3A_331 {strides = array<i32>} : memref<80x128xf32, #tpu.memory_space<vmem>>, vector<16xf32>,
        %parallel_loop3A_335 = arith.constant 0 : i32
        %parallel_loop3A_336 = vector.broadcast %parallel_loop3A_335 : i32 to vector<16xi32>
        %parallel_loop3A_337 = arith.cmpi slt, %add3A_40, %parallel_loop3A_336 : vector<16xi32>
        %parallel_loop3A_338 = arith.constant 16 : i32
        %parallel_loop3A_339 = vector.broadcast %parallel_loop3A_338 : i32 to vector<16xi32>
        %parallel_loop3A_340 = arith.addi %add3A_40, %parallel_loop3A_339 : vector<16xi32>
        %parallel_loop3A_341 = arith.select %parallel_loop3A_337, %parallel_loop3A_340, %add3A_40 : vector<16xi1>, vector<16xi32>
        %parallel_loop3A_342 = vector.shape_cast %parallel_loop3A_341 : vector<16xi32> to vector<16x1xi32>
        %parallel_loop3A_343 = vector.shape_cast %parallel_loop3A_342 : vector<16x1xi32> to vector<16xi32>
        %parallel_loop3A_344 = tpu.dynamic_gather %parallel_loop3A_275[%parallel_loop3A_343] in [0] : vector<16xf32>, vector<16xi32> -> vector<16xf32>
        %parallel_loop3A_345 = arith.index_cast %parallel_loop3A_261 : i32 to index
        %parallel_loop3A_346 = arith.constant 32 : index
        %parallel_loop3A_347 = tpu.vector_load %arg20[%parallel_loop3A_345, %parallel_loop3A_346] {strides = array<i32>} : memref<80x64xi32, #tpu.memory_space<vmem>>, vector<16xi32>,
        %parallel_loop3A_348 = arith.constant 16 : i32
        %parallel_loop3A_349 = vector.broadcast %parallel_loop3A_348 : i32 to vector<16xi32>
        %parallel_loop3A_350 = arith.shli %parallel_loop3A_347, %parallel_loop3A_349 : vector<16xi32>
        %parallel_loop3A_351 = vector.bitcast %parallel_loop3A_350 : vector<16xi32> to vector<16xf32>
        %parallel_loop3A_352 = vector.broadcast %scan3A_78 : i32 to vector<16xi32>
        %parallel_loop3A_353 = arith.andi %parallel_loop3A_347, %parallel_loop3A_352 : vector<16xi32>
        %parallel_loop3A_354 = vector.bitcast %parallel_loop3A_353 : vector<16xi32> to vector<16xf32>
        %parallel_loop3A_355 = arith.mulf %parallel_loop3A_351, %parallel_loop3A_344 : vector<16xf32>
        %parallel_loop3A_356 = arith.index_cast %parallel_loop3A_261 : i32 to index
        %parallel_loop3A_357 = arith.constant 64 : index
        %parallel_loop3A_358 = tpu.vector_load %arg21[%parallel_loop3A_356, %parallel_loop3A_357] {strides = array<i32>} : memref<80x128xf32, #tpu.memory_space<vmem>>, vector<16xf32>,
        tpu.vector_store %arg21[%parallel_loop3A_356, %parallel_loop3A_357], %parallel_loop3A_355 {strides = array<i32>} : memref<80x128xf32, #tpu.memory_space<vmem>>, vector<16xf32>,
        %parallel_loop3A_359 = arith.mulf %parallel_loop3A_354, %parallel_loop3A_344 : vector<16xf32>
        %parallel_loop3A_360 = arith.index_cast %parallel_loop3A_261 : i32 to index
        %parallel_loop3A_361 = arith.constant 80 : index
        %parallel_loop3A_362 = tpu.vector_load %arg21[%parallel_loop3A_360, %parallel_loop3A_361] {strides = array<i32>} : memref<80x128xf32, #tpu.memory_space<vmem>>, vector<16xf32>,
        tpu.vector_store %arg21[%parallel_loop3A_360, %parallel_loop3A_361], %parallel_loop3A_359 {strides = array<i32>} : memref<80x128xf32, #tpu.memory_space<vmem>>, vector<16xf32>,
        %parallel_loop3A_363 = arith.constant 0 : i32
        %parallel_loop3A_364 = vector.broadcast %parallel_loop3A_363 : i32 to vector<16xi32>
        %parallel_loop3A_365 = arith.cmpi slt, %add3A_46, %parallel_loop3A_364 : vector<16xi32>
        %parallel_loop3A_366 = arith.constant 16 : i32
        %parallel_loop3A_367 = vector.broadcast %parallel_loop3A_366 : i32 to vector<16xi32>
        %parallel_loop3A_368 = arith.addi %add3A_46, %parallel_loop3A_367 : vector<16xi32>
        %parallel_loop3A_369 = arith.select %parallel_loop3A_365, %parallel_loop3A_368, %add3A_46 : vector<16xi1>, vector<16xi32>
        %parallel_loop3A_370 = vector.shape_cast %parallel_loop3A_369 : vector<16xi32> to vector<16x1xi32>
        %parallel_loop3A_371 = vector.shape_cast %parallel_loop3A_370 : vector<16x1xi32> to vector<16xi32>
        %parallel_loop3A_372 = tpu.dynamic_gather %parallel_loop3A_275[%parallel_loop3A_371] in [0] : vector<16xf32>, vector<16xi32> -> vector<16xf32>
        %parallel_loop3A_373 = arith.index_cast %parallel_loop3A_261 : i32 to index
        %parallel_loop3A_374 = arith.constant 48 : index
        %parallel_loop3A_375 = tpu.vector_load %arg20[%parallel_loop3A_373, %parallel_loop3A_374] {strides = array<i32>} : memref<80x64xi32, #tpu.memory_space<vmem>>, vector<16xi32>,
        %parallel_loop3A_376 = arith.constant 16 : i32
        %parallel_loop3A_377 = vector.broadcast %parallel_loop3A_376 : i32 to vector<16xi32>
        %parallel_loop3A_378 = arith.shli %parallel_loop3A_375, %parallel_loop3A_377 : vector<16xi32>
        %parallel_loop3A_379 = vector.bitcast %parallel_loop3A_378 : vector<16xi32> to vector<16xf32>
        %parallel_loop3A_380 = vector.broadcast %scan3A_78 : i32 to vector<16xi32>
        %parallel_loop3A_381 = arith.andi %parallel_loop3A_375, %parallel_loop3A_380 : vector<16xi32>
        %parallel_loop3A_382 = vector.bitcast %parallel_loop3A_381 : vector<16xi32> to vector<16xf32>
        %parallel_loop3A_383 = arith.mulf %parallel_loop3A_379, %parallel_loop3A_372 : vector<16xf32>
        %parallel_loop3A_384 = arith.index_cast %parallel_loop3A_261 : i32 to index
        %parallel_loop3A_385 = arith.constant 96 : index
        %parallel_loop3A_386 = tpu.vector_load %arg21[%parallel_loop3A_384, %parallel_loop3A_385] {strides = array<i32>} : memref<80x128xf32, #tpu.memory_space<vmem>>, vector<16xf32>,
        tpu.vector_store %arg21[%parallel_loop3A_384, %parallel_loop3A_385], %parallel_loop3A_383 {strides = array<i32>} : memref<80x128xf32, #tpu.memory_space<vmem>>, vector<16xf32>,
        %parallel_loop3A_387 = arith.mulf %parallel_loop3A_382, %parallel_loop3A_372 : vector<16xf32>
        %parallel_loop3A_388 = arith.index_cast %parallel_loop3A_261 : i32 to index
        %parallel_loop3A_389 = arith.constant 112 : index
        %parallel_loop3A_390 = tpu.vector_load %arg21[%parallel_loop3A_388, %parallel_loop3A_389] {strides = array<i32>} : memref<80x128xf32, #tpu.memory_space<vmem>>, vector<16xf32>,
        tpu.vector_store %arg21[%parallel_loop3A_388, %parallel_loop3A_389], %parallel_loop3A_387 {strides = array<i32>} : memref<80x128xf32, #tpu.memory_space<vmem>>, vector<16xf32>,
      } {sc.loop_unroll_factor = 4 : i64, sc.parallel_access}
      "tpu.region"() ({
        %run_scoped3A = tpu.sem_alloc : memref<!tpu.dma_semaphore, #tpu.memory_space<semaphore_mem>>
        %dma_start3A_261 = arith.constant 0 : i32
        %dma_start3A_262 = arith.constant 0 : i32
        %dma_start3A_263 = tpu.memref_slice %arg25[%dma_start3A_261, %dma_start3A_262] : memref<10240x8xf32, #tpu.memory_space<vmem_shared>> -> memref<10240x8xf32, #tpu.memory_space<vmem_shared>>
        tpu.enqueue_indirect_dma source(%arg22 : memref<80x8xf32, #tpu.memory_space<vmem>>) target(%dma_start3A_263 : memref<10240x8xf32, #tpu.memory_space<vmem_shared>>) offsets(%arg14 : memref<80xi32, #tpu.memory_space<vmem>>) semaphore(%run_scoped3A : memref<!tpu.dma_semaphore, #tpu.memory_space<semaphore_mem>>) {add = true}
        %dma_wait3A_264 = arith.constant 0 : i32
        %dma_wait3A_265 = arith.constant 0 : i32
        %dma_wait3A_266 = tpu.memref_slice %arg25[%dma_wait3A_264, %dma_wait3A_265] : memref<10240x8xf32, #tpu.memory_space<vmem_shared>> -> memref<10240x8xf32, #tpu.memory_space<vmem_shared>>
        tpu.wait_indirect_dma semaphore(%run_scoped3A : memref<!tpu.dma_semaphore, #tpu.memory_space<semaphore_mem>>) src(%arg22 : memref<80x8xf32, #tpu.memory_space<vmem>>) dst(%dma_wait3A_266 : memref<10240x8xf32, #tpu.memory_space<vmem_shared>>)
        tpu.yield
      }) : () -> ()
      "tpu.region"() ({
        %run_scoped3A = tpu.sem_alloc : memref<!tpu.dma_semaphore, #tpu.memory_space<semaphore_mem>>
        %dma_start3A_261 = arith.constant 0 : i32
        %dma_start3A_262 = arith.constant 0 : i32
        %dma_start3A_263 = tpu.memref_slice %arg24[%dma_start3A_261, %dma_start3A_262] : memref<10240x128xf32, #tpu.memory_space<vmem_shared>> -> memref<10240x128xf32, #tpu.memory_space<vmem_shared>>
        tpu.enqueue_indirect_dma source(%arg21 : memref<80x128xf32, #tpu.memory_space<vmem>>) target(%dma_start3A_263 : memref<10240x128xf32, #tpu.memory_space<vmem_shared>>) offsets(%arg14 : memref<80xi32, #tpu.memory_space<vmem>>) semaphore(%run_scoped3A : memref<!tpu.dma_semaphore, #tpu.memory_space<semaphore_mem>>) {add = true}
        %dma_wait3A_264 = arith.constant 0 : i32
        %dma_wait3A_265 = arith.constant 0 : i32
        %dma_wait3A_266 = tpu.memref_slice %arg24[%dma_wait3A_264, %dma_wait3A_265] : memref<10240x128xf32, #tpu.memory_space<vmem_shared>> -> memref<10240x128xf32, #tpu.memory_space<vmem_shared>>
        tpu.wait_indirect_dma semaphore(%run_scoped3A : memref<!tpu.dma_semaphore, #tpu.memory_space<semaphore_mem>>) src(%arg21 : memref<80x128xf32, #tpu.memory_space<vmem>>) dst(%dma_wait3A_266 : memref<10240x128xf32, #tpu.memory_space<vmem_shared>>)
        tpu.yield
      }) : () -> ()
    }
    %scan3A_83 = arith.constant 62 : i32
    %dma_wait3A_84 = arith.constant 0 : i32
    %dma_wait3A_85 = arith.constant 0 : i32
    %dma_wait3A_86 = tpu.memref_slice %arg2[%dma_wait3A_84, %dma_wait3A_85] : memref<10000x16xf32, #tpu.memory_space<hbm>> -> memref<80x16xf32, #tpu.memory_space<hbm>>
    %dma_wait3A_87 = arith.constant 0 : i32
    %dma_wait3A_88 = arith.constant 0 : i32
    %dma_wait3A_89 = tpu.memref_slice %arg2[%dma_wait3A_87, %dma_wait3A_88] : memref<10000x16xf32, #tpu.memory_space<hbm>> -> memref<80x16xf32, #tpu.memory_space<hbm>>
    tpu.wait_dma2 semaphore(%arg26 : memref<!tpu.dma_semaphore, #tpu.memory_space<semaphore_mem>>) src(%dma_wait3A_89 : memref<80x16xf32, #tpu.memory_space<hbm>>) dst(%arg15 : memref<80x16xf32, #tpu.memory_space<vmem>>)
    %dma_wait3A_90 = arith.constant 0 : i32
    %dma_wait3A_91 = arith.constant 0 : i32
    %dma_wait3A_92 = tpu.memref_slice %arg3[%dma_wait3A_90, %dma_wait3A_91] : memref<10000x16xf32, #tpu.memory_space<hbm>> -> memref<80x16xf32, #tpu.memory_space<hbm>>
    %dma_wait3A_93 = arith.constant 0 : i32
    %dma_wait3A_94 = arith.constant 0 : i32
    %dma_wait3A_95 = tpu.memref_slice %arg3[%dma_wait3A_93, %dma_wait3A_94] : memref<10000x16xf32, #tpu.memory_space<hbm>> -> memref<80x16xf32, #tpu.memory_space<hbm>>
    tpu.wait_dma2 semaphore(%arg26 : memref<!tpu.dma_semaphore, #tpu.memory_space<semaphore_mem>>) src(%dma_wait3A_95 : memref<80x16xf32, #tpu.memory_space<hbm>>) dst(%arg16 : memref<80x16xf32, #tpu.memory_space<vmem>>)
    %dma_wait3A_96 = arith.constant 0 : i32
    %dma_wait3A_97 = arith.constant 0 : i32
    %dma_wait3A_98 = tpu.memref_slice %arg4[%dma_wait3A_96, %dma_wait3A_97] : memref<10000x64xi32, #tpu.memory_space<hbm>> -> memref<80x64xi32, #tpu.memory_space<hbm>>
    %dma_wait3A_99 = arith.constant 0 : i32
    %dma_wait3A_100 = arith.constant 0 : i32
    %dma_wait3A_101 = tpu.memref_slice %arg4[%dma_wait3A_99, %dma_wait3A_100] : memref<10000x64xi32, #tpu.memory_space<hbm>> -> memref<80x64xi32, #tpu.memory_space<hbm>>
    tpu.wait_dma2 semaphore(%arg26 : memref<!tpu.dma_semaphore, #tpu.memory_space<semaphore_mem>>) src(%dma_wait3A_101 : memref<80x64xi32, #tpu.memory_space<hbm>>) dst(%arg17 : memref<80x64xi32, #tpu.memory_space<vmem>>)
    %dma_wait3A_102 = arith.constant 0 : i32
    %dma_wait3A_103 = tpu.memref_slice %arg5[%dma_wait3A_102] : memref<320000xi32, #tpu.memory_space<hbm>> -> memref<80xi32, #tpu.memory_space<hbm>>
    %dma_wait3A_104 = arith.constant 0 : i32
    %dma_wait3A_105 = tpu.memref_slice %arg5[%dma_wait3A_104] : memref<320000xi32, #tpu.memory_space<hbm>> -> memref<80xi32, #tpu.memory_space<hbm>>
    tpu.wait_dma2 semaphore(%arg29 : memref<!tpu.dma_semaphore, #tpu.memory_space<semaphore_mem>>) src(%dma_wait3A_105 : memref<80xi32, #tpu.memory_space<hbm>>) dst(%arg12 : memref<80xi32, #tpu.memory_space<vmem>>)
    %dma_wait3A_106 = arith.constant 0 : i32
    %dma_wait3A_107 = tpu.memref_slice %arg6[%dma_wait3A_106] : memref<320000xi32, #tpu.memory_space<hbm>> -> memref<80xi32, #tpu.memory_space<hbm>>
    %dma_wait3A_108 = arith.constant 0 : i32
    %dma_wait3A_109 = tpu.memref_slice %arg6[%dma_wait3A_108] : memref<320000xi32, #tpu.memory_space<hbm>> -> memref<80xi32, #tpu.memory_space<hbm>>
    tpu.wait_dma2 semaphore(%arg29 : memref<!tpu.dma_semaphore, #tpu.memory_space<semaphore_mem>>) src(%dma_wait3A_109 : memref<80xi32, #tpu.memory_space<hbm>>) dst(%arg13 : memref<80xi32, #tpu.memory_space<vmem>>)
    %parallel_loop3A = arith.constant 0 : i32
    %parallel_loop3A_110 = arith.constant 80 : i32
    %parallel_loop3A_111 = arith.constant 1 : i32
    %parallel_loop3A_112 = arith.constant -65536 : i32
    scf.for %parallel_loop3A_114 = %parallel_loop3A to %parallel_loop3A_110 step %parallel_loop3A_111  : i32 {
      %parallel_loop3A_115 = vector.broadcast %parallel_loop3A_114 : i32 to vector<16xi32>
      %parallel_loop3A_116 = arith.index_cast %parallel_loop3A_114 : i32 to index
      %parallel_loop3A_117 = arith.constant 0 : index
      %parallel_loop3A_118 = tpu.vector_load %arg15[%parallel_loop3A_116, %parallel_loop3A_117] {strides = array<i32>} : memref<80x16xf32, #tpu.memory_space<vmem>>, vector<16xf32>,
      %parallel_loop3A_119 = arith.index_cast %parallel_loop3A_114 : i32 to index
      %parallel_loop3A_120 = arith.constant 0 : index
      %parallel_loop3A_121 = tpu.vector_load %arg16[%parallel_loop3A_119, %parallel_loop3A_120] {strides = array<i32>} : memref<80x16xf32, #tpu.memory_space<vmem>>, vector<16xf32>,
      %parallel_loop3A_122 = arith.addf %parallel_loop3A_118, %parallel_loop3A_121 : vector<16xf32>
      %parallel_loop3A_123 = arith.constant 2.000000e-01 : f32
      %parallel_loop3A_124 = vector.broadcast %parallel_loop3A_123 : f32 to vector<16xf32>
      %parallel_loop3A_125 = arith.mulf %parallel_loop3A_124, %parallel_loop3A_122 : vector<16xf32>
      %parallel_loop3A_126 = arith.maximumf %parallel_loop3A_122, %parallel_loop3A_125 : vector<16xf32>
      %parallel_loop3A_127 = arith.subf %parallel_loop3A_126, %get3A_21 : vector<16xf32>
      %parallel_loop3A_128 = math.exp %parallel_loop3A_127 : vector<16xf32>
      %parallel_loop3A_129 = arith.constant 7 : i32
      %parallel_loop3A_130 = vector.broadcast %parallel_loop3A_129 : i32 to vector<16xi32>
      %parallel_loop3A_131 = arith.andi %iota3A, %parallel_loop3A_130 : vector<16xi32>
      tpu.vector_store_idx %arg22[%parallel_loop3A_115, %parallel_loop3A_131], %parallel_loop3A_128 masked %lt3A_8 : memref<80x8xf32, #tpu.memory_space<vmem>>[vector<16xi32>, vector<16xi32>], vector<16xf32>, vector<16xi1>
      %parallel_loop3A_132 = arith.constant 0 : i32
      %parallel_loop3A_133 = vector.broadcast %parallel_loop3A_132 : i32 to vector<16xi32>
      %parallel_loop3A_134 = arith.cmpi slt, %add3A_28, %parallel_loop3A_133 : vector<16xi32>
      %parallel_loop3A_135 = arith.constant 16 : i32
      %parallel_loop3A_136 = vector.broadcast %parallel_loop3A_135 : i32 to vector<16xi32>
      %parallel_loop3A_137 = arith.addi %add3A_28, %parallel_loop3A_136 : vector<16xi32>
      %parallel_loop3A_138 = arith.select %parallel_loop3A_134, %parallel_loop3A_137, %add3A_28 : vector<16xi1>, vector<16xi32>
      %parallel_loop3A_139 = vector.shape_cast %parallel_loop3A_138 : vector<16xi32> to vector<16x1xi32>
      %parallel_loop3A_140 = vector.shape_cast %parallel_loop3A_139 : vector<16x1xi32> to vector<16xi32>
      %parallel_loop3A_141 = tpu.dynamic_gather %parallel_loop3A_128[%parallel_loop3A_140] in [0] : vector<16xf32>, vector<16xi32> -> vector<16xf32>
      %parallel_loop3A_142 = arith.index_cast %parallel_loop3A_114 : i32 to index
      %parallel_loop3A_143 = arith.constant 0 : index
      %parallel_loop3A_144 = tpu.vector_load %arg17[%parallel_loop3A_142, %parallel_loop3A_143] {strides = array<i32>} : memref<80x64xi32, #tpu.memory_space<vmem>>, vector<16xi32>,
      %parallel_loop3A_145 = arith.constant 16 : i32
      %parallel_loop3A_146 = vector.broadcast %parallel_loop3A_145 : i32 to vector<16xi32>
      %parallel_loop3A_147 = arith.shli %parallel_loop3A_144, %parallel_loop3A_146 : vector<16xi32>
      %parallel_loop3A_148 = vector.bitcast %parallel_loop3A_147 : vector<16xi32> to vector<16xf32>
      %parallel_loop3A_149 = vector.broadcast %parallel_loop3A_112 : i32 to vector<16xi32>
      %parallel_loop3A_150 = arith.andi %parallel_loop3A_144, %parallel_loop3A_149 : vector<16xi32>
      %parallel_loop3A_151 = vector.bitcast %parallel_loop3A_150 : vector<16xi32> to vector<16xf32>
      %parallel_loop3A_152 = arith.mulf %parallel_loop3A_148, %parallel_loop3A_141 : vector<16xf32>
      %parallel_loop3A_153 = arith.index_cast %parallel_loop3A_114 : i32 to index
      %parallel_loop3A_154 = arith.constant 0 : index
      %parallel_loop3A_155 = tpu.vector_load %arg21[%parallel_loop3A_153, %parallel_loop3A_154] {strides = array<i32>} : memref<80x128xf32, #tpu.memory_space<vmem>>, vector<16xf32>,
      tpu.vector_store %arg21[%parallel_loop3A_153, %parallel_loop3A_154], %parallel_loop3A_152 {strides = array<i32>} : memref<80x128xf32, #tpu.memory_space<vmem>>, vector<16xf32>,
      %parallel_loop3A_156 = arith.mulf %parallel_loop3A_151, %parallel_loop3A_141 : vector<16xf32>
      %parallel_loop3A_157 = arith.index_cast %parallel_loop3A_114 : i32 to index
      %parallel_loop3A_158 = arith.constant 16 : index
      %parallel_loop3A_159 = tpu.vector_load %arg21[%parallel_loop3A_157, %parallel_loop3A_158] {strides = array<i32>} : memref<80x128xf32, #tpu.memory_space<vmem>>, vector<16xf32>,
      tpu.vector_store %arg21[%parallel_loop3A_157, %parallel_loop3A_158], %parallel_loop3A_156 {strides = array<i32>} : memref<80x128xf32, #tpu.memory_space<vmem>>, vector<16xf32>,
      %parallel_loop3A_160 = arith.constant 0 : i32
      %parallel_loop3A_161 = vector.broadcast %parallel_loop3A_160 : i32 to vector<16xi32>
      %parallel_loop3A_162 = arith.cmpi slt, %add3A_34, %parallel_loop3A_161 : vector<16xi32>
      %parallel_loop3A_163 = arith.constant 16 : i32
      %parallel_loop3A_164 = vector.broadcast %parallel_loop3A_163 : i32 to vector<16xi32>
      %parallel_loop3A_165 = arith.addi %add3A_34, %parallel_loop3A_164 : vector<16xi32>
      %parallel_loop3A_166 = arith.select %parallel_loop3A_162, %parallel_loop3A_165, %add3A_34 : vector<16xi1>, vector<16xi32>
      %parallel_loop3A_167 = vector.shape_cast %parallel_loop3A_166 : vector<16xi32> to vector<16x1xi32>
      %parallel_loop3A_168 = vector.shape_cast %parallel_loop3A_167 : vector<16x1xi32> to vector<16xi32>
      %parallel_loop3A_169 = tpu.dynamic_gather %parallel_loop3A_128[%parallel_loop3A_168] in [0] : vector<16xf32>, vector<16xi32> -> vector<16xf32>
      %parallel_loop3A_170 = arith.index_cast %parallel_loop3A_114 : i32 to index
      %parallel_loop3A_171 = arith.constant 16 : index
      %parallel_loop3A_172 = tpu.vector_load %arg17[%parallel_loop3A_170, %parallel_loop3A_171] {strides = array<i32>} : memref<80x64xi32, #tpu.memory_space<vmem>>, vector<16xi32>,
      %parallel_loop3A_173 = arith.constant 16 : i32
      %parallel_loop3A_174 = vector.broadcast %parallel_loop3A_173 : i32 to vector<16xi32>
      %parallel_loop3A_175 = arith.shli %parallel_loop3A_172, %parallel_loop3A_174 : vector<16xi32>
      %parallel_loop3A_176 = vector.bitcast %parallel_loop3A_175 : vector<16xi32> to vector<16xf32>
      %parallel_loop3A_177 = vector.broadcast %parallel_loop3A_112 : i32 to vector<16xi32>
      %parallel_loop3A_178 = arith.andi %parallel_loop3A_172, %parallel_loop3A_177 : vector<16xi32>
      %parallel_loop3A_179 = vector.bitcast %parallel_loop3A_178 : vector<16xi32> to vector<16xf32>
      %parallel_loop3A_180 = arith.mulf %parallel_loop3A_176, %parallel_loop3A_169 : vector<16xf32>
      %parallel_loop3A_181 = arith.index_cast %parallel_loop3A_114 : i32 to index
      %parallel_loop3A_182 = arith.constant 32 : index
      %parallel_loop3A_183 = tpu.vector_load %arg21[%parallel_loop3A_181, %parallel_loop3A_182] {strides = array<i32>} : memref<80x128xf32, #tpu.memory_space<vmem>>, vector<16xf32>,
      tpu.vector_store %arg21[%parallel_loop3A_181, %parallel_loop3A_182], %parallel_loop3A_180 {strides = array<i32>} : memref<80x128xf32, #tpu.memory_space<vmem>>, vector<16xf32>,
      %parallel_loop3A_184 = arith.mulf %parallel_loop3A_179, %parallel_loop3A_169 : vector<16xf32>
      %parallel_loop3A_185 = arith.index_cast %parallel_loop3A_114 : i32 to index
      %parallel_loop3A_186 = arith.constant 48 : index
      %parallel_loop3A_187 = tpu.vector_load %arg21[%parallel_loop3A_185, %parallel_loop3A_186] {strides = array<i32>} : memref<80x128xf32, #tpu.memory_space<vmem>>, vector<16xf32>,
      tpu.vector_store %arg21[%parallel_loop3A_185, %parallel_loop3A_186], %parallel_loop3A_184 {strides = array<i32>} : memref<80x128xf32, #tpu.memory_space<vmem>>, vector<16xf32>,
      %parallel_loop3A_188 = arith.constant 0 : i32
      %parallel_loop3A_189 = vector.broadcast %parallel_loop3A_188 : i32 to vector<16xi32>
      %parallel_loop3A_190 = arith.cmpi slt, %add3A_40, %parallel_loop3A_189 : vector<16xi32>
      %parallel_loop3A_191 = arith.constant 16 : i32
      %parallel_loop3A_192 = vector.broadcast %parallel_loop3A_191 : i32 to vector<16xi32>
      %parallel_loop3A_193 = arith.addi %add3A_40, %parallel_loop3A_192 : vector<16xi32>
      %parallel_loop3A_194 = arith.select %parallel_loop3A_190, %parallel_loop3A_193, %add3A_40 : vector<16xi1>, vector<16xi32>
      %parallel_loop3A_195 = vector.shape_cast %parallel_loop3A_194 : vector<16xi32> to vector<16x1xi32>
      %parallel_loop3A_196 = vector.shape_cast %parallel_loop3A_195 : vector<16x1xi32> to vector<16xi32>
      %parallel_loop3A_197 = tpu.dynamic_gather %parallel_loop3A_128[%parallel_loop3A_196] in [0] : vector<16xf32>, vector<16xi32> -> vector<16xf32>
      %parallel_loop3A_198 = arith.index_cast %parallel_loop3A_114 : i32 to index
      %parallel_loop3A_199 = arith.constant 32 : index
      %parallel_loop3A_200 = tpu.vector_load %arg17[%parallel_loop3A_198, %parallel_loop3A_199] {strides = array<i32>} : memref<80x64xi32, #tpu.memory_space<vmem>>, vector<16xi32>,
      %parallel_loop3A_201 = arith.constant 16 : i32
      %parallel_loop3A_202 = vector.broadcast %parallel_loop3A_201 : i32 to vector<16xi32>
      %parallel_loop3A_203 = arith.shli %parallel_loop3A_200, %parallel_loop3A_202 : vector<16xi32>
      %parallel_loop3A_204 = vector.bitcast %parallel_loop3A_203 : vector<16xi32> to vector<16xf32>
      %parallel_loop3A_205 = vector.broadcast %parallel_loop3A_112 : i32 to vector<16xi32>
      %parallel_loop3A_206 = arith.andi %parallel_loop3A_200, %parallel_loop3A_205 : vector<16xi32>
      %parallel_loop3A_207 = vector.bitcast %parallel_loop3A_206 : vector<16xi32> to vector<16xf32>
      %parallel_loop3A_208 = arith.mulf %parallel_loop3A_204, %parallel_loop3A_197 : vector<16xf32>
      %parallel_loop3A_209 = arith.index_cast %parallel_loop3A_114 : i32 to index
      %parallel_loop3A_210 = arith.constant 64 : index
      %parallel_loop3A_211 = tpu.vector_load %arg21[%parallel_loop3A_209, %parallel_loop3A_210] {strides = array<i32>} : memref<80x128xf32, #tpu.memory_space<vmem>>, vector<16xf32>,
      tpu.vector_store %arg21[%parallel_loop3A_209, %parallel_loop3A_210], %parallel_loop3A_208 {strides = array<i32>} : memref<80x128xf32, #tpu.memory_space<vmem>>, vector<16xf32>,
      %parallel_loop3A_212 = arith.mulf %parallel_loop3A_207, %parallel_loop3A_197 : vector<16xf32>
      %parallel_loop3A_213 = arith.index_cast %parallel_loop3A_114 : i32 to index
      %parallel_loop3A_214 = arith.constant 80 : index
      %parallel_loop3A_215 = tpu.vector_load %arg21[%parallel_loop3A_213, %parallel_loop3A_214] {strides = array<i32>} : memref<80x128xf32, #tpu.memory_space<vmem>>, vector<16xf32>,
      tpu.vector_store %arg21[%parallel_loop3A_213, %parallel_loop3A_214], %parallel_loop3A_212 {strides = array<i32>} : memref<80x128xf32, #tpu.memory_space<vmem>>, vector<16xf32>,
      %parallel_loop3A_216 = arith.constant 0 : i32
      %parallel_loop3A_217 = vector.broadcast %parallel_loop3A_216 : i32 to vector<16xi32>
      %parallel_loop3A_218 = arith.cmpi slt, %add3A_46, %parallel_loop3A_217 : vector<16xi32>
      %parallel_loop3A_219 = arith.constant 16 : i32
      %parallel_loop3A_220 = vector.broadcast %parallel_loop3A_219 : i32 to vector<16xi32>
      %parallel_loop3A_221 = arith.addi %add3A_46, %parallel_loop3A_220 : vector<16xi32>
      %parallel_loop3A_222 = arith.select %parallel_loop3A_218, %parallel_loop3A_221, %add3A_46 : vector<16xi1>, vector<16xi32>
      %parallel_loop3A_223 = vector.shape_cast %parallel_loop3A_222 : vector<16xi32> to vector<16x1xi32>
      %parallel_loop3A_224 = vector.shape_cast %parallel_loop3A_223 : vector<16x1xi32> to vector<16xi32>
      %parallel_loop3A_225 = tpu.dynamic_gather %parallel_loop3A_128[%parallel_loop3A_224] in [0] : vector<16xf32>, vector<16xi32> -> vector<16xf32>
      %parallel_loop3A_226 = arith.index_cast %parallel_loop3A_114 : i32 to index
      %parallel_loop3A_227 = arith.constant 48 : index
      %parallel_loop3A_228 = tpu.vector_load %arg17[%parallel_loop3A_226, %parallel_loop3A_227] {strides = array<i32>} : memref<80x64xi32, #tpu.memory_space<vmem>>, vector<16xi32>,
      %parallel_loop3A_229 = arith.constant 16 : i32
      %parallel_loop3A_230 = vector.broadcast %parallel_loop3A_229 : i32 to vector<16xi32>
      %parallel_loop3A_231 = arith.shli %parallel_loop3A_228, %parallel_loop3A_230 : vector<16xi32>
      %parallel_loop3A_232 = vector.bitcast %parallel_loop3A_231 : vector<16xi32> to vector<16xf32>
      %parallel_loop3A_233 = vector.broadcast %parallel_loop3A_112 : i32 to vector<16xi32>
      %parallel_loop3A_234 = arith.andi %parallel_loop3A_228, %parallel_loop3A_233 : vector<16xi32>
      %parallel_loop3A_235 = vector.bitcast %parallel_loop3A_234 : vector<16xi32> to vector<16xf32>
      %parallel_loop3A_236 = arith.mulf %parallel_loop3A_232, %parallel_loop3A_225 : vector<16xf32>
      %parallel_loop3A_237 = arith.index_cast %parallel_loop3A_114 : i32 to index
      %parallel_loop3A_238 = arith.constant 96 : index
      %parallel_loop3A_239 = tpu.vector_load %arg21[%parallel_loop3A_237, %parallel_loop3A_238] {strides = array<i32>} : memref<80x128xf32, #tpu.memory_space<vmem>>, vector<16xf32>,
      tpu.vector_store %arg21[%parallel_loop3A_237, %parallel_loop3A_238], %parallel_loop3A_236 {strides = array<i32>} : memref<80x128xf32, #tpu.memory_space<vmem>>, vector<16xf32>,
      %parallel_loop3A_240 = arith.mulf %parallel_loop3A_235, %parallel_loop3A_225 : vector<16xf32>
      %parallel_loop3A_241 = arith.index_cast %parallel_loop3A_114 : i32 to index
      %parallel_loop3A_242 = arith.constant 112 : index
      %parallel_loop3A_243 = tpu.vector_load %arg21[%parallel_loop3A_241, %parallel_loop3A_242] {strides = array<i32>} : memref<80x128xf32, #tpu.memory_space<vmem>>, vector<16xf32>,
      tpu.vector_store %arg21[%parallel_loop3A_241, %parallel_loop3A_242], %parallel_loop3A_240 {strides = array<i32>} : memref<80x128xf32, #tpu.memory_space<vmem>>, vector<16xf32>,
    } {sc.loop_unroll_factor = 4 : i64, sc.parallel_access}
    "tpu.region"() ({
      %run_scoped3A = tpu.sem_alloc : memref<!tpu.dma_semaphore, #tpu.memory_space<semaphore_mem>>
      %dma_start3A_114 = arith.constant 0 : i32
      %dma_start3A_115 = arith.constant 0 : i32
      %dma_start3A_116 = tpu.memref_slice %arg25[%dma_start3A_114, %dma_start3A_115] : memref<10240x8xf32, #tpu.memory_space<vmem_shared>> -> memref<10240x8xf32, #tpu.memory_space<vmem_shared>>
      tpu.enqueue_indirect_dma source(%arg22 : memref<80x8xf32, #tpu.memory_space<vmem>>) target(%dma_start3A_116 : memref<10240x8xf32, #tpu.memory_space<vmem_shared>>) offsets(%arg11 : memref<80xi32, #tpu.memory_space<vmem>>) semaphore(%run_scoped3A : memref<!tpu.dma_semaphore, #tpu.memory_space<semaphore_mem>>) {add = true}
      %dma_wait3A_117 = arith.constant 0 : i32
      %dma_wait3A_118 = arith.constant 0 : i32
      %dma_wait3A_119 = tpu.memref_slice %arg25[%dma_wait3A_117, %dma_wait3A_118] : memref<10240x8xf32, #tpu.memory_space<vmem_shared>> -> memref<10240x8xf32, #tpu.memory_space<vmem_shared>>
      tpu.wait_indirect_dma semaphore(%run_scoped3A : memref<!tpu.dma_semaphore, #tpu.memory_space<semaphore_mem>>) src(%arg22 : memref<80x8xf32, #tpu.memory_space<vmem>>) dst(%dma_wait3A_119 : memref<10240x8xf32, #tpu.memory_space<vmem_shared>>)
      tpu.yield
    }) : () -> ()
    "tpu.region"() ({
      %run_scoped3A = tpu.sem_alloc : memref<!tpu.dma_semaphore, #tpu.memory_space<semaphore_mem>>
      %dma_start3A_114 = arith.constant 0 : i32
      %dma_start3A_115 = arith.constant 0 : i32
      %dma_start3A_116 = tpu.memref_slice %arg24[%dma_start3A_114, %dma_start3A_115] : memref<10240x128xf32, #tpu.memory_space<vmem_shared>> -> memref<10240x128xf32, #tpu.memory_space<vmem_shared>>
      tpu.enqueue_indirect_dma source(%arg21 : memref<80x128xf32, #tpu.memory_space<vmem>>) target(%dma_start3A_116 : memref<10240x128xf32, #tpu.memory_space<vmem_shared>>) offsets(%arg11 : memref<80xi32, #tpu.memory_space<vmem>>) semaphore(%run_scoped3A : memref<!tpu.dma_semaphore, #tpu.memory_space<semaphore_mem>>) {add = true}
      %dma_wait3A_117 = arith.constant 0 : i32
      %dma_wait3A_118 = arith.constant 0 : i32
      %dma_wait3A_119 = tpu.memref_slice %arg24[%dma_wait3A_117, %dma_wait3A_118] : memref<10240x128xf32, #tpu.memory_space<vmem_shared>> -> memref<10240x128xf32, #tpu.memory_space<vmem_shared>>
      tpu.wait_indirect_dma semaphore(%run_scoped3A : memref<!tpu.dma_semaphore, #tpu.memory_space<semaphore_mem>>) src(%arg21 : memref<80x128xf32, #tpu.memory_space<vmem>>) dst(%dma_wait3A_119 : memref<10240x128xf32, #tpu.memory_space<vmem_shared>>)
      tpu.yield
    }) : () -> ()
    %barrier3A_113 = arith.constant 0 : index
    tpu.barrier barrier_id(%barrier3A_113)
    "tpu.region"() ({
      %run_scoped3A = tpu.sem_alloc : memref<!tpu.dma_semaphore, #tpu.memory_space<semaphore_mem>>
      %dma_start3A_114 = arith.constant 0 : i32
      %dma_start3A_115 = arith.constant 0 : i32
      %dma_start3A_116 = tpu.memref_slice %arg8[%arg0, %dma_start3A_114, %dma_start3A_115] : memref<2x10240x128xf32, #tpu.memory_space<hbm>> -> memref<1x10240x128xf32, #tpu.memory_space<hbm>>
      %dma_start3A_117 = tpu.memref_squeeze %dma_start3A_116 : memref<1x10240x128xf32, #tpu.memory_space<hbm>> -> memref<10240x128xf32, #tpu.memory_space<hbm>>
      %dma_start3A_118 = arith.constant 0 : i32
      %dma_start3A_119 = tpu.memref_slice %dma_start3A_117[%mul3A_2, %dma_start3A_118] : memref<10240x128xf32, #tpu.memory_space<hbm>> -> memref<640x128xf32, #tpu.memory_space<hbm>>
      %dma_start3A_120 = arith.constant 0 : i32
      %dma_start3A_121 = tpu.memref_slice %arg24[%mul3A_2, %dma_start3A_120] : memref<10240x128xf32, #tpu.memory_space<vmem_shared>> -> memref<640x128xf32, #tpu.memory_space<vmem_shared>>
      tpu.enqueue_dma source(%dma_start3A_121 : memref<640x128xf32, #tpu.memory_space<vmem_shared>>) target(%dma_start3A_119 : memref<640x128xf32, #tpu.memory_space<hbm>>) target_semaphore(%run_scoped3A : memref<!tpu.dma_semaphore, #tpu.memory_space<semaphore_mem>>)
      %dma_wait3A_122 = arith.constant 0 : i32
      %dma_wait3A_123 = arith.constant 0 : i32
      %dma_wait3A_124 = tpu.memref_slice %arg8[%arg0, %dma_wait3A_122, %dma_wait3A_123] : memref<2x10240x128xf32, #tpu.memory_space<hbm>> -> memref<1x10240x128xf32, #tpu.memory_space<hbm>>
      %dma_wait3A_125 = tpu.memref_squeeze %dma_wait3A_124 : memref<1x10240x128xf32, #tpu.memory_space<hbm>> -> memref<10240x128xf32, #tpu.memory_space<hbm>>
      %dma_wait3A_126 = arith.constant 0 : i32
      %dma_wait3A_127 = tpu.memref_slice %dma_wait3A_125[%mul3A_2, %dma_wait3A_126] : memref<10240x128xf32, #tpu.memory_space<hbm>> -> memref<640x128xf32, #tpu.memory_space<hbm>>
      %dma_wait3A_128 = arith.constant 0 : i32
      %dma_wait3A_129 = tpu.memref_slice %arg24[%mul3A_2, %dma_wait3A_128] : memref<10240x128xf32, #tpu.memory_space<vmem_shared>> -> memref<640x128xf32, #tpu.memory_space<vmem_shared>>
      tpu.wait_dma2 semaphore(%run_scoped3A : memref<!tpu.dma_semaphore, #tpu.memory_space<semaphore_mem>>) src(%dma_wait3A_129 : memref<640x128xf32, #tpu.memory_space<vmem_shared>>) dst(%dma_wait3A_127 : memref<640x128xf32, #tpu.memory_space<hbm>>)
      tpu.yield
    }) : () -> ()
    "tpu.region"() ({
      %run_scoped3A = tpu.sem_alloc : memref<!tpu.dma_semaphore, #tpu.memory_space<semaphore_mem>>
      %dma_start3A_114 = arith.constant 0 : i32
      %dma_start3A_115 = arith.constant 0 : i32
      %dma_start3A_116 = tpu.memref_slice %arg9[%arg0, %dma_start3A_114, %dma_start3A_115] : memref<2x10240x8xf32, #tpu.memory_space<hbm>> -> memref<1x10240x8xf32, #tpu.memory_space<hbm>>
      %dma_start3A_117 = tpu.memref_squeeze %dma_start3A_116 : memref<1x10240x8xf32, #tpu.memory_space<hbm>> -> memref<10240x8xf32, #tpu.memory_space<hbm>>
      %dma_start3A_118 = arith.constant 0 : i32
      %dma_start3A_119 = tpu.memref_slice %dma_start3A_117[%mul3A_2, %dma_start3A_118] : memref<10240x8xf32, #tpu.memory_space<hbm>> -> memref<640x8xf32, #tpu.memory_space<hbm>>
      %dma_start3A_120 = arith.constant 0 : i32
      %dma_start3A_121 = tpu.memref_slice %arg25[%mul3A_2, %dma_start3A_120] : memref<10240x8xf32, #tpu.memory_space<vmem_shared>> -> memref<640x8xf32, #tpu.memory_space<vmem_shared>>
      tpu.enqueue_dma source(%dma_start3A_121 : memref<640x8xf32, #tpu.memory_space<vmem_shared>>) target(%dma_start3A_119 : memref<640x8xf32, #tpu.memory_space<hbm>>) target_semaphore(%run_scoped3A : memref<!tpu.dma_semaphore, #tpu.memory_space<semaphore_mem>>)
      %dma_wait3A_122 = arith.constant 0 : i32
      %dma_wait3A_123 = arith.constant 0 : i32
      %dma_wait3A_124 = tpu.memref_slice %arg9[%arg0, %dma_wait3A_122, %dma_wait3A_123] : memref<2x10240x8xf32, #tpu.memory_space<hbm>> -> memref<1x10240x8xf32, #tpu.memory_space<hbm>>
      %dma_wait3A_125 = tpu.memref_squeeze %dma_wait3A_124 : memref<1x10240x8xf32, #tpu.memory_space<hbm>> -> memref<10240x8xf32, #tpu.memory_space<hbm>>
      %dma_wait3A_126 = arith.constant 0 : i32
      %dma_wait3A_127 = tpu.memref_slice %dma_wait3A_125[%mul3A_2, %dma_wait3A_126] : memref<10240x8xf32, #tpu.memory_space<hbm>> -> memref<640x8xf32, #tpu.memory_space<hbm>>
      %dma_wait3A_128 = arith.constant 0 : i32
      %dma_wait3A_129 = tpu.memref_slice %arg25[%mul3A_2, %dma_wait3A_128] : memref<10240x8xf32, #tpu.memory_space<vmem_shared>> -> memref<640x8xf32, #tpu.memory_space<vmem_shared>>
      tpu.wait_dma2 semaphore(%run_scoped3A : memref<!tpu.dma_semaphore, #tpu.memory_space<semaphore_mem>>) src(%dma_wait3A_129 : memref<640x8xf32, #tpu.memory_space<vmem_shared>>) dst(%dma_wait3A_127 : memref<640x8xf32, #tpu.memory_space<hbm>>)
      tpu.yield
    }) : () -> ()
    return
  }
}

module attributes {stable_mosaic.version = 14 : i64} {
  func.func @_dense_body(%arg0: i32, %arg1: memref<1000x128xf32, #tpu.memory_space<vmem>>, %arg2: memref<128x128xf32, #tpu.memory_space<vmem>>, %arg3: memref<128x16xf32, #tpu.memory_space<vmem>>, %arg4: memref<1000x128xbf16, #tpu.memory_space<vmem>>, %arg5: memref<1000x16xf32, #tpu.memory_space<vmem>>, %arg6: memref<1000x16xf32, #tpu.memory_space<vmem>>, %arg7: memref<1x16xf32, #tpu.memory_space<vmem>>, %arg8: memref<1x16xf32, #tpu.memory_space<vmem>>) attributes {dimension_semantics = [#tpu.dimension_semantics<arbitrary>], iteration_bounds = array<i64: 10>, scalar_prefetch = 0 : i64, scratch_operands = 0 : i64, tpu.core_type = #tpu.core_type<tc>, window_params = [{transform_indices = @transform_0, window_bounds = array<i64: 1000, 128>}, {pipeline_mode = #tpu.pipeline_mode<synchronous>, transform_indices = @transform_1, window_bounds = array<i64: 128, 128>}, {pipeline_mode = #tpu.pipeline_mode<synchronous>, transform_indices = @transform_2, window_bounds = array<i64: 128, 16>}, {transform_indices = @transform_3, window_bounds = array<i64: 1000, 128>}, {transform_indices = @transform_4, window_bounds = array<i64: 1000, 16>}, {transform_indices = @transform_5, window_bounds = array<i64: 1000, 16>}, {pipeline_mode = #tpu.pipeline_mode<synchronous>, transform_indices = @transform_6, window_bounds = array<i64: 1, 16>}, {pipeline_mode = #tpu.pipeline_mode<synchronous>, transform_indices = @transform_7, window_bounds = array<i64: 1, 16>}]} {
    %get3A = arith.constant 0 : index
    %get3A_0 = arith.constant 0 : index
    %get3A_1 = vector.load %arg1[%get3A, %get3A_0] : memref<1000x128xf32, #tpu.memory_space<vmem>>, vector<1000x128xf32>
    %get3A_2 = arith.constant 0 : index
    %get3A_3 = arith.constant 0 : index
    %get3A_4 = vector.load %arg2[%get3A_2, %get3A_3] : memref<128x128xf32, #tpu.memory_space<vmem>>, vector<128x128xf32>
    %dot_general3A = arith.constant dense<0.000000e+00> : vector<1000x128xf32>
    %dot_general3A_5 = tpu.matmul %get3A_1, %get3A_4, %dot_general3A {dimension_numbers = #tpu.dot_dimension_numbers<[1], [0], [0], [1], [0, 0, 1, 1], [], []>, transpose_lhs_hint = false} : vector<1000x128xf32>, vector<128x128xf32>, vector<1000x128xf32> -> vector<1000x128xf32>
    %convert_element_type3A = arith.truncf %dot_general3A_5 : vector<1000x128xf32> to vector<1000x128xbf16>
    %swap3A = arith.constant 0 : index
    %swap3A_6 = arith.constant 0 : index
    %swap3A_7 = vector.load %arg4[%swap3A, %swap3A_6] : memref<1000x128xbf16, #tpu.memory_space<vmem>>, vector<1000x128xbf16>
    tpu.vector_store %arg4[%swap3A, %swap3A_6], %convert_element_type3A {strides = array<i32>} : memref<1000x128xbf16, #tpu.memory_space<vmem>>, vector<1000x128xbf16>,
    %get3A_8 = arith.constant 0 : index
    %get3A_9 = arith.constant 0 : index
    %get3A_10 = vector.load %arg3[%get3A_8, %get3A_9] : memref<128x16xf32, #tpu.memory_space<vmem>>, vector<128x16xf32>
    %dot_general3A_11 = arith.constant dense<0.000000e+00> : vector<1000x16xf32>
    %dot_general3A_12 = tpu.matmul %dot_general3A_5, %get3A_10, %dot_general3A_11 {dimension_numbers = #tpu.dot_dimension_numbers<[1], [0], [0], [1], [0, 0, 1, 1], [], []>, transpose_lhs_hint = false} : vector<1000x128xf32>, vector<128x16xf32>, vector<1000x16xf32> -> vector<1000x16xf32>
    %swap3A_13 = arith.constant 0 : index
    %swap3A_14 = arith.constant 0 : index
    %swap3A_15 = vector.load %arg5[%swap3A_13, %swap3A_14] : memref<1000x16xf32, #tpu.memory_space<vmem>>, vector<1000x16xf32>
    tpu.vector_store %arg5[%swap3A_13, %swap3A_14], %dot_general3A_12 {strides = array<i32>} : memref<1000x16xf32, #tpu.memory_space<vmem>>, vector<1000x16xf32>,
    %slice3A = vector.extract_strided_slice %dot_general3A_12 {offsets = [0, 8], sizes = [1000, 8], strides = [1, 1]} : vector<1000x16xf32> to vector<1000x8xf32>
    %slice3A_16 = vector.extract_strided_slice %dot_general3A_12 {offsets = [0, 0], sizes = [1000, 8], strides = [1, 1]} : vector<1000x16xf32> to vector<1000x8xf32>
    %concatenate3A = tpu.concatenate %slice3A, %slice3A_16 in 1 : vector<1000x8xf32>, vector<1000x8xf32> -> vector<1000x16xf32>
    %swap3A_17 = arith.constant 0 : index
    %swap3A_18 = arith.constant 0 : index
    %swap3A_19 = vector.load %arg6[%swap3A_17, %swap3A_18] : memref<1000x16xf32, #tpu.memory_space<vmem>>, vector<1000x16xf32>
    tpu.vector_store %arg6[%swap3A_17, %swap3A_18], %concatenate3A {strides = array<i32>} : memref<1000x16xf32, #tpu.memory_space<vmem>>, vector<1000x16xf32>,
    %reduce_max3A = arith.constant dense<0xFF800000> : vector<16xf32>
    %reduce_max3A_20 = vector.multi_reduction <maximumf>, %dot_general3A_12, %reduce_max3A [0] : vector<1000x16xf32> to vector<16xf32>
    %broadcast_in_dim3A = vector.shape_cast %reduce_max3A_20 : vector<16xf32> to vector<1x16xf32>
    %eq3A = arith.constant 0 : i32
    %eq3A_21 = arith.cmpi eq, %arg0, %eq3A : i32
    %convert_element_type3A_22 = arith.extui %eq3A_21 : i1 to i32
    %cond3A = arith.constant 0 : i32
    %cond3A_23 = arith.cmpi ne, %convert_element_type3A_22, %cond3A : i32
    scf.if %cond3A_23 {
      %swap3A_33 = arith.constant 0 : index
      %swap3A_34 = arith.constant 0 : index
      %swap3A_35 = vector.load %arg7[%swap3A_33, %swap3A_34] : memref<1x16xf32, #tpu.memory_space<vmem>>, vector<1x16xf32>
      tpu.vector_store %arg7[%swap3A_33, %swap3A_34], %broadcast_in_dim3A {strides = array<i32>} : memref<1x16xf32, #tpu.memory_space<vmem>>, vector<1x16xf32>,
    } else {
    }
    %gt3A = arith.constant 0 : i32
    %gt3A_24 = arith.cmpi sgt, %arg0, %gt3A : i32
    %convert_element_type3A_25 = arith.extui %gt3A_24 : i1 to i32
    %cond3A_26 = arith.constant 0 : i32
    %cond3A_27 = arith.cmpi ne, %convert_element_type3A_25, %cond3A_26 : i32
    scf.if %cond3A_27 {
      %get3A_33 = arith.constant 0 : index
      %get3A_34 = arith.constant 0 : index
      %get3A_35 = vector.load %arg7[%get3A_33, %get3A_34] : memref<1x16xf32, #tpu.memory_space<vmem>>, vector<1x16xf32>
      %max3A = arith.maximumf %get3A_35, %broadcast_in_dim3A : vector<1x16xf32>
      %swap3A_36 = arith.constant 0 : index
      %swap3A_37 = arith.constant 0 : index
      %swap3A_38 = vector.load %arg7[%swap3A_36, %swap3A_37] : memref<1x16xf32, #tpu.memory_space<vmem>>, vector<1x16xf32>
      tpu.vector_store %arg7[%swap3A_36, %swap3A_37], %max3A {strides = array<i32>} : memref<1x16xf32, #tpu.memory_space<vmem>>, vector<1x16xf32>,
    } else {
    }
    %eq3A_28 = arith.constant 9 : i32
    %eq3A_29 = arith.cmpi eq, %arg0, %eq3A_28 : i32
    %convert_element_type3A_30 = arith.extui %eq3A_29 : i1 to i32
    %cond3A_31 = arith.constant 0 : i32
    %cond3A_32 = arith.cmpi ne, %convert_element_type3A_30, %cond3A_31 : i32
    scf.if %cond3A_32 {
      %get3A_33 = arith.constant 0 : index
      %get3A_34 = arith.constant 0 : index
      %get3A_35 = vector.load %arg7[%get3A_33, %get3A_34] : memref<1x16xf32, #tpu.memory_space<vmem>>, vector<1x16xf32>
      %slice3A_36 = vector.extract_strided_slice %get3A_35 {offsets = [0, 0], sizes = [1, 8], strides = [1, 1]} : vector<1x16xf32> to vector<1x8xf32>
      %slice3A_37 = vector.extract_strided_slice %get3A_35 {offsets = [0, 8], sizes = [1, 8], strides = [1, 1]} : vector<1x16xf32> to vector<1x8xf32>
      %add3A = arith.addf %slice3A_36, %slice3A_37 : vector<1x8xf32>
      %mul3A = arith.constant 2.000000e-01 : f32
      %mul3A_38 = vector.broadcast %mul3A : f32 to vector<1x8xf32>
      %mul3A_39 = arith.mulf %mul3A_38, %add3A : vector<1x8xf32>
      %max3A = arith.maximumf %add3A, %mul3A_39 : vector<1x8xf32>
      %swap3A_40 = arith.constant 0 : index
      %swap3A_41 = arith.constant 0 : index
      %swap3A_42 = vector.load %arg8[%swap3A_40, %swap3A_41] : memref<1x16xf32, #tpu.memory_space<vmem>>, vector<1x8xf32>
      tpu.vector_store %arg8[%swap3A_40, %swap3A_41], %max3A {strides = array<i32>} : memref<1x16xf32, #tpu.memory_space<vmem>>, vector<1x8xf32>,
      %broadcast_in_dim3A_43 = arith.constant 1.000000e+09 : f32
      %broadcast_in_dim3A_44 = vector.broadcast %broadcast_in_dim3A_43 : f32 to vector<1x8xf32>
      %swap3A_45 = arith.constant 0 : index
      %swap3A_46 = arith.constant 8 : index
      %swap3A_47 = vector.load %arg8[%swap3A_45, %swap3A_46] : memref<1x16xf32, #tpu.memory_space<vmem>>, vector<1x8xf32>
      tpu.vector_store %arg8[%swap3A_45, %swap3A_46], %broadcast_in_dim3A_44 {strides = array<i32>} : memref<1x16xf32, #tpu.memory_space<vmem>>, vector<1x8xf32>,
    } else {
    }
    return
  }
  func.func @transform_0(%arg0: i32) -> (i32, i32) {
    %c0_i32 = arith.constant 0 : i32
    %c0_i32_0 = arith.constant 0 : i32
    return %arg0, %c0_i32 : i32, i32
  }
  func.func @transform_1(%arg0: i32) -> (i32, i32) {
    %c0_i32 = arith.constant 0 : i32
    %c0_i32_0 = arith.constant 0 : i32
    %c0_i32_1 = arith.constant 0 : i32
    return %c0_i32, %c0_i32_0 : i32, i32
  }
  func.func @transform_2(%arg0: i32) -> (i32, i32) {
    %c0_i32 = arith.constant 0 : i32
    %c0_i32_0 = arith.constant 0 : i32
    %c0_i32_1 = arith.constant 0 : i32
    return %c0_i32, %c0_i32_0 : i32, i32
  }
  func.func @transform_3(%arg0: i32) -> (i32, i32) {
    %c0_i32 = arith.constant 0 : i32
    %c0_i32_0 = arith.constant 0 : i32
    return %arg0, %c0_i32 : i32, i32
  }
  func.func @transform_4(%arg0: i32) -> (i32, i32) {
    %c0_i32 = arith.constant 0 : i32
    %c0_i32_0 = arith.constant 0 : i32
    return %arg0, %c0_i32 : i32, i32
  }
  func.func @transform_5(%arg0: i32) -> (i32, i32) {
    %c0_i32 = arith.constant 0 : i32
    %c0_i32_0 = arith.constant 0 : i32
    return %arg0, %c0_i32 : i32, i32
  }
  func.func @transform_6(%arg0: i32) -> (i32, i32) {
    %c0_i32 = arith.constant 0 : i32
    %c0_i32_0 = arith.constant 0 : i32
    %c0_i32_1 = arith.constant 0 : i32
    return %c0_i32, %c0_i32_0 : i32, i32
  }
  func.func @transform_7(%arg0: i32) -> (i32, i32) {
    %c0_i32 = arith.constant 0 : i32
    %c0_i32_0 = arith.constant 0 : i32
    %c0_i32_1 = arith.constant 0 : i32
    return %c0_i32, %c0_i32_0 : i32, i32
  }
}

module attributes {stable_mosaic.version = 14 : i64} {
  func.func @_norm_body(%arg0: i32, %arg1: memref<1x1000x128xf32, #tpu.memory_space<vmem>>, %arg2: memref<1x1000x128xf32, #tpu.memory_space<vmem>>, %arg3: memref<1x1000x8xf32, #tpu.memory_space<vmem>>, %arg4: memref<1x1000x8xf32, #tpu.memory_space<vmem>>, %arg5: memref<8x128xf32, #tpu.memory_space<vmem>>, %arg6: memref<128x128xf32, #tpu.memory_space<vmem>>, %arg7: memref<1000x128xf32, #tpu.memory_space<vmem>>) attributes {dimension_semantics = [#tpu.dimension_semantics<arbitrary>], iteration_bounds = array<i64: 10>, scalar_prefetch = 0 : i64, scratch_operands = 0 : i64, tpu.core_type = #tpu.core_type<tc>, window_params = [{transform_indices = @transform_0, window_bounds = array<i64: 1, 1000, 128>}, {transform_indices = @transform_1, window_bounds = array<i64: 1, 1000, 128>}, {transform_indices = @transform_2, window_bounds = array<i64: 1, 1000, 8>}, {transform_indices = @transform_3, window_bounds = array<i64: 1, 1000, 8>}, {pipeline_mode = #tpu.pipeline_mode<synchronous>, transform_indices = @transform_4, window_bounds = array<i64: 8, 128>}, {pipeline_mode = #tpu.pipeline_mode<synchronous>, transform_indices = @transform_5, window_bounds = array<i64: 128, 128>}, {transform_indices = @transform_6, window_bounds = array<i64: 1000, 128>}]} {
    %get3A = arith.constant 0 : index
    %get3A_0 = arith.constant 0 : index
    %get3A_1 = arith.constant 0 : index
    %get3A_2 = vector.load %arg3[%get3A, %get3A_0, %get3A_1] : memref<1x1000x8xf32, #tpu.memory_space<vmem>>, vector<1x1000x8xf32>
    %get3A_3 = vector.shape_cast %get3A_2 : vector<1x1000x8xf32> to vector<1000x8xf32>
    %get3A_4 = arith.constant 0 : index
    %get3A_5 = arith.constant 0 : index
    %get3A_6 = arith.constant 0 : index
    %get3A_7 = vector.load %arg4[%get3A_4, %get3A_5, %get3A_6] : memref<1x1000x8xf32, #tpu.memory_space<vmem>>, vector<1x1000x8xf32>
    %get3A_8 = vector.shape_cast %get3A_7 : vector<1x1000x8xf32> to vector<1000x8xf32>
    %add3A = arith.addf %get3A_3, %get3A_8 : vector<1000x8xf32>
    %max3A = arith.constant 1.000000e-16 : f32
    %max3A_9 = vector.broadcast %max3A : f32 to vector<1000x8xf32>
    %max3A_10 = arith.maximumf %add3A, %max3A_9 : vector<1000x8xf32>
    %div3A = arith.constant 1.000000e+00 : f32
    %div3A_11 = vector.broadcast %div3A : f32 to vector<1000x8xf32>
    %div3A_12 = arith.divf %div3A_11, %max3A_10 : vector<1000x8xf32>
    %get3A_13 = arith.constant 0 : index
    %get3A_14 = arith.constant 0 : index
    %get3A_15 = vector.load %arg5[%get3A_13, %get3A_14] : memref<8x128xf32, #tpu.memory_space<vmem>>, vector<8x128xf32>
    %dot_general3A = arith.constant dense<0.000000e+00> : vector<1000x128xf32>
    %dot_general3A_16 = tpu.matmul %div3A_12, %get3A_15, %dot_general3A {dimension_numbers = #tpu.dot_dimension_numbers<[1], [0], [0], [1], [0, 0, 1, 1], [], []>, transpose_lhs_hint = false} : vector<1000x8xf32>, vector<8x128xf32>, vector<1000x128xf32> -> vector<1000x128xf32>
    %get3A_17 = arith.constant 0 : index
    %get3A_18 = arith.constant 0 : index
    %get3A_19 = arith.constant 0 : index
    %get3A_20 = vector.load %arg1[%get3A_17, %get3A_18, %get3A_19] : memref<1x1000x128xf32, #tpu.memory_space<vmem>>, vector<1x1000x128xf32>
    %get3A_21 = vector.shape_cast %get3A_20 : vector<1x1000x128xf32> to vector<1000x128xf32>
    %get3A_22 = arith.constant 0 : index
    %get3A_23 = arith.constant 0 : index
    %get3A_24 = arith.constant 0 : index
    %get3A_25 = vector.load %arg2[%get3A_22, %get3A_23, %get3A_24] : memref<1x1000x128xf32, #tpu.memory_space<vmem>>, vector<1x1000x128xf32>
    %get3A_26 = vector.shape_cast %get3A_25 : vector<1x1000x128xf32> to vector<1000x128xf32>
    %add3A_27 = arith.addf %get3A_21, %get3A_26 : vector<1000x128xf32>
    %mul3A = arith.mulf %add3A_27, %dot_general3A_16 : vector<1000x128xf32>
    %get3A_28 = arith.constant 0 : index
    %get3A_29 = arith.constant 0 : index
    %get3A_30 = vector.load %arg6[%get3A_28, %get3A_29] : memref<128x128xf32, #tpu.memory_space<vmem>>, vector<128x128xf32>
    %dot_general3A_31 = arith.constant dense<0.000000e+00> : vector<1000x128xf32>
    %dot_general3A_32 = tpu.matmul %mul3A, %get3A_30, %dot_general3A_31 {dimension_numbers = #tpu.dot_dimension_numbers<[1], [0], [0], [1], [0, 0, 1, 1], [], []>, transpose_lhs_hint = false} : vector<1000x128xf32>, vector<128x128xf32>, vector<1000x128xf32> -> vector<1000x128xf32>
    %swap3A = arith.constant 0 : index
    %swap3A_33 = arith.constant 0 : index
    %swap3A_34 = vector.load %arg7[%swap3A, %swap3A_33] : memref<1000x128xf32, #tpu.memory_space<vmem>>, vector<1000x128xf32>
    tpu.vector_store %arg7[%swap3A, %swap3A_33], %dot_general3A_32 {strides = array<i32>} : memref<1000x128xf32, #tpu.memory_space<vmem>>, vector<1000x128xf32>,
    return
  }
  func.func @transform_0(%arg0: i32) -> (i32, i32, i32) {
    %c0_i32 = arith.constant 0 : i32
    %c0_i32_0 = arith.constant 0 : i32
    %c0_i32_1 = arith.constant 0 : i32
    return %c0_i32, %arg0, %c0_i32_0 : i32, i32, i32
  }
  func.func @transform_1(%arg0: i32) -> (i32, i32, i32) {
    %c1_i32 = arith.constant 1 : i32
    %c0_i32 = arith.constant 0 : i32
    %c0_i32_0 = arith.constant 0 : i32
    return %c1_i32, %arg0, %c0_i32 : i32, i32, i32
  }
  func.func @transform_2(%arg0: i32) -> (i32, i32, i32) {
    %c0_i32 = arith.constant 0 : i32
    %c0_i32_0 = arith.constant 0 : i32
    %c0_i32_1 = arith.constant 0 : i32
    return %c0_i32, %arg0, %c0_i32_0 : i32, i32, i32
  }
  func.func @transform_3(%arg0: i32) -> (i32, i32, i32) {
    %c1_i32 = arith.constant 1 : i32
    %c0_i32 = arith.constant 0 : i32
    %c0_i32_0 = arith.constant 0 : i32
    return %c1_i32, %arg0, %c0_i32 : i32, i32, i32
  }
  func.func @transform_4(%arg0: i32) -> (i32, i32) {
    %c0_i32 = arith.constant 0 : i32
    %c0_i32_0 = arith.constant 0 : i32
    %c0_i32_1 = arith.constant 0 : i32
    return %c0_i32, %c0_i32_0 : i32, i32
  }
  func.func @transform_5(%arg0: i32) -> (i32, i32) {
    %c0_i32 = arith.constant 0 : i32
    %c0_i32_0 = arith.constant 0 : i32
    %c0_i32_1 = arith.constant 0 : i32
    return %c0_i32, %c0_i32_0 : i32, i32
  }
  func.func @transform_6(%arg0: i32) -> (i32, i32) {
    %c0_i32 = arith.constant 0 : i32
    %c0_i32_0 = arith.constant 0 : i32
    return %arg0, %c0_i32 : i32, i32
  }
}

</mosaic_0001>

<sc_bundles>
// kernel: kernel.5.cloned.1.call-start
scs
__scs_entry_jumppad:
0x0: {  	(pc) =	sbr.rel $0x88, $3  }
0x1: {  	(tag) =	ssettag $0x0;
	lr =	simm.s32 $0x1  }
0x2: {  	[smem:$0x3F9D] =	sst lr;
	_ =	strace $0xD0000000  }
0x3: {  	_ = 	snop  }
0x4: {  	_ = 	snop  }
0x5: {  	_ = 	snop  }
0x6: {  	_ = 	snop  }
0x7: {  	_ = 	snop  }
__scs_overlays_trampoline_lowered:
0x8: {  	[smem:$0x3FAC] =	sst s0  }
0x9: {  	[smem:$0x3FAD] =	sst s1  }
0xa: {  	[smem:$0x3FAE] =	sst s2  }
0xb: {  	[smem:$0x3FAF] =	sst s3  }
0xc: {  	[smem:$0x3FB0] =	sst s4  }
0xd: {  	[smem:$0x3FB1] =	sst s5  }
0xe: {  	[smem:$0x3FB2] =	sst s6  }
0xf: {  	[smem:$0x3FB3] =	sst s7  }
0x10: {  	[smem:$0x3FB4] =	sst s8  }
0x11: {  	[smem:$0x3FB5] =	sst s9;
	s0 =	simm.s32 @!p0 $0x0  }
0x12: {  	s1 =	sld [smem:$0x3F9B];
	s0 =	simm.s32 @p0 $0x1  }
0x13: {  	[smem:$0x3FB6] =	sst s0;
	s0 =	simm.s32 @!p1 $0x0  }
0x14: {  	s2 =	sld [smem:$0x3F9A];
	s0 =	simm.s32 @p1 $0x1  }
0x15: {  	[smem:$0x3FB7] =	sst s0;
	s0 =	simm.s32 @!p2 $0x0  }
0x16: {  	s3 =	sld [smem:$0x3FDB];
	s0 =	simm.s32 @p2 $0x1  }
0x17: {  	s4 =	simm.s32 $0x1BF5;
	[smem:$0x3FB9] =	sst s0  }
0x18: {  	s0 =	sld [smem:$0x3F9C];
	_ =	swait.ge [sflag:s4], $0x0  }
0x19: {  	s7 =	sld [smem:$0x3F9D]  }
0x1a: {  	s8 =	sadd.s32 $0xFFFFE003, lr  }
0x1b: {  	s9 =	sadd.s32 $0xFFFFFEF7, lr;
	s5 =	simm.s32 $0xFFFFFFFF;
	p2 =	slt.u32 s8, $0xFFFFF086  }
0x1c: {  	p1 =	slt.u32 s9, $0xF7A;
	s5 =	simm.s32 @!p2 $0x0  }
0x1d: {  	s5 =	simm.s32 @p1 $0x1;
	p0 =	seq.s32 s7, s2  }
0x1e: {  	s7 =	smul.u32 @!p0 $0xF7A, s2;
	p2 =	seq.s32 @!p0 s5, $0x0  }
0x1f: {  	s9 =	smul.u32 $0xF7A, s1;
	s8 =	simm.s32 @!p0 $0x1BF5;
	p2 =	por !p2, p0  }
0x20: {  	[sflag:s8] =	ssyncset.s32 @!p0 $0xFFFFF086;
	s6 =	sadd.s32 @!p0 s3, s7;
	s7 =	simm.s32 @!p0 $0x108  }
0x21: {  	s3 =	sadd.s32 s3, s9;
	s6 =	sadd.s32 @!p0 $0x88, s6;
	s7 =	simm.s32 @p2 $0x1082  }
0x22: {  	[simem:s7], [sflag:s8] =	dma.local @!p0 [hbm:s6], $0xF7A  }
0x23: {  	s9 =	sor.u32 $0xD0000000, s2;
	s6 =	simm.s32 $0x108;
	_ =	swait.ge @!p0 [sflag:s8], $0x0  }
0x24: {  	s3 =	sadd.s32 $0x88, s3;
	s6 =	simm.s32 @!p1 $0x1082;
	[sflag:s4] =	ssyncset.s32 $0xFFFFF086  }
0x25: {  	[simem:s6], [sflag:s4] =	dma.local [hbm:s3], $0xF7A  }
0x26: {  	[smem:$0x3F9D] =	sst s1;
	(tag) =	ssettag s2;
	_ =	strace s9  }
0x27: {  	s1 =	sld [smem:$0x3FAD]  }
0x28: {  	s2 =	sld [smem:$0x3FAE]  }
0x29: {  	s4 =	sld [smem:$0x3FB0]  }
0x2a: {  	p0 =	seq.s32 s5, $0x0;
	s5 =	sld [smem:$0x3FB1]  }
0x2b: {  	s6 =	sld [smem:$0x3FB2]  }
0x2c: {  	s7 =	sld [smem:$0x3FB3]  }
0x2d: {  	s3 =	simm.s32 $0x108;
	s8 =	sld [smem:$0x3FB4]  }
0x2e: {  	s3 =	simm.s32 @!p0 $0x1082;
	s9 =	sld [smem:$0x3FB5]  }
0x2f: {  	lr =	sadd.s32 s0, s3;
	s0 =	sld [smem:$0x3FAC]  }
0x30: {  	s3 =	sld [smem:$0x3FAF]  }
0x31: {  	[smem:$0x3FB8] =	sst s10  }
0x32: {  	s10 =	sld [smem:$0x3FB6];
	_ =	sdelay $0x3  }
0x33: {  	p0 =	seq.s32 s10, $0x1;
	s10 =	sld [smem:$0x3FB8];
	_ =	sdelay $0x3  }
0x34: {  	[smem:$0x3FB8] =	sst s10  }
0x35: {  	s10 =	sld [smem:$0x3FB7];
	_ =	sdelay $0x3  }
0x36: {  	p1 =	seq.s32 s10, $0x1;
	s10 =	sld [smem:$0x3FB8];
	_ =	sdelay $0x3  }
0x37: {  	[smem:$0x3FB8] =	sst s10  }
0x38: {  	s10 =	sld [smem:$0x3FB9]  }
0x39: {  	_ = 	snop;
	(pc) =	sbr.ind lr, $3  }
0x3a: {  	_ = 	snop  }
0x3b: {  	_ = 	snop  }
0x3c: {  	p2 =	seq.s32 s10, $0x1;
	s10 =	sld [smem:$0x3FB8]  }
0x3d: {  	_ =	shalt  }
0x3e: {  	_ =	shalt  }
0x3f: {  	_ =	shalt  }
0x40: {  	_ =	shalt  }
0x41: {  	_ =	shalt  }
0x42: {  	_ =	shalt  }
0x43: {  	_ =	shalt  }
0x44: {  	_ =	shalt  }
0x45: {  	_ =	shalt  }
0x46: {  	_ =	shalt  }
0x47: {  	_ =	shalt  }
0x48: {  	_ =	shalt  }
0x49: {  	_ =	shalt  }
0x4a: {  	_ =	shalt  }
0x4b: {  	_ =	shalt  }
0x4c: {  	_ =	shalt  }
0x4d: {  	_ =	shalt  }
0x4e: {  	_ =	shalt  }
0x4f: {  	_ =	shalt  }
0x50: {  	_ =	shalt  }
0x51: {  	_ =	shalt  }
0x52: {  	_ =	shalt  }
0x53: {  	_ =	shalt  }
0x54: {  	_ =	shalt  }
0x55: {  	_ =	shalt  }
0x56: {  	_ =	shalt  }
0x57: {  	_ =	shalt  }
0x58: {  	_ =	shalt  }
0x59: {  	_ =	shalt  }
0x5a: {  	_ =	shalt  }
0x5b: {  	_ =	shalt  }
0x5c: {  	_ =	shalt  }
0x5d: {  	_ =	shalt  }
0x5e: {  	_ =	shalt  }
0x5f: {  	_ =	shalt  }
0x60: {  	_ =	shalt  }
0x61: {  	_ =	shalt  }
0x62: {  	_ =	shalt  }
0x63: {  	_ =	shalt  }
0x64: {  	_ =	shalt  }
0x65: {  	_ =	shalt  }
0x66: {  	_ =	shalt  }
0x67: {  	_ =	shalt  }
0x68: {  	_ =	shalt  }
0x69: {  	_ =	shalt  }
0x6a: {  	_ =	shalt  }
0x6b: {  	_ =	shalt  }
0x6c: {  	_ =	shalt  }
0x6d: {  	_ =	shalt  }
0x6e: {  	_ =	shalt  }
0x6f: {  	_ =	shalt  }
0x70: {  	_ =	shalt  }
0x71: {  	_ =	shalt  }
0x72: {  	_ =	shalt  }
0x73: {  	_ =	shalt  }
0x74: {  	_ =	shalt  }
0x75: {  	_ =	shalt  }
0x76: {  	_ =	shalt  }
0x77: {  	_ =	shalt  }
0x78: {  	_ =	shalt  }
0x79: {  	_ =	shalt  }
0x7a: {  	_ =	shalt  }
0x7b: {  	_ =	shalt  }
0x7c: {  	_ =	shalt  }
0x7d: {  	_ =	shalt  }
0x7e: {  	_ =	shalt  }
0x7f: {  	_ =	shalt  }
0x80: {  	_ =	shalt  }
0x81: {  	_ =	shalt  }
0x82: {  	_ =	shalt  }
0x83: {  	_ =	shalt  }
0x84: {  	_ =	shalt  }
0x85: {  	_ =	shalt  }
0x86: {  	_ =	shalt  }
0x87: {  	_ =	shalt  }
.Lfunc_end0:
.L_simem_size_0:
called_computation_lowered:
.L_overlay_start_0:
0x88: {  	s2 =	sld [smem:$0x3FD9]  }
0x89: {  	s3 =	sld [smem:$0x3FFE];
	_ =	sdelay $0x1  }
0x8a: {  	s1 =	srdreg.scid  }
0x8b: {  	s0 =	sand.u32 $0x1, s1  }
0x8c: {  	s17 =	sshll.u32 s0, $0xA;
	s2 =	sadd.s32 s3, s2  }
0x8d: {  	s2 =	sadd.s32 s2, s17  }
0x8e: {  	[smem:$0x3FC4] =	sst s2  }
0x8f: {  	_ = 	snop  }
0x90: {  	s2 =	sld [smem:$0x3FD0];
	(tm) =	ssettm $0x1  }
0x91: {  	s18 =	sld [smem:$0x3FFB];
	_ =	sdelay $0x3  }
0x92: {  	_ =	strace s18  }
0x93: {  	s3 =	sld [smem:$0x3FFC];
	_ =	sdelay $0x3  }
0x94: {  	_ =	strace s3  }
0x95: {  	s3 =	sld [smem:$0x3FFD];
	_ =	sdelay $0x3  }
0x96: {  	_ =	strace s3  }
0x97: {  	_ =	strace $0x8FFFFFFF  }
0x98: {  	s19 =	sld [smem:$0x3FDB];
	_ =	sdelay $0x1  }
0x99: {  	s4 =	simm.s32 $_scs_section_size  }
0x9a: {  	s5 =	simm.s32 $_size__tile_overlayer_lowered;
	s6 =	simm.s32 $_tile_overlayer_lowered  }
0x9b: {  	s22 =	simm.s32 $0x1BFF;
	s21 =	sshll.u32 s6, $0x1;
	s3 =	sadd.s32 s4, s19  }
0x9c: {  	s7 =	simm.s32 $0x0;
	s20 =	sshll.u32 s5, $0x1;
	s5 =	sadd.s32 s21, s3  }
0x9d: {  	[timem:s7], [sflag:s22] =	dma.local [hbm:s5], s20  }
0x9e: {  	_ =	swait.ge [sflag:s22], s20  }
0x9f: {  	s4 =	ssub.s32 $0x0, s20;
	[sflag:s22] =	ssyncset.done $0x0  }
0xa0: {  	[sflag:s22] =	ssyncadd.s32 s4;
	_ =	sdelay $0x1  }
0xa1: {  	s23 =	simm.s32 $0x1B8B  }
0xa2: {  	_ =	swait.ge [sflag:s23], $0x1  }
0xa3: {  	[sflag:s23] =	ssyncset.done $0x0  }
0xa4: {  	s25 =	simm.s32 $0x1B8E;
	s24 =	sld [smem:$0x3FFE];
	[sflag:s23] =	ssyncadd.s32 $0xFFFFFFFF  }
0xa5: {  	s26 =	simm.s32 $execute0_lowered;
	[smem:$0x3FD2] =	sst s25  }
0xa6: {  	s5 =	sshll.u32 s26, $0x1;
	_ =	strace $0x80000046;
	[dreg:$0x1] =	wrdreg $0xFFFFFFFF  }
0xa7: {  	s28 =	simm.s32 $_size_execute0_lowered;
	s3 =	sadd.s32 s3, s5;
	[dreg:$0x0] =	wrdreg $0x0  }
0xa8: {  	s5 =	sshll.u32 s28, $0x1;
	[dreg:$0x2] =	wrdreg s3  }
0xa9: {  	[dreg:$0x3] =	wrdreg s5  }
0xaa: {  	[dreg:$0x4] =	wrdreg $0xC0  }
0xab: {  	_ =	task [dreg:s7], $0x5FFFF  }
0xac: {  	[dreg:$0x1] =	wrdreg $0xFFFFFFFF  }
0xad: {  	[dreg:$0x0] =	wrdreg $0x60  }
0xae: {  	[dreg:$0x2] =	wrdreg s24  }
0xaf: {  	[dreg:$0x3] =	wrdreg s2  }
0xb0: {  	[dreg:$0x4] =	wrdreg $0x68200  }
0xb1: {  	[dreg:$0x5] =	wrdreg $0x1A8200  }
0xb2: {  	[dreg:$0x6] =	wrdreg $0x9  }
0xb3: {  	_ =	task.clear_ibuf [dreg:s7], $0x7FFFF;
	_ =	strace $0x90000046  }
0xb4: {  	s29 =	simm.s32 $0x9;
	_ =	strace $0x80000048  }
0xb5: {  	_ =	swait.ge [sflag:s29], $0x1  }
0xb6: {  	[sflag:s29] =	ssyncadd.s32 $0xFFFFFFFF  }
0xb7: {  	_ =	strace $0x90000048  }
0xb8: {  	_ =	sfence  }
0xb9: {  	s30 =	sld [smem:$0x0];
	_ =	sdelay $0x2  }
0xba: {  	s31 =	sshll.u32 s1, $0xD;
	s1 =	sshrl.u32 s1, $0x2  }
0xbb: {  	s3 =	sand.u32 $0x4000, s31;
	s1 =	sadd.s32 s1, s30  }
0xbc: {  	s0 =	sor.u32 s3, s0;
	s1 =	sshll.u32 s1, $0x11  }
0xbd: {  	s0 =	sor.u32 s1, s0  }
0xbe: {  	s0 =	sadd.s32 $0x8F2B, s0  }
0xbf: {  	[sflag:s0] =	ssyncadd.remote.s32 $0x1  }
0xc0: {  	_ =	sfence.sel $0xFFFF  }
0xc1: {  	[dreg:$0x0] =	wrdreg $0xFFFFFFFF;
	(pc) =	sbr.abs _section_cstart, $3  }
0xc2: {  	[dreg:$0x1] =	wrdreg $0xFFFFFFFF  }
0xc3: {  	_ =	task.clear_ibuf [dreg:s7], $0x2FFFF;
	_ =	strace $0x9FFFFFFF  }
0xc4: {  	(tm) =	ssettm $0x7FFFFFFF  }
0xc5: {  	_ =	shalt  }
tec
execute0_lowered:
.L_overlay_start_1:
0x0: {  	(tag) =	ssettag $0x1  }
0x1: {  	s0 =	rddreg [dreg:$0x0]  }
0x2: {  	s2 =	rddreg [dreg:$0x2]  }
0x3: {  	s1 =	rddreg [dreg:$0x3]  }
0x4: {  	s3 =	simm.s32 $0x0;
	s4 =	srdreg.scid;
	s15 =	stileid.u32  }
0x5: {  	s28 =	simm.s32 $0x1;
	s29 =	simm.s32 $0x4;
	s18 =	smul.u32 $0x14000, s15  }
0x6: {  	[smem:$0x7FF] =	sst s3;
	s6 =	sadd.s32 $0x14400, s0;
	s19 =	smul.u32 $0x1400, s15  }
0x7: {  	s4 =	sand.u32 $0x1, s4;
	s7 =	sadd.s32 $0x19400, s0;
	s21 =	smul.u32 $0x50000, s15  }
0x8: {  	s9 =	sadd.s32 $0x600, s0;
	s12 =	sadd.s32 $0x14200, s0;
	s5 =	smul.u32 $0x28000, s4  }
0x9: {  	_ =	strace $0x80000047;
	s8 =	sshll.u32 s4, $0x4;
	s10 =	smul.u32 $0x2800, s4  }
0xa: {  	[dreg:$0x6] =	wrdreg s12;
	s4 =	ssub.s32 $0x2, s4;
	s11 =	sor.u32 s15, s8  }
0xb: {  	s8 =	sadd.s32 $0xA400, s0;
	s30 =	sshrl.u32 s4, $0x1;
	s20 =	sshrl.u32 s18, $0x3  }
0xc: {  	s22 =	sshrl.u32 s19, $0x3;
	s23 =	sshrl.u32 s21, $0x2;
	s11 =	smul.u32 $0x2710, s11  }
0xd: {  	s5 =	sadd.s32 s5, s0;
	s0 =	sadd.s32 s10, s0;
	s10 =	smul.u32 $0x280, s15  }
0xe: {  	s4 =	ssub.s32 s4, s30;
	s15 =	smul.u32 $0x5000, s15;
	s24 =	sadd.s32 s23, s2  }
0xf: {  	s5 =	sadd.s32 $0x23400, s5;
	s0 =	sadd.s32 $0x1E400, s0;
	s4 =	smax.u32 s4, $0x1  }
0x10: {  	[dreg:$0xf] =	wrdreg s24;
	s31 =	sshrl.u32 s11, $0x3;
	s17 =	sadd.s32 $0xA0, s11  }
0x11: {  	s11 =	sadd.s32 $0xF0, s11;
	s5 =	sadd.s32 s20, s5;
	[dreg:$0xe] =	wrdreg s4  }
0x12: {  	s25 =	sshrl.u32 s15, $0x2;
	s0 =	sadd.s32 s22, s0;
	s26 =	sor.u32 $0x50, s10  }
0x13: {  	s15 =	sadd.s32 $0xF0, s10;
	s20 =	sadd.s32 $0x190, s10;
	s23 =	sadd.s32 $0x1E0, s10  }
0x14: {  	s24 =	sadd.s32 $0x230, s10;
	s13 =	sadd.s32 $0xA, s31;
	[dreg:$0xb] =	wrdreg s17  }
0x15: {  	s14 =	sadd.s32 s8, s31;
	s12 =	sadd.s32 s9, s31;
	[dreg:$0xc] =	wrdreg s11  }
0x16: {  	[dreg:$0xd] =	wrdreg s5;
	s11 =	sadd.s32 s19, s1;
	s4 =	sadd.s32 s25, s1  }
0x17: {  	[dreg:$0x11] =	wrdreg s0;
	s30 =	sshll.u32 s26, $0x7;
	s0 =	sshll.u32 s26, $0x3  }
0x18: {  	s31 =	sadd.s32 $0xA0, s10;
	s21 =	sshll.u32 s20, $0x7;
	[dreg:$0x7] =	wrdreg s14  }
0x19: {  	s22 =	sshll.u32 s20, $0x3;
	s25 =	sshll.u32 s23, $0x7;
	[dreg:$0x8] =	wrdreg s12  }
0x1a: {  	s26 =	sshll.u32 s24, $0x7;
	s14 =	sadd.s32 s8, s13;
	[dreg:$0x10] =	wrdreg s4  }
0x1b: {  	s20 =	simm.s32 $0x50;
	s16 =	sadd.s32 s9, s13;
	[dreg:$0x9] =	wrdreg s14  }
0x1c: {  	s12 =	sadd.s32 s18, s2;
	s4 =	sadd.s32 s30, s2;
	[dreg:$0xa] =	wrdreg s16  }
0x1d: {  	s0 =	sadd.s32 s0, s1;
	s13 =	sshll.u32 s31, $0x7;
	[dreg:$0x12] =	wrdreg s4  }
0x1e: {  	s18 =	sadd.s32 $0x140, s10;
	s5 =	sadd.s32 s25, s2;
	[dreg:$0x13] =	wrdreg s0  }
0x1f: {  	s10 =	simm.s32 $0x2;
	s0 =	sadd.s32 s13, s2;
	[dreg:$0x1c] =	wrdreg s5  }
0x20: {  	s14 =	sshll.u32 s31, $0x3;
	s30 =	sshrl.u32 s12, $0x3;
	[dreg:$0x14] =	wrdreg s0  }
0x21: {  	s16 =	sshll.u32 s15, $0x7;
	s31 =	sshrl.u32 s11, $0x3;
	[smem:$0x7FC] =	sst s30  }
0x22: {  	s4 =	sshll.u32 s15, $0x3;
	s0 =	sadd.s32 s14, s1;
	[smem:$0x7FD] =	sst s31  }
0x23: {  	s19 =	sshll.u32 s18, $0x7;
	s17 =	sadd.s32 s4, s1;
	[dreg:$0x15] =	wrdreg s0  }
0x24: {  	s5 =	simm.s32 $0x140;
	s4 =	sadd.s32 s19, s2;
	[dreg:$0x17] =	wrdreg s17  }
0x25: {  	s0 =	sadd.s32 s16, s2;
	[dreg:$0x18] =	wrdreg s4;
	s4 =	sshll.u32 s23, $0x3  }
0x26: {  	[dreg:$0x16] =	wrdreg s0;
	s0 =	sshll.u32 s18, $0x3;
	s4 =	sadd.s32 s4, s1  }
0x27: {  	s19 =	simm.s32 $0x5;
	s0 =	sadd.s32 s0, s1;
	[dreg:$0x1d] =	wrdreg s4  }
0x28: {  	s17 =	simm.s32 $0x6590;
	[dreg:$0x19] =	wrdreg s0;
	s0 =	sadd.s32 s21, s2  }
0x29: {  	v3 =	vlaneseq.u32;
	s23 =	simm.s32 $0x3;
	[dreg:$0x1a] =	wrdreg s0;
	s0 =	sadd.s32 s22, s1  }
0x2a: {  	v0 =	vshrl.u32 v3, $0x3;
	s2 =	sadd.s32 s26, s2;
	[dreg:$0x1b] =	wrdreg s0;
	s0 =	sshll.u32 s24, $0x3  }
0x2b: {  	v1 =	vimm.f32 $0.0e+00;
	v3 =	vand.u32 $0x7, v3;
	v2 =	vmul.u32 $0x8, v0;
	s18 =	simm.s32 $0x3D90;
	[dreg:$0x1e] =	wrdreg s2;
	s0 =	sadd.s32 s0, s1  }
0x2c: {  	v4 =	vor.u32 $0x2, v0;
	v5 =	vor.u32 $0x4, v0;
	v6 =	vor.u32 $0x6, v0;
	s21 =	simm.s32 $0xA0;
	s22 =	smov.u32 s1;
	[dreg:$0x1f] =	wrdreg s0  }
.LBB2_1:
0x2d: {  	p0 =	por $0x0, $0x0  }
.Ltmp0:
0x2e: {  	_ = 	snop;
	(pc) =	sbr.rel @p0 .LBB2_3-.Ltmp0, $2  }
0x2f: {  	_ =	sdelay $0x2  }
0x30: {  	s0 =	simm.s32 $0x0;
	s4 =	simm.s32 $0x200  }
.LBB2_2:
0x31: {  	p0 =	seq.s32 s4, $0x9E00;
	[tilespmem:s0+$0x3E00] =	vst v1  }
0x32: {  	[tilespmem:s0+$0x3D90] =	vst v1  }
0x33: {  	[tilespmem:s0+$0x3DA0] =	vst v1  }
.Ltmp1:
0x34: {  	[tilespmem:s0+$0x3DB0] =	vst v1;
	(pc) =	sbr.rel @!p0 .LBB2_2-.Ltmp1, $4  }
0x35: {  	[tilespmem:s0+$0x3DC0] =	vst v1  }
0x36: {  	[tilespmem:s0+$0x3DD0] =	vst v1  }
0x37: {  	[tilespmem:s0+$0x3DE0] =	vst v1  }
0x38: {  	[tilespmem:s0+$0x3DF0] =	vst v1;
	s0 =	sshra.s32 s4, $0x2;
	s4 =	sadd.s32 $0x200, s4  }
.LBB2_3:
0x39: {  	[tilespmem:s0+$0x3E00] =	vst v1  }
0x3a: {  	[tilespmem:s0+$0x3D90] =	vst v1  }
0x3b: {  	[tilespmem:s0+$0x3DA0] =	vst v1  }
0x3c: {  	[tilespmem:s0+$0x3DB0] =	vst v1;
	s31 =	simm.s32 $0x0  }
0x3d: {  	[tilespmem:s0+$0x3DC0] =	vst v1;
	v7 =	vmov s31  }
0x3e: {  	[tilespmem:s0+$0x3DD0] =	vst v1;
	v7 =	vshll.u32 v7, $0x3  }
0x3f: {  	[tilespmem:s0+$0x3DE0] =	vst v1;
	v7 =	vor.u32 v2, v7  }
0x40: {  	[tilespmem:s0+$0x3DF0] =	vst v1;
	s0 =	simm.s32 $0x2;
	v7 =	vor.u32 v3, v7  }
.LBB2_4:
0x41: {  	p0 =	seq.s32 s0, $0x4E  }
.Ltmp2:
0x42: {  	_ = 	snop;
	(pc) =	sbr.rel @!p0 .LBB2_4-.Ltmp2, $4  }
0x43: {  	v8 =	vmov s0  }
0x44: {  	v8 =	vshll.u32 v8, $0x3  }
0x45: {  	v8 =	vor.u32 v2, v8  }
0x46: {  	s0 =	sadd.s32 $0x2, s0;
	[tilespmem:v7+s17+$0x0] =	vst.idx.msk $0xffff, v1;
	v7 =	vor.u32 v3, v8  }
0x47: {  	_ =	sdelay $0x2  }
0x48: {  	[dreg:$0x5] =	wrdreg s3  }
0x49: {  	[tilespmem:v7+s17+$0x0] =	vst.idx.msk $0xffff, v1;
	s0 =	rddreg [dreg:$0xf]  }
0x4a: {  	[spmem:s0] =	stream.linear.scatter [tilespmem:s18], [sflag:$0x5], $0x2800, $0x38;
	[tilespmem:$0x1BC20] =	vst v63  }
0x4b: {  	_ =	swait.ge [sflag:s19], $0x2800  }
0x4c: {  	[sflag:s19] =	ssyncset.done $0x0  }
0x4d: {  	s12 =	rddreg [dreg:$0x10];
	[sflag:s19] =	ssyncadd.s32 $0xFFFFD800  }
0x4e: {  	[spmem:s12] =	stream.linear.scatter [tilespmem:s17], [sflag:$0x5], $0x280, $0x38;
	[tilespmem:$0x1BC20] =	vst v63  }
0x4f: {  	_ =	swait.ge [sflag:s19], $0x280  }
0x50: {  	[sflag:s19] =	ssyncset.done $0x0  }
0x51: {  	s13 =	rddreg [dreg:$0x12];
	[sflag:s19] =	ssyncadd.s32 $0xFFFFFD80  }
0x52: {  	[spmem:s13] =	stream.linear.scatter [tilespmem:s18], [sflag:$0x5], $0x2800, $0x38;
	[tilespmem:$0x1BC20] =	vst v63  }
0x53: {  	_ =	swait.ge [sflag:s19], $0x2800  }
0x54: {  	[sflag:s19] =	ssyncset.done $0x0  }
0x55: {  	s14 =	rddreg [dreg:$0x13];
	[sflag:s19] =	ssyncadd.s32 $0xFFFFD800  }
0x56: {  	[spmem:s14] =	stream.linear.scatter [tilespmem:s17], [sflag:$0x5], $0x280, $0x38;
	[tilespmem:$0x1BC20] =	vst v63  }
0x57: {  	_ =	swait.ge [sflag:s19], $0x280  }
0x58: {  	[sflag:s19] =	ssyncset.done $0x0  }
0x59: {  	s15 =	rddreg [dreg:$0x14];
	[sflag:s19] =	ssyncadd.s32 $0xFFFFFD80  }
0x5a: {  	[spmem:s15] =	stream.linear.scatter [tilespmem:s18], [sflag:$0x5], $0x2800, $0x38;
	[tilespmem:$0x1BC20] =	vst v63  }
0x5b: {  	_ =	swait.ge [sflag:s19], $0x2800  }
0x5c: {  	[sflag:s19] =	ssyncset.done $0x0  }
0x5d: {  	s16 =	rddreg [dreg:$0x15];
	[sflag:s19] =	ssyncadd.s32 $0xFFFFD800  }
0x5e: {  	[spmem:s16] =	stream.linear.scatter [tilespmem:s17], [sflag:$0x5], $0x280, $0x38;
	[tilespmem:$0x1BC20] =	vst v63  }
0x5f: {  	_ =	swait.ge [sflag:s19], $0x280  }
0x60: {  	[sflag:s19] =	ssyncset.done $0x0  }
0x61: {  	s24 =	rddreg [dreg:$0x16];
	[sflag:s19] =	ssyncadd.s32 $0xFFFFFD80  }
0x62: {  	[spmem:s24] =	stream.linear.scatter [tilespmem:s18], [sflag:$0x5], $0x2800, $0x38;
	[tilespmem:$0x1BC20] =	vst v63  }
0x63: {  	_ =	swait.ge [sflag:s19], $0x2800  }
0x64: {  	[sflag:s19] =	ssyncset.done $0x0  }
0x65: {  	s25 =	rddreg [dreg:$0x17];
	[sflag:s19] =	ssyncadd.s32 $0xFFFFD800  }
0x66: {  	[spmem:s25] =	stream.linear.scatter [tilespmem:s17], [sflag:$0x5], $0x280, $0x38;
	[tilespmem:$0x1BC20] =	vst v63  }
0x67: {  	_ =	swait.ge [sflag:s19], $0x280  }
0x68: {  	[sflag:s19] =	ssyncset.done $0x0  }
0x69: {  	s26 =	rddreg [dreg:$0x18];
	[sflag:s19] =	ssyncadd.s32 $0xFFFFFD80  }
0x6a: {  	[spmem:s26] =	stream.linear.scatter [tilespmem:s18], [sflag:$0x5], $0x2800, $0x38;
	[tilespmem:$0x1BC20] =	vst v63  }
0x6b: {  	_ =	swait.ge [sflag:s19], $0x2800  }
0x6c: {  	[sflag:s19] =	ssyncset.done $0x0  }
0x6d: {  	s30 =	rddreg [dreg:$0x19];
	[sflag:s19] =	ssyncadd.s32 $0xFFFFD800  }
0x6e: {  	[spmem:s30] =	stream.linear.scatter [tilespmem:s17], [sflag:$0x5], $0x280, $0x38;
	[tilespmem:$0x1BC20] =	vst v63  }
0x6f: {  	_ =	swait.ge [sflag:s19], $0x280  }
0x70: {  	[sflag:s19] =	ssyncset.done $0x0  }
0x71: {  	s31 =	rddreg [dreg:$0x1a];
	[sflag:s19] =	ssyncadd.s32 $0xFFFFFD80  }
0x72: {  	[spmem:s31] =	stream.linear.scatter [tilespmem:s18], [sflag:$0x5], $0x2800, $0x38;
	[tilespmem:$0x1BC20] =	vst v63  }
0x73: {  	_ =	swait.ge [sflag:s19], $0x2800  }
0x74: {  	[sflag:s19] =	ssyncset.done $0x0  }
0x75: {  	s1 =	rddreg [dreg:$0x1b];
	[sflag:s19] =	ssyncadd.s32 $0xFFFFD800  }
0x76: {  	[spmem:s1] =	stream.linear.scatter [tilespmem:s17], [sflag:$0x5], $0x280, $0x38;
	[tilespmem:$0x1BC20] =	vst v63  }
0x77: {  	_ =	swait.ge [sflag:s19], $0x280  }
0x78: {  	[sflag:s19] =	ssyncset.done $0x0  }
0x79: {  	s2 =	rddreg [dreg:$0x1c];
	[sflag:s19] =	ssyncadd.s32 $0xFFFFFD80  }
0x7a: {  	[spmem:s2] =	stream.linear.scatter [tilespmem:s18], [sflag:$0x5], $0x2800, $0x38;
	[tilespmem:$0x1BC20] =	vst v63  }
0x7b: {  	_ =	swait.ge [sflag:s19], $0x2800  }
0x7c: {  	[sflag:s19] =	ssyncset.done $0x0  }
0x7d: {  	s3 =	rddreg [dreg:$0x1d];
	[sflag:s19] =	ssyncadd.s32 $0xFFFFD800  }
0x7e: {  	[spmem:s3] =	stream.linear.scatter [tilespmem:s17], [sflag:$0x5], $0x280, $0x38;
	[tilespmem:$0x1BC20] =	vst v63  }
0x7f: {  	_ =	swait.ge [sflag:s19], $0x280  }
0x80: {  	[sflag:s19] =	ssyncset.done $0x0  }
0x81: {  	s4 =	rddreg [dreg:$0x1e];
	[sflag:s19] =	ssyncadd.s32 $0xFFFFFD80  }
0x82: {  	[spmem:s4] =	stream.linear.scatter [tilespmem:s18], [sflag:$0x5], $0x2800, $0x38;
	[tilespmem:$0x1BC20] =	vst v63  }
0x83: {  	_ =	swait.ge [sflag:s19], $0x2800  }
0x84: {  	[sflag:s19] =	ssyncset.done $0x0  }
0x85: {  	s11 =	rddreg [dreg:$0x1f];
	[sflag:s19] =	ssyncadd.s32 $0xFFFFD800  }
0x86: {  	[spmem:s11] =	stream.linear.scatter [tilespmem:s17], [sflag:$0x5], $0x280, $0x38;
	[tilespmem:$0x1BC20] =	vst v63  }
0x87: {  	_ =	swait.ge [sflag:s19], $0x280  }
0x88: {  	[sflag:s19] =	ssyncset.done $0x0  }
0x89: {  	[sflag:s19] =	ssyncadd.s32 $0xFFFFFD80  }
0x8a: {  	[bflag:$0x0] =	sbarrier.arrive $0xFFFF  }
0x8b: {  	s1 =	simm.s32 $0x6810;
	s11 =	simm.s32 $0x0;
	s12 =	rddreg [dreg:$0x6]  }
0x8c: {  	[tilespmem:s1], [sflag:$0x5] =	stream.linear.gather [hbm4b:s12+s11], $0x10, $0x38;
	[tilespmem:$0x1BC20] =	vst v63  }
0x8d: {  	_ =	swait.ge [sflag:s19], $0x10  }
0x8e: {  	[sflag:s19] =	ssyncset.done $0x0  }
0x8f: {  	s13 =	rddreg [dreg:$0x7];
	[sflag:s19] =	ssyncadd.s32 $0xFFFFFFF0  }
0x90: {  	v7 =	vld [tilespmem:$0x6810];
	[tilespmem:s11], [sflag:$0x3] =	stream.linear.gather [hbm4b:s13+s11], $0x50, $0x38  }
0x91: {  	s14 =	rddreg [dreg:$0x8]  }
0x92: {  	[tilespmem:s20], [sflag:$0x3] =	stream.linear.gather [hbm4b:s14+s11], $0x50, $0x38;
	[tilespmem:$0x1BC20] =	vst v63  }
0x93: {  	s15 =	rddreg [dreg:$0x9]  }
0x94: {  	[tilespmem:s21], [sflag:$0x4] =	stream.linear.gather [hbm4b:s15+s11], $0x50, $0x38;
	[tilespmem:$0x1BC20] =	vst v63  }
0x95: {  	s24 =	simm.s32 $0xF0;
	s16 =	rddreg [dreg:$0xa]  }
0x96: {  	[tilespmem:s24], [sflag:$0x4] =	stream.linear.gather [hbm4b:s16+s11], $0x50, $0x38;
	[tilespmem:$0x1BC20] =	vst v63  }
0x97: {  	_ =	swait.ge [sflag:s23], $0x50  }
0x98: {  	[sflag:s23] =	ssyncset.done $0x0  }
0x99: {  	[sflag:s23] =	ssyncadd.s32 $0xFFFFFFB0  }
0x9a: {  	_ =	swait.ge [sflag:s23], $0x50  }
0x9b: {  	[sflag:s23] =	ssyncset.done $0x0  }
0x9c: {  	s25 =	simm.s32 $0x190;
	[sflag:s23] =	ssyncadd.s32 $0xFFFFFFB0  }
0x9d: {  	[tilespmem:s25], [sflag:$0x1] =	stream.indirect.gather [hbm4b:s6+s20], $0x10, s11, s20, $0xb8;
	[tilespmem:$0x1BC20] =	vst v63  }
0x9e: {  	s26 =	simm.s32 $0x690  }
0x9f: {  	[tilespmem:s26], [sflag:$0x1] =	stream.indirect.gather [hbm4b:s7+s20], $0x10, s20, s20, $0xb8;
	[tilespmem:$0x1BC20] =	vst v63  }
0xa0: {  	s31 =	simm.s32 $0xB90;
	s12 =	simm.s32 $0x0;
	s30 =	rddreg [dreg:$0x1]  }
0xa1: {  	[tilespmem:s31], [sflag:$0x1] =	stream.indirect.gather [hbm4b:s30+s20], $0x40, s11, s20, $0xb8;
	[tilespmem:$0x1BC20] =	vst v63  }
.LBB2_6:
0xa2: {  	_ =	swait.ge [sflag:s28], $0x500  }
0xa3: {  	[sflag:s28] =	ssyncset.done $0x0  }
0xa4: {  	[sflag:s28] =	ssyncadd.s32 $0xFFFFFB00  }
0xa5: {  	_ =	swait.ge [sflag:s28], $0x500  }
0xa6: {  	[sflag:s28] =	ssyncset.done $0x0  }
0xa7: {  	[sflag:s28] =	ssyncadd.s32 $0xFFFFFB00  }
0xa8: {  	_ =	swait.ge [sflag:s28], $0x1400  }
0xa9: {  	[sflag:s28] =	ssyncset.done $0x0  }
0xaa: {  	[sflag:s28] =	ssyncadd.s32 $0xFFFFEC00  }
0xab: {  	v8 =	vld [tilespmem:$0x50]  }
0xac: {  	v9 =	vld [tilespmem:$0x60]  }
0xad: {  	v10 =	vld [tilespmem:$0x70]  }
0xae: {  	v11 =	vld [tilespmem:$0x80]  }
0xaf: {  	v12 =	vld [tilespmem:$0x90]  }
0xb0: {  	[tilespmem:$0x140] =	vst v8  }
0xb1: {  	[tilespmem:$0x150] =	vst v9  }
0xb2: {  	[tilespmem:$0x160] =	vst v10  }
0xb3: {  	[tilespmem:$0x170] =	vst v11  }
0xb4: {  	[tilespmem:$0x180] =	vst v12  }
0xb5: {  	_ =	swait.ge [sflag:s29], $0x50  }
0xb6: {  	[sflag:s29] =	ssyncset.done $0x0  }
0xb7: {  	[sflag:s29] =	ssyncadd.s32 $0xFFFFFFB0  }
0xb8: {  	_ =	swait.ge [sflag:s29], $0x50  }
0xb9: {  	s0 =	simm.s32 $0x1F90;
	[sflag:s29] =	ssyncset.done $0x0  }
0xba: {  	s26 =	smul.u32 $0xA0, s12;
	s4 =	rddreg [dreg:$0xb];
	[sflag:s29] =	ssyncadd.s32 $0xFFFFFFB0  }
0xbb: {  	[tilespmem:s0], [sflag:$0x2] =	stream.indirect.gather [hbm4b:s6+s20], $0x10, s21, s20, $0xb8;
	[tilespmem:$0x1BC20] =	vst v63  }
0xbc: {  	s25 =	simm.s32 $0xF0;
	s1 =	simm.s32 $0x2490;
	s0 =	sadd.s32 s26, s4  }
0xbd: {  	[tilespmem:s1], [sflag:$0x2] =	stream.indirect.gather [hbm4b:s7+s20], $0x10, s25, s20, $0xb8;
	[tilespmem:$0x1BC20] =	vst v63  }
0xbe: {  	s2 =	simm.s32 $0x2990;
	s3 =	rddreg [dreg:$0x1];
	s0 =	sshrl.u32 s0, $0x3  }
0xbf: {  	[tilespmem:s2], [sflag:$0x2] =	stream.indirect.gather [hbm4b:s3+s20], $0x40, s21, s20, $0xb8;
	[tilespmem:$0x1BC20] =	vst v63  }
0xc0: {  	s4 =	sadd.s32 s8, s0  }
0xc1: {  	[tilespmem:s11], [sflag:$0x3] =	stream.linear.gather [hbm4b:s4+s11], $0x50, $0x38;
	[tilespmem:$0x1BC20] =	vst v63  }
0xc2: {  	s13 =	simm.s32 $0x1B0;
	s0 =	sadd.s32 s9, s0  }
0xc3: {  	[tilespmem:s20], [sflag:$0x3] =	stream.linear.gather [hbm4b:s0+s11], $0x50, $0x38;
	[tilespmem:$0x1BC20] =	vst v63  }
0xc4: {  	s14 =	simm.s32 $0x6B0;
	v8 =	vld [tilespmem:s13+$0x10]  }
0xc5: {  	v9 =	vld [tilespmem:s14+$0x10];
	_ =	sdelay $0x3  }
0xc6: {  	v10 =	vld [tilespmem:s13+$0xFFFFFFF0]  }
0xc7: {  	v11 =	vld [tilespmem:s14+$0xFFFFFFE0];
	v8 =	vadd.f32 v9, v8  }
0xc8: {  	v9 =	vld [tilespmem:s14+$0xFFFFFFF0]  }
0xc9: {  	v13 =	vld [tilespmem:s13+$0xFFFFFFE0];
	v12 =	vmul.f32 $2.000000030e-01, v8;
	_ =	sdelay $0x1  }
0xca: {  	v8 =	vmax.f32 v8, v12  }
0xcb: {  	v8 =	vsub.f32 v8, v7  }
0xcc: {  	v9 =	vadd.f32 v9, v10  }
0xcd: {  	v11 =	vadd.f32 v11, v13;
	v8 =	vmul.f32 $1.442695020e+00, v8  }
0xce: {  	v10 =	vmul.f32 $2.000000030e-01, v9  }
0xcf: {  	v12 =	vld [tilespmem:s14+$0x0];
	(erf) = vpow2.f32 v8;
	v8 =	vmul.f32 $2.000000030e-01, v11  }
0xd0: {  	v9 =	vmax.f32 v9, v10;
	v10 =	vld [tilespmem:s13+$0x0]  }
0xd1: {  	v9 =	vsub.f32 v9, v7;
	v8 =	vmax.f32 v11, v8  }
0xd2: {  	v8 =	vsub.f32 v8, v7  }
0xd3: {  	s15 =	simm.s32 $0x18;
	v9 =	vmul.f32 $1.442695020e+00, v9  }
0xd4: {  	v11 =	vor.u32 s15, v3;
	v8 =	vmul.f32 $1.442695020e+00, v8  }
0xd5: {  	(erf) = vpow2.f32 v9;
	v9 =	vadd.f32 v12, v10;
	_ =	sdelay $0x1  }
0xd6: {  	(erf) = vpow2.f32 v8;
	v10 =	vmul.f32 $2.000000030e-01, v9  }
0xd7: {  	s3 =	simm.s32 $0x230;
	v8 =	vpop (erf)  }
0xd8: {  	s16 =	simm.s32 $0x8;
	s0 =	simm.s32 $0xC10;
	v37 =	vld [tilespmem:s3+$0x10];
	v9 =	vmax.f32 v9, v10;
	[tilespmem:v11+s17+$0x0] =	vst.idx.msk $0xff, v8  }
0xd9: {  	v11 =	vor.u32 s16, v3;
	v9 =	vsub.f32 v9, v7;
	v12 =	vld [tilespmem:s0+$0x40]  }
0xda: {  	s24 =	simm.s32 $0x0;
	v44 =	vld [tilespmem:s3+$0xFFFFFFF0];
	s14 =	simm.s32 $0x6F0  }
0xdb: {  	v19 =	vld [tilespmem:s14+$0xFFFFFFF0];
	v10 =	vor.u32 s24, v3;
	v9 =	vmul.f32 $1.442695020e+00, v9  }
0xdc: {  	v30 =	vld [tilespmem:s14+$0x0];
	s13 =	simm.s32 $0x1F0  }
0xdd: {  	v17 =	vld [tilespmem:s13+$0xFFFFFFF0];
	v14 =	vperm.xlane v8, v0;
	v13 =	vpop (erf)  }
0xde: {  	v20 =	vld [tilespmem:s13+$0x0];
	s16 =	simm.s32 $0x730;
	[tilespmem:v11+s17+$0x0] =	vst.idx.msk $0xff, v13;
	v11 =	vshll.u32 v12, $0x10  }
0xdf: {  	v39 =	vld [tilespmem:s16+$0x10];
	(erf) = vpow2.f32 v9;
	v9 =	vpop (erf);
	v12 =	vand.u32 $0xFFFF0000, v12;
	v11 =	vmul.f32 v11, v14  }
0xe0: {  	s4 =	simm.s32 $0x3E90;
	[tilespmem:v10+s17+$0x0] =	vst.idx.msk $0xff, v9;
	v10 =	vmul.f32 v12, v14;
	v12 =	vld [tilespmem:s13+$0x10]  }
0xe1: {  	[tilespmem:s4+$0x80] =	vst v11;
	v11 =	vld [tilespmem:s14+$0x10]  }
0xe2: {  	v47 =	vld [tilespmem:s16+$0xFFFFFFF0];
	[tilespmem:s4+$0x90] =	vst v10  }
0xe3: {  	v10 =	vld [tilespmem:s0+$0x50]  }
0xe4: {  	s15 =	simm.s32 $0x10  }
0xe5: {  	v16 =	vld [tilespmem:s14+$0xFFFFFFE0];
	v22 =	vor.u32 s15, v3;
	v17 =	vadd.f32 v19, v17;
	v20 =	vadd.f32 v30, v20  }
0xe6: {  	v24 =	vperm.xlane v8, v4;
	v18 =	vperm.xlane v13, v0;
	v14 =	vld [tilespmem:s0+$0xFFFFFF80];
	v11 =	vadd.f32 v11, v12  }
0xe7: {  	v25 =	vld [tilespmem:s13+$0xFFFFFFE0];
	v28 =	vperm.xlane v13, v4;
	v37 =	vadd.f32 v39, v37;
	v61 =	vadd.f32 v47, v44  }
0xe8: {  	v15 =	vld [tilespmem:s0+$0xFFFFFFC0];
	v21 =	vperm.xlane v9, v4;
	v29 =	vshll.u32 v10, $0x10;
	v26 =	vmul.f32 $2.000000030e-01, v11  }
0xe9: {  	v60 =	vmul.f32 $2.000000030e-01, v37;
	v10 =	vand.u32 $0xFFFF0000, v10;
	v29 =	vmul.f32 v29, v24  }
0xea: {  	v12 =	vperm.xlane v9, v0;
	v10 =	vmul.f32 v10, v24;
	v11 =	vmax.f32 v11, v26  }
0xeb: {  	v62 =	vmul.f32 $2.000000030e-01, v61;
	v23 =	vpop (erf);
	v24 =	vshll.u32 v14, $0x10;
	[tilespmem:s4+$0xA0] =	vst v29;
	v11 =	vsub.f32 v11, v7  }
0xec: {  	v27 =	vperm.xlane v23, v0;
	[tilespmem:s4+$0xB0] =	vst v10;
	v10 =	vadd.f32 v16, v25;
	v16 =	vmul.f32 v24, v12  }
0xed: {  	v26 =	vshll.u32 v15, $0x10;
	v25 =	vmul.f32 $2.000000030e-01, v17;
	v24 =	vld [tilespmem:s0+$0x60];
	v11 =	vmul.f32 $1.442695020e+00, v11  }
0xee: {  	v15 =	vand.u32 $0xFFFF0000, v15;
	v19 =	vmul.f32 v26, v18;
	v26 =	vmul.f32 $2.000000030e-01, v10  }
0xef: {  	v14 =	vand.u32 $0xFFFF0000, v14;
	v15 =	vmul.f32 v15, v18;
	(erf) = vpow2.f32 v11  }
0xf0: {  	[tilespmem:v22+s17+$0x0] =	vst.idx.msk $0xff, v23;
	v10 =	vmax.f32 v10, v26;
	v11 =	vmul.f32 v14, v12;
	v12 =	vmul.f32 $2.000000030e-01, v20  }
0xf1: {  	v18 =	vperm.xlane v8, v5;
	[tilespmem:s4+$0xFFFFFF00] =	vst v16;
	v14 =	vmax.f32 v17, v25;
	v17 =	vld [tilespmem:s0+$0x0];
	v10 =	vsub.f32 v10, v7  }
0xf2: {  	[tilespmem:s4+$0xFFFFFF90] =	vst v15;
	v14 =	vsub.f32 v14, v7;
	v16 =	vshll.u32 v24, $0x10;
	v12 =	vmax.f32 v20, v12  }
0xf3: {  	s25 =	simm.s32 $0x38;
	v15 =	vperm.xlane v9, v5;
	[tilespmem:s4+$0xFFFFFF10] =	vst v11;
	v11 =	vmul.f32 v16, v18;
	v12 =	vsub.f32 v12, v7  }
0xf4: {  	v10 =	vmul.f32 $1.442695020e+00, v10;
	v16 =	vor.u32 s25, v3;
	v14 =	vmul.f32 $1.442695020e+00, v14  }
0xf5: {  	[tilespmem:s4+$0xFFFFFF80] =	vst v19;
	v20 =	vand.u32 $0xFFFF0000, v24;
	v24 =	vperm.xlane v13, v5;
	v19 =	vld [tilespmem:s0+$0xFFFFFF90];
	v12 =	vmul.f32 $1.442695020e+00, v12  }
0xf6: {  	[tilespmem:s4+$0xC0] =	vst v11;
	(erf) = vpow2.f32 v14;
	v14 =	vmul.f32 v20, v18;
	v11 =	vand.u32 $0xFFFF0000, v17  }
0xf7: {  	(erf) = vpow2.f32 v10;
	v10 =	vshll.u32 v17, $0x10;
	v11 =	vmul.f32 v11, v27  }
0xf8: {  	s24 =	simm.s32 $0x58;
	v18 =	vperm.xlane v13, v6;
	v10 =	vmul.f32 v10, v27;
	[tilespmem:s4+$0xD0] =	vst v14  }
0xf9: {  	v51 =	vor.u32 s24, v3;
	v22 =	vld [tilespmem:s0+$0xFFFFFFD0];
	(erf) = vpow2.f32 v12;
	v12 =	vperm.xlane v23, v4;
	[tilespmem:s4+$0x10] =	vst v11  }
0xfa: {  	s26 =	simm.s32 $0x28;
	v14 =	vperm.xlane v23, v5;
	v20 =	vld [tilespmem:s0+$0x70];
	v11 =	vand.u32 $0xFFFF0000, v19;
	v17 =	vpop (erf);
	[tilespmem:s4+$0x0] =	vst v10;
	v10 =	vshll.u32 v19, $0x10  }
0xfb: {  	s2 =	simm.s32 $0x30;
	s13 =	simm.s32 $0xD10;
	v19 =	vperm.xlane v9, v6;
	v11 =	vmul.f32 v11, v21;
	[tilespmem:v16+s17+$0x0] =	vst.idx.msk $0xff, v17;
	v16 =	vor.u32 s26, v3;
	v27 =	vld [tilespmem:s0+$0x10]  }
0xfc: {  	s1 =	simm.s32 $0x20;
	v29 =	vor.u32 s2, v3;
	v9 =	vperm.xlane v23, v6;
	v10 =	vmul.f32 v10, v21;
	v25 =	vld [tilespmem:s13+$0x40]  }
0xfd: {  	v26 =	vor.u32 s1, v3;
	v21 =	vperm.xlane v8, v6;
	v13 =	vperm.xlane v17, v0  }
0xfe: {  	v59 =	vld [tilespmem:s3+$0xFFFFFFE0];
	v46 =	vperm.xlane v17, v4;
	v63 =	vperm.xlane v17, v5;
	[tilespmem:s4+$0xFFFFFF20] =	vst v10;
	v10 =	vshll.u32 v22, $0x10  }
0xff: {  	v42 =	vld [tilespmem:s16+$0xFFFFFFE0];
	[tilespmem:s4+$0xFFFFFF30] =	vst v11;
	v22 =	vand.u32 $0xFFFF0000, v22;
	v11 =	vand.u32 $0xFFFF0000, v20;
	v10 =	vmul.f32 v10, v28;
	v8 =	vpop (erf)  }
0x100: {  	v22 =	vmul.f32 v22, v28;
	v11 =	vmul.f32 v11, v21;
	[tilespmem:v16+s17+$0x0] =	vst.idx.msk $0xff, v8;
	v31 =	vshll.u32 v27, $0x10  }
0x101: {  	v30 =	vld [tilespmem:s0+$0xFFFFFFA0];
	v23 =	vpop (erf);
	[tilespmem:s4+$0xFFFFFFA0] =	vst v10;
	v36 =	vperm.xlane v8, v4;
	v10 =	vperm.xlane v8, v5;
	v16 =	vshll.u32 v25, $0x10  }
0x102: {  	[tilespmem:s4+$0xFFFFFFB0] =	vst v22;
	v25 =	vand.u32 $0xFFFF0000, v25;
	v33 =	vperm.xlane v23, v4;
	v16 =	vmul.f32 v16, v13  }
0x103: {  	s14 =	simm.s32 $0x4090;
	[tilespmem:v26+s17+$0x0] =	vst.idx.msk $0xff, v23;
	v26 =	vpop (erf);
	v32 =	vld [tilespmem:s13+$0xFFFFFFC0];
	v13 =	vmul.f32 v25, v13;
	v25 =	vand.u32 $0xFFFF0000, v27;
	v27 =	vmul.f32 v31, v12  }
0x104: {  	v39 =	vadd.f32 v42, v59;
	v40 =	vld [tilespmem:s0+$0xFFFFFFE0];
	v31 =	vperm.xlane v23, v0;
	v35 =	vperm.xlane v26, v0;
	[tilespmem:s14+$0x80] =	vst v16  }
0x105: {  	v20 =	vshll.u32 v20, $0x10;
	v28 =	vld [tilespmem:s13+$0xFFFFFF80];
	v38 =	vperm.xlane v26, v4;
	v25 =	vmul.f32 v25, v12;
	[tilespmem:s14+$0x90] =	vst v13  }
0x106: {  	v12 =	vperm.xlane v8, v0;
	v22 =	vshll.u32 v30, $0x10;
	v13 =	vperm.xlane v23, v5;
	v34 =	vld [tilespmem:s13+$0x50]  }
0x107: {  	[tilespmem:v29+s17+$0x0] =	vst.idx.msk $0xff, v26;
	v30 =	vand.u32 $0xFFFF0000, v30;
	v16 =	vperm.xlane v26, v5;
	v22 =	vmul.f32 v22, v15  }
0x108: {  	v29 =	vld [tilespmem:s13+$0x0];
	v30 =	vmul.f32 v30, v15;
	[tilespmem:s4+$0x20] =	vst v27;
	v27 =	vmul.f32 v20, v21;
	v41 =	vshll.u32 v32, $0x10  }
0x109: {  	v32 =	vand.u32 $0xFFFF0000, v32;
	v49 =	vshll.u32 v40, $0x10;
	v40 =	vand.u32 $0xFFFF0000, v40  }
0x10a: {  	v43 =	vshll.u32 v28, $0x10;
	v28 =	vand.u32 $0xFFFF0000, v28;
	v41 =	vmul.f32 v41, v12  }
0x10b: {  	v48 =	vld [tilespmem:s3+$0x0];
	[tilespmem:s4+$0x30] =	vst v25;
	v32 =	vmul.f32 v32, v12;
	v28 =	vmul.f32 v28, v31;
	v12 =	vand.u32 $0xFFFF0000, v34  }
0x10c: {  	v58 =	vld [tilespmem:s16+$0x0];
	[tilespmem:s4+$0xFFFFFF40] =	vst v22;
	v43 =	vmul.f32 v43, v31;
	v31 =	vshll.u32 v34, $0x10;
	v12 =	vmul.f32 v12, v46  }
0x10d: {  	v22 =	vperm.xlane v17, v6;
	v45 =	vshll.u32 v29, $0x10;
	[tilespmem:s14+$0xFFFFFF10] =	vst v28;
	v31 =	vmul.f32 v31, v46  }
0x10e: {  	v21 =	vld [tilespmem:s0+$0x20];
	v29 =	vand.u32 $0xFFFF0000, v29;
	v28 =	vmul.f32 $2.000000030e-01, v39;
	[tilespmem:s14+$0xB0] =	vst v12;
	v12 =	vmax.f32 v37, v60  }
0x10f: {  	v45 =	vmul.f32 v45, v35;
	v34 =	vmax.f32 v61, v62;
	[tilespmem:s14+$0xA0] =	vst v31;
	v37 =	vsub.f32 v12, v7  }
0x110: {  	v29 =	vmul.f32 v29, v35;
	[tilespmem:s14+$0xFFFFFF80] =	vst v41;
	v34 =	vsub.f32 v34, v7;
	v28 =	vmax.f32 v39, v28;
	v15 =	vld [tilespmem:s13+$0x60]  }
0x111: {  	[tilespmem:s14+$0xFFFFFF90] =	vst v32;
	v12 =	vperm.xlane v23, v6;
	v23 =	vadd.f32 v58, v48;
	v37 =	vmul.f32 $1.442695020e+00, v37  }
0x112: {  	[tilespmem:s14+$0xFFFFFF00] =	vst v43;
	v31 =	vmul.f32 v49, v24;
	v24 =	vmul.f32 v40, v24;
	v28 =	vsub.f32 v28, v7;
	v48 =	vld [tilespmem:s13+$0xFFFFFFD0]  }
0x113: {  	[tilespmem:s14+$0x10] =	vst v29;
	v29 =	vld [tilespmem:s13+$0xFFFFFF90];
	v54 =	vshll.u32 v21, $0x10;
	v44 =	vmul.f32 $2.000000030e-01, v23;
	(erf) = vpow2.f32 v37  }
0x114: {  	v21 =	vand.u32 $0xFFFF0000, v21;
	v49 =	vmul.f32 $1.442695020e+00, v34;
	v28 =	vmul.f32 $1.442695020e+00, v28  }
0x115: {  	[tilespmem:s14+$0x0] =	vst v45;
	v23 =	vmax.f32 v23, v44;
	v46 =	vshll.u32 v15, $0x10;
	v15 =	vand.u32 $0xFFFF0000, v15  }
0x116: {  	[tilespmem:s4+$0xFFFFFF50] =	vst v30;
	v50 =	vld [tilespmem:s13+$0x10];
	v23 =	vsub.f32 v23, v7;
	(erf) = vpow2.f32 v49;
	v32 =	vmul.f32 v46, v63  }
0x117: {  	[tilespmem:s4+$0xFFFFFFD0] =	vst v24;
	v37 =	vand.u32 $0xFFFF0000, v48;
	v47 =	vmul.f32 v15, v63;
	(erf) = vpow2.f32 v28  }
0x118: {  	s3 =	simm.s32 $0x770;
	s2 =	simm.s32 $0x270;
	v52 =	vld [tilespmem:s0+$0xFFFFFFB0];
	v40 =	vmul.f32 v21, v14;
	v25 =	vshll.u32 v29, $0x10;
	v55 =	vmul.f32 v37, v36;
	[tilespmem:s14+$0xC0] =	vst v32  }
0x119: {  	s26 =	simm.s32 $0x48;
	v25 =	vmul.f32 v25, v33;
	v49 =	vld [tilespmem:s2+$0x10];
	v28 =	vand.u32 $0xFFFF0000, v29;
	v23 =	vmul.f32 $1.442695020e+00, v23;
	[tilespmem:s14+$0xD0] =	vst v47  }
0x11a: {  	v30 =	vor.u32 s26, v3;
	v15 =	vperm.xlane v8, v6;
	v28 =	vmul.f32 v28, v33;
	[tilespmem:s14+$0xFFFFFFB0] =	vst v55;
	v55 =	vld [tilespmem:s3+$0x10]  }
0x11b: {  	s25 =	simm.s32 $0x40;
	v17 =	vshll.u32 v50, $0x10;
	[tilespmem:s14+$0xFFFFFF20] =	vst v25;
	v8 =	vperm.xlane v26, v6;
	v26 =	vld [tilespmem:s13+$0x70];
	(erf) = vpow2.f32 v23  }
0x11c: {  	v56 =	vmul.f32 v17, v38;
	v29 =	vor.u32 s25, v3;
	v23 =	vshll.u32 v48, $0x10;
	[tilespmem:s14+$0xFFFFFF30] =	vst v28;
	v20 =	vpop (erf)  }
0x11d: {  	s31 =	simm.s32 $0xE10;
	v24 =	vand.u32 $0xFFFF0000, v50;
	v28 =	vmul.f32 v54, v14;
	v23 =	vmul.f32 v23, v36;
	v14 =	vld [tilespmem:s13+$0xFFFFFFA0];
	[tilespmem:v51+s17+$0x0] =	vst.idx.msk $0xff, v20  }
0x11e: {  	s1 =	simm.s32 $0x50;
	[tilespmem:s4+$0xFFFFFFC0] =	vst v31;
	v38 =	vmul.f32 v24, v38;
	v17 =	vshll.u32 v52, $0x10;
	v32 =	vand.u32 $0xFFFF0000, v52;
	v35 =	vld [tilespmem:s31+$0x40]  }
0x11f: {  	v53 =	vor.u32 s1, v3;
	v25 =	vmul.f32 v17, v19;
	v19 =	vmul.f32 v32, v19;
	[tilespmem:s14+$0xFFFFFFA0] =	vst v23;
	v33 =	vpop (erf)  }
0x120: {  	v48 =	vadd.f32 v55, v49;
	v31 =	vand.u32 $0xFFFF0000, v26;
	v23 =	vperm.xlane v20, v0;
	[tilespmem:v30+s17+$0x0] =	vst.idx.msk $0xff, v33;
	v30 =	vpop (erf)  }
0x121: {  	v51 =	vperm.xlane v20, v4;
	v26 =	vshll.u32 v26, $0x10;
	v31 =	vmul.f32 v31, v22;
	[tilespmem:v29+s17+$0x0] =	vst.idx.msk $0xff, v30;
	v29 =	vld [tilespmem:s31+$0xFFFFFFC0]  }
0x122: {  	[tilespmem:s4+$0xF0] =	vst v11;
	v57 =	vperm.xlane v33, v0;
	v61 =	vshll.u32 v14, $0x10;
	v22 =	vmul.f32 v26, v22;
	v59 =	vld [tilespmem:s31+$0xFFFFFF80]  }
0x123: {  	[tilespmem:s4+$0xE0] =	vst v27;
	v58 =	vperm.xlane v30, v0;
	v24 =	vperm.xlane v30, v4;
	v17 =	vshll.u32 v35, $0x10  }
0x124: {  	[tilespmem:s4+$0x50] =	vst v40;
	v39 =	vld [tilespmem:s0+$0xFFFFFFF0];
	v36 =	vperm.xlane v30, v5;
	v42 =	vpop (erf);
	v21 =	vand.u32 $0xFFFF0000, v35;
	v17 =	vmul.f32 v17, v23  }
0x125: {  	s30 =	simm.s32 $0x4290;
	v63 =	vld [tilespmem:s13+$0xFFFFFFE0];
	v14 =	vand.u32 $0xFFFF0000, v14;
	[tilespmem:v53+s17+$0x0] =	vst.idx.msk $0xff, v42;
	v44 =	vperm.xlane v42, v0;
	v23 =	vmul.f32 v21, v23  }
0x126: {  	v11 =	vperm.xlane v42, v5;
	v60 =	vld [tilespmem:s31+$0x0];
	v21 =	vperm.xlane v33, v4;
	v52 =	vshll.u32 v29, $0x10;
	[tilespmem:s30+$0x80] =	vst v17  }
0x127: {  	v27 =	vand.u32 $0xFFFF0000, v29;
	v29 =	vmul.f32 v61, v13;
	v53 =	vshll.u32 v59, $0x10;
	[tilespmem:s30+$0x90] =	vst v23  }
0x128: {  	[tilespmem:s14+$0xF0] =	vst v31;
	v31 =	vand.u32 $0xFFFF0000, v59;
	v54 =	vmul.f32 v52, v57;
	v27 =	vmul.f32 v27, v57;
	v62 =	vld [tilespmem:s31+$0x50]  }
0x129: {  	v50 =	vld [tilespmem:s3+$0xFFFFFFE0];
	[tilespmem:s14+$0x20] =	vst v56;
	v52 =	vshll.u32 v39, $0x10;
	v39 =	vand.u32 $0xFFFF0000, v39;
	v23 =	vperm.xlane v42, v4  }
0x12a: {  	v57 =	vld [tilespmem:s2+$0xFFFFFFF0];
	v17 =	vperm.xlane v33, v5;
	v31 =	vmul.f32 v31, v58;
	[tilespmem:s14+$0xFFFFFF40] =	vst v29;
	v29 =	vshll.u32 v63, $0x10  }
0x12b: {  	[tilespmem:s14+$0x30] =	vst v38;
	v59 =	vld [tilespmem:s3+$0xFFFFFFF0];
	v34 =	vmul.f32 v53, v58;
	v29 =	vmul.f32 v29, v10;
	v56 =	vshll.u32 v60, $0x10  }
0x12c: {  	v61 =	vld [tilespmem:s2+$0x0];
	v45 =	vand.u32 $0xFFFF0000, v60;
	[tilespmem:s30+$0xFFFFFF10] =	vst v31;
	v31 =	vmul.f32 v52, v18;
	v18 =	vmul.f32 v39, v18  }
0x12d: {  	[tilespmem:s4+$0xFFFFFF60] =	vst v25;
	v53 =	vld [tilespmem:s2+$0xFFFFFFE0];
	v58 =	vshll.u32 v62, $0x10;
	v46 =	vand.u32 $0xFFFF0000, v62;
	v62 =	vmul.f32 v14, v13  }
0x12e: {  	s25 =	simm.s32 $0x60;
	[tilespmem:s4+$0xFFFFFF70] =	vst v19;
	v60 =	vand.u32 $0xFFFF0000, v63;
	v63 =	vld [tilespmem:s3+$0x0];
	v14 =	vperm.xlane v30, v6;
	v30 =	vmul.f32 $2.000000030e-01, v48  }
0x12f: {  	v19 =	vor.u32 s25, v3;
	[tilespmem:s30+$0xFFFFFF90] =	vst v27;
	v37 =	vmul.f32 v56, v44;
	v44 =	vmul.f32 v45, v44  }
0x130: {  	[tilespmem:s30+$0xFFFFFF00] =	vst v34;
	v27 =	vadd.f32 v59, v57;
	v38 =	vmul.f32 v58, v51;
	v30 =	vmax.f32 v48, v30  }
0x131: {  	[tilespmem:s30+$0xFFFFFF80] =	vst v54;
	v43 =	vmul.f32 v60, v10;
	v56 =	vld [tilespmem:s31+$0xFFFFFF90];
	v46 =	vmul.f32 v46, v51;
	v30 =	vsub.f32 v30, v7  }
0x132: {  	s16 =	simm.s32 $0x78;
	v10 =	vperm.xlane v42, v6;
	v57 =	vadd.f32 v50, v53;
	v35 =	vmul.f32 $2.000000030e-01, v27;
	[tilespmem:s30+$0xA0] =	vst v38  }
0x133: {  	v50 =	vor.u32 s16, v3;
	v55 =	vadd.f32 v63, v61;
	[tilespmem:s30+$0xB0] =	vst v46;
	v30 =	vmul.f32 $1.442695020e+00, v30  }
0x134: {  	[tilespmem:s14+$0xFFFFFFC0] =	vst v29;
	v13 =	vperm.xlane v33, v6;
	v29 =	vmul.f32 $2.000000030e-01, v57;
	v27 =	vmax.f32 v27, v35;
	v54 =	vld [tilespmem:s31+$0x60]  }
0x135: {  	[tilespmem:s4+$0x40] =	vst v28;
	v59 =	vmul.f32 $2.000000030e-01, v55;
	v27 =	vsub.f32 v27, v7;
	(erf) = vpow2.f32 v30  }
0x136: {  	[tilespmem:s14+$0xE0] =	vst v22;
	v58 =	vperm.xlane v20, v5;
	v61 =	vld [tilespmem:s31+$0xFFFFFFD0];
	v28 =	vshll.u32 v56, $0x10;
	v29 =	vmax.f32 v57, v29  }
0x137: {  	s24 =	simm.s32 $0x68;
	[tilespmem:s4+$0xFFFFFFF0] =	vst v18;
	v29 =	vsub.f32 v29, v7;
	v26 =	vmax.f32 v55, v59;
	v27 =	vmul.f32 $1.442695020e+00, v27  }
0x138: {  	v49 =	vld [tilespmem:s13+$0x20];
	[tilespmem:s30+$0x0] =	vst v37;
	v51 =	vor.u32 s24, v3;
	v28 =	vmul.f32 v28, v24;
	v26 =	vsub.f32 v26, v7  }
0x139: {  	[tilespmem:s30+$0x10] =	vst v44;
	v29 =	vmul.f32 $1.442695020e+00, v29;
	(erf) = vpow2.f32 v27;
	v60 =	vshll.u32 v54, $0x10  }
0x13a: {  	[tilespmem:s14+$0xFFFFFF50] =	vst v62;
	v62 =	vld [tilespmem:s31+$0x10];
	v25 =	vmul.f32 $1.442695020e+00, v26;
	v34 =	vand.u32 $0xFFFF0000, v54;
	v42 =	vmul.f32 v60, v58  }
0x13b: {  	[tilespmem:s14+$0xFFFFFFD0] =	vst v43;
	v48 =	vshll.u32 v61, $0x10;
	v27 =	vld [tilespmem:s13+$0xFFFFFFB0];
	(erf) = vpow2.f32 v29;
	v30 =	vmul.f32 v34, v58  }
0x13c: {  	v18 =	vand.u32 $0xFFFF0000, v61;
	v26 =	vperm.xlane v20, v6;
	v20 =	vld [tilespmem:s13+$0xFFFFFFF0];
	(erf) = vpow2.f32 v25;
	[tilespmem:s30+$0xC0] =	vst v42  }
0x13d: {  	s26 =	simm.s32 $0x70;
	v52 =	vmul.f32 v48, v21;
	v53 =	vmul.f32 v18, v21;
	v18 =	vand.u32 $0xFFFF0000, v49;
	[tilespmem:s30+$0xD0] =	vst v30  }
0x13e: {  	[tilespmem:s30+$0xFFFFFF20] =	vst v28;
	v28 =	vmul.f32 v18, v16;
	v29 =	vor.u32 s26, v3;
	v30 =	vand.u32 $0xFFFF0000, v56;
	v63 =	vld [tilespmem:s31+$0x70];
	v22 =	vpop (erf)  }
0x13f: {  	v40 =	vld [tilespmem:s0+$0x30];
	s0 =	simm.s32 $0xF10;
	v25 =	vshll.u32 v62, $0x10;
	v34 =	vand.u32 $0xFFFF0000, v62;
	v24 =	vmul.f32 v30, v24;
	[tilespmem:v50+s17+$0x0] =	vst.idx.msk $0xff, v22  }
0x140: {  	[tilespmem:s4+$0xFFFFFFE0] =	vst v31;
	v55 =	vmul.f32 v25, v23;
	v45 =	vmul.f32 v34, v23;
	v30 =	vshll.u32 v49, $0x10;
	v54 =	vld [tilespmem:s0+$0x40]  }
0x141: {  	v21 =	vshll.u32 v27, $0x10;
	v37 =	vand.u32 $0xFFFF0000, v27;
	v35 =	vshll.u32 v20, $0x10;
	[tilespmem:s30+$0xFFFFFF30] =	vst v24  }
0x142: {  	[tilespmem:s30+$0xFFFFFFA0] =	vst v52;
	v33 =	vand.u32 $0xFFFF0000, v20;
	v30 =	vmul.f32 v30, v16;
	v27 =	vmul.f32 v21, v12;
	v59 =	vld [tilespmem:s31+$0xFFFFFFA0];
	v20 =	vpop (erf)  }
0x143: {  	[tilespmem:s30+$0xFFFFFFB0] =	vst v53;
	v16 =	vperm.xlane v22, v0;
	v31 =	vand.u32 $0xFFFF0000, v63;
	v38 =	vperm.xlane v20, v0  }
0x144: {  	v32 =	vshll.u32 v40, $0x10;
	[tilespmem:v51+s17+$0x0] =	vst.idx.msk $0xff, v20;
	v21 =	vpop (erf);
	v25 =	vperm.xlane v20, v4;
	v31 =	vmul.f32 v31, v26  }
0x145: {  	[tilespmem:v19+s17+$0x0] =	vst.idx.msk $0xff, v21;
	v47 =	vperm.xlane v21, v0;
	v24 =	vperm.xlane v21, v4;
	v39 =	vld [tilespmem:s0+$0xFFFFFFC0];
	v18 =	vpop (erf);
	v19 =	vshll.u32 v54, $0x10  }
0x146: {  	v60 =	vld [tilespmem:s0+$0xFFFFFF80];
	[tilespmem:v29+s17+$0x0] =	vst.idx.msk $0xff, v18;
	v48 =	vperm.xlane v18, v0;
	v23 =	vand.u32 $0xFFFF0000, v54;
	v29 =	vmul.f32 v19, v16  }
0x147: {  	s24 =	simm.s32 $0x4490;
	[tilespmem:s30+$0xF0] =	vst v31;
	v62 =	vshll.u32 v59, $0x10;
	v50 =	vand.u32 $0xFFFF0000, v59;
	v43 =	vmul.f32 v23, v16  }
0x148: {  	v34 =	vand.u32 $0xFFFF0000, v40;
	v61 =	vld [tilespmem:s0+$0x0];
	v42 =	vmul.f32 v62, v36;
	v36 =	vmul.f32 v50, v36;
	[tilespmem:s24+$0x80] =	vst v29  }
0x149: {  	v31 =	vshll.u32 v63, $0x10;
	v63 =	vld [tilespmem:s31+$0xFFFFFFE0];
	v19 =	vperm.xlane v21, v5;
	v23 =	vperm.xlane v18, v4;
	[tilespmem:s24+$0x90] =	vst v43  }
0x14a: {  	[tilespmem:s30+$0x20] =	vst v55;
	v16 =	vperm.xlane v18, v5;
	v56 =	vshll.u32 v39, $0x10;
	v57 =	vand.u32 $0xFFFF0000, v39;
	v58 =	vld [tilespmem:s0+$0x50]  }
0x14b: {  	s15 =	simm.s32 $0x7B0;
	[tilespmem:s30+$0x30] =	vst v45;
	v59 =	vshll.u32 v60, $0x10;
	v62 =	vmul.f32 v57, v38;
	v29 =	vperm.xlane v20, v5  }
0x14c: {  	v41 =	vld [tilespmem:s15+$0x10];
	s26 =	simm.s32 $0x2B0;
	[tilespmem:s30+$0xFFFFFF40] =	vst v42;
	v52 =	vand.u32 $0xFFFF0000, v60;
	v43 =	vmul.f32 v56, v38;
	v44 =	vmul.f32 v59, v47  }
0x14d: {  	v39 =	vld [tilespmem:s26+$0x10];
	v60 =	vshll.u32 v61, $0x10;
	v53 =	vand.u32 $0xFFFF0000, v61;
	v61 =	vmul.f32 v52, v47;
	[tilespmem:s24+$0xFFFFFF90] =	vst v62  }
0x14e: {  	v40 =	vld [tilespmem:s26+$0xFFFFFFF0];
	v54 =	vshll.u32 v63, $0x10;
	v47 =	vperm.xlane v22, v4;
	v46 =	vand.u32 $0xFFFF0000, v63;
	[tilespmem:s24+$0xFFFFFF80] =	vst v43  }
0x14f: {  	v38 =	vld [tilespmem:s15+$0xFFFFFFE0];
	v45 =	vmul.f32 v60, v48;
	v42 =	vmul.f32 v54, v17;
	[tilespmem:s24+$0xFFFFFF00] =	vst v44;
	v63 =	vshll.u32 v58, $0x10  }
0x150: {  	s25 =	simm.s32 $0x10;
	s16 =	simm.s32 $0x14;
	[tilespmem:s24+$0xFFFFFF10] =	vst v61;
	v43 =	vmul.f32 v53, v48;
	v44 =	vld [tilespmem:s15+$0xFFFFFFF0];
	v49 =	vand.u32 $0xFFFF0000, v58;
	v48 =	vmul.f32 v63, v47  }
.LBB2_7:
0x151: {  	p0 =	slt.u32 s16, $0x4C;
	v50 =	vld [tilespmem:s26+$0x0];
	[tilespmem:s24+$0x0] =	vst v45;
	v45 =	vmul.f32 v49, v47;
	v46 =	vmul.f32 v46, v17;
	v17 =	vmov v29  }
0x152: {  	v21 =	vperm.xlane v21, v6;
	v20 =	vperm.xlane v20, v6;
	v29 =	vld [tilespmem:s15+$0x0];
	v39 =	vadd.f32 v41, v39;
	[tilespmem:s24+$0xA0] =	vst v48  }
0x153: {  	v18 =	vperm.xlane v18, v6;
	v37 =	vmul.f32 v37, v12;
	v12 =	vmov v14;
	v41 =	vld [tilespmem:s26+$0xFFFFFFE0];
	[tilespmem:s24+$0xB0] =	vst v45  }
0x154: {  	v35 =	vmul.f32 v35, v15;
	v14 =	vmov v21;
	v45 =	vmul.f32 $2.000000030e-01, v39;
	[tilespmem:s24+$0x10] =	vst v43;
	v43 =	vld [tilespmem:s0+$0x60]  }
0x155: {  	v33 =	vmul.f32 v33, v15;
	v32 =	vmul.f32 v32, v9;
	v21 =	vadd.f32 v44, v40;
	v40 =	vld [tilespmem:s0+$0xFFFFFF90];
	[tilespmem:s30+$0xFFFFFF50] =	vst v36  }
0x156: {  	v31 =	vmul.f32 v31, v26;
	v26 =	vmul.f32 v34, v9;
	v44 =	vmax.f32 v39, v45;
	v36 =	vld [tilespmem:s0+$0xFFFFFFD0];
	[tilespmem:s30+$0xFFFFFFC0] =	vst v42  }
0x157: {  	v15 =	vmovc v13;
	v34 =	vmul.f32 $2.000000030e-01, v21;
	v29 =	vadd.f32 v29, v50;
	v39 =	vsub.f32 v44, v7;
	v42 =	vld [tilespmem:s0+$0x10];
	[tilespmem:s30+$0xFFFFFFD0] =	vst v46  }
0x158: {  	v9 =	vmovc v8;
	v13 =	vmov v20;
	v38 =	vadd.f32 v38, v41;
	v41 =	vperm.xlane v22, v5;
	v44 =	vld [tilespmem:s31+$0x20];
	[tilespmem:s14+$0x40] =	vst v30  }
0x159: {  	v8 =	vmovc v10;
	v10 =	vmovc v18;
	v20 =	vmul.f32 $2.000000030e-01, v29;
	v30 =	vmul.f32 $1.442695020e+00, v39;
	v39 =	vshll.u32 v43, $0x10;
	[tilespmem:s14+$0x50] =	vst v28  }
0x15a: {  	v28 =	vand.u32 $0xFFFF0000, v43;
	v18 =	vmul.f32 $2.000000030e-01, v38;
	v39 =	vmul.f32 v39, v41;
	v43 =	vld [tilespmem:s31+$0xFFFFFFB0];
	[tilespmem:s14+$0xFFFFFF60] =	vst v27  }
0x15b: {  	v21 =	vmax.f32 v21, v34;
	v27 =	vmul.f32 v28, v41;
	(erf) = vpow2.f32 v30;
	v34 =	vld [tilespmem:s31+$0xFFFFFFF0];
	[tilespmem:s14+$0xFFFFFF70] =	vst v37  }
0x15c: {  	v21 =	vsub.f32 v21, v7;
	v20 =	vmax.f32 v29, v20;
	v18 =	vmax.f32 v38, v18;
	[tilespmem:s24+$0xC0] =	vst v39;
	v29 =	vld [tilespmem:s13+$0x30];
	s13 =	smov.u32 s31;
	s31 =	smov.u32 s0  }
0x15d: {  	v28 =	vshll.u32 v40, $0x10;
	v20 =	vsub.f32 v20, v7;
	v18 =	vsub.f32 v18, v7;
	[tilespmem:s24+$0xD0] =	vst v27  }
0x15e: {  	s1 =	sshll.u32 s25, $0x3;
	s25 =	smov.u32 s16;
	v30 =	vshll.u32 v36, $0x10;
	v21 =	vmul.f32 $1.442695020e+00, v21;
	v27 =	vand.u32 $0xFFFF0000, v40;
	v38 =	vld [tilespmem:s0+$0x70];
	[tilespmem:s14+$0xFFFFFFE0] =	vst v35  }
0x15f: {  	s2 =	sadd.s32 $0x8, s1;
	s3 =	sadd.s32 $0x10, s1;
	v39 =	vor.u32 s1, v3;
	s1 =	sadd.s32 $0x18, s1;
	v20 =	vmul.f32 $1.442695020e+00, v20;
	v18 =	vmul.f32 $1.442695020e+00, v18;
	[tilespmem:s14+$0xFFFFFFF0] =	vst v33  }
0x160: {  	v40 =	vor.u32 s2, v3;
	v33 =	vor.u32 s1, v3;
	(erf) = vpow2.f32 v21;
	[tilespmem:s4+$0x60] =	vst v32  }
0x161: {  	v41 =	vor.u32 s3, v3;
	(erf) = vpow2.f32 v18;
	v18 =	vand.u32 $0xFFFF0000, v36;
	[tilespmem:s4+$0x70] =	vst v26;
	s4 =	smov.u32 s14;
	s14 =	smov.u32 s30;
	s30 =	smov.u32 s24  }
0x162: {  	v26 =	vperm.xlane v22, v6;
	(erf) = vpow2.f32 v20;
	v20 =	vshll.u32 v42, $0x10;
	[tilespmem:s14+$0xE0] =	vst v31  }
0x163: {  	v21 =	vmul.f32 v28, v24;
	v28 =	vand.u32 $0xFFFF0000, v42;
	v31 =	vand.u32 $0xFFFF0000, v38  }
0x164: {  	v24 =	vmul.f32 v27, v24;
	v22 =	vpop (erf);
	v27 =	vmul.f32 v31, v26;
	v31 =	vshll.u32 v44, $0x10  }
0x165: {  	s0 =	sadd.s32 $0x100, s0;
	v36 =	vmul.f32 v30, v25;
	v42 =	vmul.f32 v18, v25;
	v18 =	vand.u32 $0xFFFF0000, v44;
	[tilespmem:v33+s17+$0x0] =	vst.idx.msk $0xff, v22  }
0x166: {  	v45 =	vmul.f32 v28, v23;
	v44 =	vmul.f32 v20, v23;
	v23 =	vshll.u32 v43, $0x10;
	v25 =	vld [tilespmem:s0+$0x40];
	[tilespmem:s24+$0xF0] =	vst v27  }
0x167: {  	v37 =	vand.u32 $0xFFFF0000, v43;
	v28 =	vmul.f32 v18, v11;
	v30 =	vmul.f32 v31, v11;
	v11 =	vmovc v16;
	[tilespmem:s24+$0xFFFFFF20] =	vst v21  }
0x168: {  	v35 =	vshll.u32 v34, $0x10;
	v32 =	vshll.u32 v29, $0x10;
	v33 =	vand.u32 $0xFFFF0000, v34;
	[tilespmem:s24+$0xFFFFFF30] =	vst v24  }
0x169: {  	v31 =	vshll.u32 v38, $0x10;
	v34 =	vand.u32 $0xFFFF0000, v29;
	v27 =	vmul.f32 v23, v12;
	v20 =	vpop (erf);
	v43 =	vld [tilespmem:s31+$0xFFFFFFA0];
	[tilespmem:s24+$0xFFFFFFA0] =	vst v36  }
0x16a: {  	v16 =	vperm.xlane v22, v0;
	[tilespmem:v40+s17+$0x0] =	vst.idx.msk $0xff, v20;
	v36 =	vperm.xlane v20, v0;
	v21 =	vpop (erf)  }
0x16b: {  	[tilespmem:v39+s17+$0x0] =	vst.idx.msk $0xff, v21;
	v38 =	vperm.xlane v21, v0;
	v24 =	vperm.xlane v21, v4;
	v39 =	vld [tilespmem:s0+$0xFFFFFFC0];
	v23 =	vshll.u32 v25, $0x10;
	v18 =	vpop (erf)  }
0x16c: {  	v29 =	vand.u32 $0xFFFF0000, v25;
	v40 =	vld [tilespmem:s0+$0xFFFFFF80];
	[tilespmem:v41+s17+$0x0] =	vst.idx.msk $0xff, v18;
	v48 =	vperm.xlane v18, v0;
	v41 =	vmul.f32 v23, v16  }
0x16d: {  	s24 =	sadd.s32 $0x200, s24;
	v25 =	vperm.xlane v20, v4;
	v47 =	vmul.f32 v29, v16;
	v46 =	vld [tilespmem:s0+$0x0];
	[tilespmem:s30+$0xFFFFFFB0] =	vst v42  }
0x16e: {  	v23 =	vperm.xlane v18, v4;
	v42 =	vperm.xlane v21, v5;
	[tilespmem:s24+$0x80] =	vst v41;
	v41 =	vshll.u32 v43, $0x10;
	v49 =	vld [tilespmem:s31+$0xFFFFFFE0]  }
0x16f: {  	v29 =	vperm.xlane v20, v5;
	v16 =	vperm.xlane v18, v5;
	v50 =	vand.u32 $0xFFFF0000, v43;
	[tilespmem:s24+$0x90] =	vst v47  }
0x170: {  	v41 =	vmul.f32 v41, v19;
	v43 =	vshll.u32 v39, $0x10;
	v47 =	vand.u32 $0xFFFF0000, v39;
	v51 =	vld [tilespmem:s0+$0x50];
	[tilespmem:s30+$0x20] =	vst v44  }
0x171: {  	s26 =	sadd.s32 $0x40, s26;
	v44 =	vshll.u32 v40, $0x10;
	v40 =	vand.u32 $0xFFFF0000, v40;
	v43 =	vmul.f32 v43, v36;
	[tilespmem:s30+$0x30] =	vst v45  }
.Ltmp3:
0x172: {  	s15 =	sadd.s32 $0x40, s15;
	v39 =	vld [tilespmem:s26+$0x10];
	v44 =	vmul.f32 v44, v38;
	v45 =	vshll.u32 v46, $0x10;
	v52 =	vand.u32 $0xFFFF0000, v46;
	[tilespmem:s30+$0xFFFFFF40] =	vst v41;
	(pc) =	sbr.rel @p0 .LBB2_7-.Ltmp3, $4  }
0x173: {  	v54 =	vmul.f32 v47, v36;
	v53 =	vmul.f32 v40, v38;
	v41 =	vld [tilespmem:s15+$0x10];
	[tilespmem:s24+$0xFFFFFF80] =	vst v43;
	v55 =	vshll.u32 v49, $0x10  }
0x174: {  	v47 =	vperm.xlane v22, v4;
	v45 =	vmul.f32 v45, v48;
	v46 =	vand.u32 $0xFFFF0000, v49;
	v38 =	vld [tilespmem:s15+$0xFFFFFFE0];
	[tilespmem:s24+$0xFFFFFF00] =	vst v44  }
0x175: {  	v36 =	vmul.f32 v50, v19;
	v19 =	vmovc v42;
	v43 =	vmul.f32 v52, v48;
	v40 =	vld [tilespmem:s26+$0xFFFFFFF0];
	[tilespmem:s24+$0xFFFFFF10] =	vst v53;
	v48 =	vshll.u32 v51, $0x10  }
0x176: {  	s16 =	sadd.s32 $0x4, s16;
	v42 =	vmul.f32 v55, v17;
	v49 =	vand.u32 $0xFFFF0000, v51;
	v44 =	vld [tilespmem:s15+$0xFFFFFFF0];
	[tilespmem:s24+$0xFFFFFF90] =	vst v54;
	v48 =	vmul.f32 v48, v47  }
0x177: {  	v50 =	vld [tilespmem:s26+$0x0]  }
0x178: {  	v47 =	vmul.f32 v49, v47;
	v55 =	vld [tilespmem:s15+$0x0];
	v39 =	vadd.f32 v41, v39  }
0x179: {  	v56 =	vld [tilespmem:s26+$0xFFFFFFE0];
	[tilespmem:s24+$0xA0] =	vst v48  }
0x17a: {  	[tilespmem:s24+$0xB0] =	vst v47;
	v57 =	vmul.f32 $2.000000030e-01, v39  }
0x17b: {  	[tilespmem:s24+$0x0] =	vst v45;
	v48 =	vld [tilespmem:s0+$0x60]  }
0x17c: {  	v17 =	vmul.f32 v46, v17;
	[tilespmem:s24+$0x10] =	vst v43;
	v40 =	vadd.f32 v44, v40;
	v39 =	vmax.f32 v39, v57  }
0x17d: {  	v12 =	vmul.f32 v37, v12;
	[tilespmem:s30+$0xFFFFFF50] =	vst v36;
	v58 =	vadd.f32 v55, v50;
	v59 =	vsub.f32 v39, v7  }
0x17e: {  	v61 =	vperm.xlane v22, v5;
	[tilespmem:s14+$0x40] =	vst v30;
	v38 =	vadd.f32 v38, v56;
	v60 =	vmul.f32 $2.000000030e-01, v40  }
0x17f: {  	[tilespmem:s30+$0xFFFFFFD0] =	vst v17;
	v17 =	vmul.f32 $2.000000030e-01, v58;
	v37 =	vmul.f32 $1.442695020e+00, v59  }
0x180: {  	[tilespmem:s14+$0x50] =	vst v28;
	v30 =	vmul.f32 $2.000000030e-01, v38;
	v62 =	vshll.u32 v48, $0x10;
	v63 =	vand.u32 $0xFFFF0000, v48  }
0x181: {  	[tilespmem:s30+$0xFFFFFFC0] =	vst v42;
	v28 =	vmax.f32 v40, v60;
	v42 =	vmul.f32 v62, v61;
	(erf) = vpow2.f32 v37  }
0x182: {  	[tilespmem:s14+$0xFFFFFF60] =	vst v27;
	v44 =	vmul.f32 v63, v61;
	v30 =	vmax.f32 v38, v30;
	v28 =	vsub.f32 v28, v7  }
0x183: {  	v35 =	vmul.f32 v35, v15;
	v45 =	vld [tilespmem:s0+$0xFFFFFF90];
	v30 =	vsub.f32 v30, v7;
	[tilespmem:s24+$0xC0] =	vst v42  }
0x184: {  	v15 =	vmul.f32 v33, v15;
	s1 =	sshll.u32 s25, $0x3;
	v17 =	vmax.f32 v58, v17;
	[tilespmem:s24+$0xD0] =	vst v44;
	v28 =	vmul.f32 $1.442695020e+00, v28  }
0x185: {  	v32 =	vmul.f32 v32, v9;
	s2 =	sadd.s32 $0x18, s1;
	[tilespmem:s14+$0xFFFFFF70] =	vst v12;
	v27 =	vsub.f32 v17, v7;
	v17 =	vld [tilespmem:s0+$0x70];
	v12 =	vmul.f32 $1.442695020e+00, v30  }
0x186: {  	v26 =	vmul.f32 v31, v26;
	[tilespmem:s14+$0xFFFFFFE0] =	vst v35;
	v30 =	vor.u32 s2, v3;
	(erf) = vpow2.f32 v28  }
0x187: {  	v9 =	vmul.f32 v34, v9;
	[tilespmem:s14+$0xFFFFFFF0] =	vst v15;
	v28 =	vld [tilespmem:s0+$0xFFFFFFD0];
	(erf) = vpow2.f32 v12  }
0x188: {  	[tilespmem:s4+$0x60] =	vst v32;
	v15 =	vand.u32 $0xFFFF0000, v45;
	v27 =	vmul.f32 $1.442695020e+00, v27  }
0x189: {  	v22 =	vperm.xlane v22, v6;
	[tilespmem:s4+$0x70] =	vst v9;
	v15 =	vmul.f32 v15, v24  }
0x18a: {  	s25 =	sadd.s32 $0x8, s1;
	[tilespmem:s30+$0xE0] =	vst v26;
	v12 =	vshll.u32 v45, $0x10;
	(erf) = vpow2.f32 v27;
	v9 =	vand.u32 $0xFFFF0000, v17;
	v26 =	vpop (erf)  }
0x18b: {  	s26 =	sadd.s32 $0x100, s0;
	v27 =	vor.u32 s25, v3;
	v12 =	vmul.f32 v12, v24;
	v9 =	vmul.f32 v9, v22;
	[tilespmem:v30+s17+$0x0] =	vst.idx.msk $0xff, v26  }
0x18c: {  	v31 =	vor.u32 s1, v3;
	[tilespmem:s24+$0xFFFFFF30] =	vst v15;
	v30 =	vshll.u32 v28, $0x10;
	v24 =	vld [tilespmem:s26+$0x40]  }
0x18d: {  	[tilespmem:s24+$0xF0] =	vst v9;
	v9 =	vmul.f32 v30, v25  }
0x18e: {  	[tilespmem:s24+$0xFFFFFF20] =	vst v12;
	v30 =	vld [tilespmem:s0+$0x10]  }
0x18f: {  	v17 =	vshll.u32 v17, $0x10;
	v12 =	vpop (erf);
	[tilespmem:s24+$0xFFFFFFA0] =	vst v9  }
0x190: {  	s1 =	sadd.s32 $0x10, s1;
	v17 =	vmul.f32 v17, v22;
	v9 =	vand.u32 $0xFFFF0000, v28;
	[tilespmem:v27+s17+$0x0] =	vst.idx.msk $0xff, v12;
	v27 =	vperm.xlane v26, v0;
	v15 =	vpop (erf)  }
0x191: {  	v46 =	vor.u32 s1, v3;
	v28 =	vld [tilespmem:s0+$0xFFFFFFA0];
	v25 =	vmul.f32 v9, v25;
	[tilespmem:v31+s17+$0x0] =	vst.idx.msk $0xff, v15;
	v47 =	vshll.u32 v24, $0x10  }
0x192: {  	[tilespmem:s24+$0xE0] =	vst v17;
	v48 =	vld [tilespmem:s26+$0xFFFFFF80];
	v24 =	vand.u32 $0xFFFF0000, v24;
	v49 =	vmul.f32 v47, v27  }
0x193: {  	s2 =	sadd.s32 $0x200, s24;
	v31 =	vld [tilespmem:s26+$0xFFFFFFC0];
	v50 =	vshll.u32 v30, $0x10;
	[tilespmem:s24+$0xFFFFFFB0] =	vst v25;
	v24 =	vmul.f32 v24, v27  }
0x194: {  	v25 =	vand.u32 $0xFFFF0000, v30;
	v27 =	vmul.f32 v50, v23;
	[tilespmem:s2+$0x80] =	vst v49  }
0x195: {  	v9 =	vpop (erf);
	v23 =	vmul.f32 v25, v23;
	v25 =	vperm.xlane v12, v0;
	[tilespmem:s2+$0x90] =	vst v24  }
0x196: {  	[tilespmem:v46+s17+$0x0] =	vst.idx.msk $0xff, v9;
	v51 =	vshll.u32 v28, $0x10;
	v28 =	vand.u32 $0xFFFF0000, v28;
	v24 =	vperm.xlane v15, v0;
	v53 =	vld [tilespmem:s26+$0x50]  }
0x197: {  	v32 =	vmul.f32 v51, v19;
	[tilespmem:s24+$0x20] =	vst v27;
	v19 =	vmul.f32 v28, v19;
	v27 =	vshll.u32 v48, $0x10  }
0x198: {  	v56 =	vld [tilespmem:s31+$0x20];
	v52 =	vshll.u32 v31, $0x10;
	[tilespmem:s24+$0x30] =	vst v23;
	v23 =	vand.u32 $0xFFFF0000, v48;
	v27 =	vmul.f32 v27, v24  }
0x199: {  	v30 =	vld [tilespmem:s26+$0x0];
	v31 =	vand.u32 $0xFFFF0000, v31;
	v33 =	vmul.f32 v52, v25;
	v23 =	vmul.f32 v23, v24;
	[tilespmem:s24+$0xFFFFFF50] =	vst v19  }
0x19a: {  	v25 =	vmul.f32 v31, v25;
	[tilespmem:s2+$0xFFFFFF00] =	vst v27;
	v27 =	vperm.xlane v26, v4  }
0x19b: {  	v24 =	vld [tilespmem:s0+$0xFFFFFFE0];
	[tilespmem:s2+$0xFFFFFF10] =	vst v23;
	v23 =	vshll.u32 v53, $0x10  }
0x19c: {  	[tilespmem:s2+$0xFFFFFF90] =	vst v25;
	v25 =	vand.u32 $0xFFFF0000, v53;
	v23 =	vmul.f32 v23, v27  }
0x19d: {  	v54 =	vperm.xlane v9, v0;
	v28 =	vshll.u32 v56, $0x10;
	[tilespmem:s2+$0xFFFFFF80] =	vst v33;
	v25 =	vmul.f32 v25, v27  }
0x19e: {  	v28 =	vmul.f32 v28, v11;
	v55 =	vshll.u32 v30, $0x10;
	v27 =	vld [tilespmem:s31+$0xFFFFFFB0];
	[tilespmem:s2+$0xA0] =	vst v23  }
0x19f: {  	v30 =	vand.u32 $0xFFFF0000, v30;
	v31 =	vmul.f32 v55, v54;
	[tilespmem:s2+$0xB0] =	vst v25  }
0x1a0: {  	[tilespmem:s30+$0x40] =	vst v28;
	v30 =	vmul.f32 v30, v54;
	v23 =	vshll.u32 v24, $0x10;
	v25 =	vld [tilespmem:s26+$0x60]  }
0x1a1: {  	[tilespmem:s2+$0x0] =	vst v31;
	v24 =	vand.u32 $0xFFFF0000, v24;
	v23 =	vmul.f32 v23, v29  }
0x1a2: {  	v19 =	vld [tilespmem:s31+$0xFFFFFFF0];
	[tilespmem:s2+$0x10] =	vst v30;
	v24 =	vmul.f32 v24, v29;
	v29 =	vand.u32 $0xFFFF0000, v56  }
0x1a3: {  	v11 =	vmul.f32 v29, v11;
	[tilespmem:s24+$0xFFFFFFC0] =	vst v23;
	v23 =	vshll.u32 v27, $0x10  }
0x1a4: {  	v29 =	vperm.xlane v26, v5;
	[tilespmem:s24+$0xFFFFFFD0] =	vst v24;
	v24 =	vand.u32 $0xFFFF0000, v27;
	v27 =	vld [tilespmem:s26+$0xFFFFFF90];
	v23 =	vmul.f32 v23, v14  }
0x1a5: {  	v14 =	vmul.f32 v24, v14;
	[tilespmem:s30+$0x50] =	vst v11;
	v24 =	vshll.u32 v25, $0x10  }
0x1a6: {  	v11 =	vld [tilespmem:s26+$0xFFFFFFD0];
	v25 =	vand.u32 $0xFFFF0000, v25;
	[tilespmem:s30+$0xFFFFFF60] =	vst v23;
	v24 =	vmul.f32 v24, v29  }
0x1a7: {  	v23 =	vshll.u32 v19, $0x10;
	[tilespmem:s30+$0xFFFFFF70] =	vst v14;
	v25 =	vmul.f32 v25, v29  }
0x1a8: {  	v28 =	vperm.xlane v15, v4;
	v14 =	vld [tilespmem:s13+$0x30];
	v19 =	vand.u32 $0xFFFF0000, v19;
	v23 =	vmul.f32 v23, v13;
	[tilespmem:s2+$0xC0] =	vst v24  }
0x1a9: {  	v13 =	vmul.f32 v19, v13;
	v19 =	vshll.u32 v27, $0x10;
	[tilespmem:s2+$0xD0] =	vst v25  }
0x1aa: {  	v24 =	vperm.xlane v12, v4;
	v25 =	vand.u32 $0xFFFF0000, v27;
	[tilespmem:s30+$0xFFFFFFE0] =	vst v23;
	v19 =	vmul.f32 v19, v28  }
0x1ab: {  	v23 =	vshll.u32 v11, $0x10;
	[tilespmem:s30+$0xFFFFFFF0] =	vst v13;
	v27 =	vld [tilespmem:s26+$0x70];
	v13 =	vmul.f32 v25, v28  }
0x1ac: {  	v11 =	vand.u32 $0xFFFF0000, v11;
	v25 =	vld [tilespmem:s26+$0x10];
	v23 =	vmul.f32 v23, v24;
	[tilespmem:s2+$0xFFFFFF20] =	vst v19  }
0x1ad: {  	v19 =	vshll.u32 v14, $0x10;
	v11 =	vmul.f32 v11, v24;
	[tilespmem:s2+$0xFFFFFF30] =	vst v13  }
0x1ae: {  	v13 =	vand.u32 $0xFFFF0000, v14;
	v14 =	vmul.f32 v19, v8;
	v19 =	vld [tilespmem:s26+$0xFFFFFFA0];
	[tilespmem:s2+$0xFFFFFFA0] =	vst v23  }
0x1af: {  	v8 =	vmul.f32 v13, v8;
	v13 =	vperm.xlane v26, v6;
	[tilespmem:s2+$0xFFFFFFB0] =	vst v11  }
0x1b0: {  	v11 =	vperm.xlane v9, v4;
	[tilespmem:s14+$0x60] =	vst v14;
	v22 =	vld [tilespmem:s26+$0xFFFFFFE0];
	v14 =	vand.u32 $0xFFFF0000, v27  }
0x1b1: {  	[tilespmem:s14+$0x70] =	vst v8;
	v8 =	vshll.u32 v25, $0x10;
	v14 =	vmul.f32 v14, v13  }
0x1b2: {  	[tilespmem:s24+$0xFFFFFF40] =	vst v32;
	v24 =	vld [tilespmem:s0+$0x20];
	v23 =	vperm.xlane v15, v5;
	v17 =	vand.u32 $0xFFFF0000, v25;
	v8 =	vmul.f32 v8, v11  }
0x1b3: {  	v11 =	vmul.f32 v17, v11;
	[tilespmem:s2+$0xF0] =	vst v14;
	v14 =	vshll.u32 v19, $0x10  }
0x1b4: {  	v25 =	vld [tilespmem:s0+$0xFFFFFFB0];
	v17 =	vperm.xlane v12, v5;
	v19 =	vand.u32 $0xFFFF0000, v19;
	[tilespmem:s2+$0x20] =	vst v8;
	v14 =	vmul.f32 v14, v23  }
0x1b5: {  	[tilespmem:s2+$0x30] =	vst v11;
	v8 =	vshll.u32 v22, $0x10;
	v11 =	vmul.f32 v19, v23  }
0x1b6: {  	v19 =	vld [tilespmem:s0+$0xFFFFFFF0];
	v8 =	vmul.f32 v8, v17;
	[tilespmem:s2+$0xFFFFFF40] =	vst v14;
	v14 =	vand.u32 $0xFFFF0000, v22  }
0x1b7: {  	v22 =	vshll.u32 v24, $0x10;
	[tilespmem:s2+$0xFFFFFF50] =	vst v11;
	v14 =	vmul.f32 v14, v17  }
0x1b8: {  	v11 =	vperm.xlane v21, v6;
	v21 =	vand.u32 $0xFFFF0000, v24;
	v17 =	vld [tilespmem:s31+$0x30];
	v22 =	vmul.f32 v22, v16;
	[tilespmem:s2+$0xFFFFFFC0] =	vst v8  }
0x1b9: {  	v8 =	vshll.u32 v25, $0x10;
	v16 =	vmul.f32 v21, v16;
	[tilespmem:s2+$0xFFFFFFD0] =	vst v14;
	v14 =	vld [tilespmem:s26+$0x20]  }
0x1ba: {  	v20 =	vperm.xlane v20, v6;
	v21 =	vand.u32 $0xFFFF0000, v25;
	v8 =	vmul.f32 v8, v11;
	[tilespmem:s24+$0x40] =	vst v22  }
0x1bb: {  	v11 =	vmul.f32 v21, v11;
	v22 =	vshll.u32 v19, $0x10;
	[tilespmem:s24+$0x50] =	vst v16  }
0x1bc: {  	v16 =	vand.u32 $0xFFFF0000, v19;
	v19 =	vmul.f32 v22, v20;
	[tilespmem:s24+$0xFFFFFF60] =	vst v8  }
0x1bd: {  	v8 =	vperm.xlane v9, v5;
	v16 =	vmul.f32 v16, v20;
	v20 =	vld [tilespmem:s26+$0xFFFFFFB0];
	[tilespmem:s24+$0xFFFFFF70] =	vst v11;
	v21 =	vshll.u32 v17, $0x10  }
0x1be: {  	[tilespmem:s24+$0xFFFFFFE0] =	vst v19;
	v11 =	vmul.f32 v21, v10;
	v19 =	vshll.u32 v14, $0x10  }
0x1bf: {  	[tilespmem:s24+$0xFFFFFFF0] =	vst v16;
	v21 =	vld [tilespmem:s26+$0xFFFFFFF0];
	v14 =	vand.u32 $0xFFFF0000, v14;
	v16 =	vmul.f32 v19, v8  }
0x1c0: {  	v17 =	vand.u32 $0xFFFF0000, v17;
	[tilespmem:s30+$0x60] =	vst v11;
	v8 =	vmul.f32 v14, v8  }
0x1c1: {  	v10 =	vmul.f32 v17, v10;
	v11 =	vperm.xlane v15, v6;
	v14 =	vshll.u32 v27, $0x10;
	v15 =	vld [tilespmem:s0+$0x30];
	[tilespmem:s2+$0x40] =	vst v16  }
0x1c2: {  	v13 =	vmul.f32 v14, v13;
	v14 =	vshll.u32 v20, $0x10;
	[tilespmem:s2+$0x50] =	vst v8  }
0x1c3: {  	[tilespmem:s30+$0x70] =	vst v10;
	v10 =	vand.u32 $0xFFFF0000, v20;
	v8 =	vperm.xlane v12, v6;
	v12 =	vmul.f32 v14, v11;
	v14 =	vld [tilespmem:s26+$0x30]  }
0x1c4: {  	v10 =	vmul.f32 v10, v11;
	[tilespmem:s2+$0xE0] =	vst v13;
	v13 =	vshll.u32 v21, $0x10  }
0x1c5: {  	v11 =	vperm.xlane v18, v6;
	v16 =	vand.u32 $0xFFFF0000, v21;
	v13 =	vmul.f32 v13, v8;
	[tilespmem:s2+$0xFFFFFF60] =	vst v12  }
0x1c6: {  	v8 =	vmul.f32 v16, v8;
	[tilespmem:s2+$0xFFFFFF70] =	vst v10;
	v12 =	vshll.u32 v15, $0x10  }
0x1c7: {  	v9 =	vperm.xlane v9, v6;
	v10 =	vand.u32 $0xFFFF0000, v15;
	v12 =	vmul.f32 v12, v11;
	[tilespmem:s2+$0xFFFFFFE0] =	vst v13  }
0x1c8: {  	v10 =	vmul.f32 v10, v11;
	[tilespmem:s2+$0xFFFFFFF0] =	vst v8;
	v8 =	vshll.u32 v14, $0x10  }
0x1c9: {  	[tilespmem:s24+$0x60] =	vst v12;
	v11 =	vand.u32 $0xFFFF0000, v14;
	v8 =	vmul.f32 v8, v9  }
0x1ca: {  	[tilespmem:s24+$0x70] =	vst v10;
	v9 =	vmul.f32 v11, v9  }
0x1cb: {  	[tilespmem:s2+$0x60] =	vst v8  }
0x1cc: {  	[tilespmem:s2+$0x70] =	vst v9  }
0x1cd: {  	[spmem:s22] =	stream.indirect.scatter.add.f32 [tilespmem:s17], [sflag:$0x5], $0x8, s5, s20, $0xb8;
	[tilespmem:$0x1BC20] =	vst v63  }
0x1ce: {  	_ =	swait.ge [sflag:s19], $0x280  }
0x1cf: {  	[sflag:s19] =	ssyncset.done $0x0  }
0x1d0: {  	[sflag:s19] =	ssyncadd.s32 $0xFFFFFD80  }
0x1d1: {  	s3 =	rddreg [dreg:$0x2]  }
0x1d2: {  	[spmem:s3] =	stream.indirect.scatter.add.f32 [tilespmem:s18], [sflag:$0x5], $0x80, s5, s20, $0xb8;
	[tilespmem:$0x1BC20] =	vst v63  }
0x1d3: {  	_ =	swait.ge [sflag:s19], $0x2800  }
0x1d4: {  	[sflag:s19] =	ssyncset.done $0x0  }
0x1d5: {  	[sflag:s19] =	ssyncadd.s32 $0xFFFFD800  }
0x1d6: {  	_ =	swait.ge [sflag:s10], $0x500  }
0x1d7: {  	[sflag:s10] =	ssyncset.done $0x0  }
0x1d8: {  	[sflag:s10] =	ssyncadd.s32 $0xFFFFFB00  }
0x1d9: {  	_ =	swait.ge [sflag:s10], $0x500  }
0x1da: {  	[sflag:s10] =	ssyncset.done $0x0  }
0x1db: {  	[sflag:s10] =	ssyncadd.s32 $0xFFFFFB00  }
0x1dc: {  	_ =	swait.ge [sflag:s10], $0x1400  }
0x1dd: {  	[sflag:s10] =	ssyncset.done $0x0  }
0x1de: {  	[sflag:s10] =	ssyncadd.s32 $0xFFFFEC00  }
0x1df: {  	v8 =	vld [tilespmem:$0xF0]  }
0x1e0: {  	v9 =	vld [tilespmem:$0x100]  }
0x1e1: {  	v10 =	vld [tilespmem:$0x110]  }
0x1e2: {  	v11 =	vld [tilespmem:$0x120]  }
0x1e3: {  	v12 =	vld [tilespmem:$0x130]  }
0x1e4: {  	[tilespmem:$0x140] =	vst v8  }
0x1e5: {  	[tilespmem:$0x150] =	vst v9  }
0x1e6: {  	[tilespmem:$0x160] =	vst v10  }
0x1e7: {  	[tilespmem:$0x170] =	vst v11  }
0x1e8: {  	[tilespmem:$0x180] =	vst v12  }
0x1e9: {  	_ =	swait.ge [sflag:s23], $0x50  }
0x1ea: {  	[sflag:s23] =	ssyncset.done $0x0  }
0x1eb: {  	[sflag:s23] =	ssyncadd.s32 $0xFFFFFFB0  }
0x1ec: {  	s4 =	simm.s32 $0x0;
	s14 =	sshll.u32 s12, $0x1;
	_ =	swait.ge [sflag:s23], $0x50  }
0x1ed: {  	s13 =	simm.s32 $0x190;
	s1 =	smin.u32 s14, $0x79;
	[sflag:s23] =	ssyncset.done $0x0  }
0x1ee: {  	s1 =	smul.u32 $0x50, s1;
	s24 =	rddreg [dreg:$0xc];
	[sflag:s23] =	ssyncadd.s32 $0xFFFFFFB0  }
0x1ef: {  	[tilespmem:s13], [sflag:$0x1] =	stream.indirect.gather [hbm4b:s6+s20], $0x10, s4, s20, $0xb8;
	[tilespmem:$0x1BC20] =	vst v63  }
0x1f0: {  	s15 =	simm.s32 $0x690;
	s1 =	sadd.s32 s1, s24  }
0x1f1: {  	[tilespmem:s15], [sflag:$0x1] =	stream.indirect.gather [hbm4b:s7+s20], $0x10, s20, s20, $0xb8;
	[tilespmem:$0x1BC20] =	vst v63  }
0x1f2: {  	s3 =	simm.s32 $0xB90;
	s16 =	rddreg [dreg:$0x1];
	s1 =	sshrl.u32 s1, $0x3  }
0x1f3: {  	[tilespmem:s3], [sflag:$0x1] =	stream.indirect.gather [hbm4b:s16+s20], $0x40, s4, s20, $0xb8;
	[tilespmem:$0x1BC20] =	vst v63  }
0x1f4: {  	s25 =	sadd.s32 s8, s1  }
0x1f5: {  	[tilespmem:s21], [sflag:$0x4] =	stream.linear.gather [hbm4b:s25+s4], $0x50, $0x38;
	[tilespmem:$0x1BC20] =	vst v63  }
0x1f6: {  	s26 =	simm.s32 $0xF0;
	s1 =	sadd.s32 s9, s1  }
0x1f7: {  	[tilespmem:s26], [sflag:$0x4] =	stream.linear.gather [hbm4b:s1+s4], $0x50, $0x38;
	[tilespmem:$0x1BC20] =	vst v63  }
0x1f8: {  	s1 =	simm.s32 $0x1FB0  }
0x1f9: {  	s2 =	simm.s32 $0x24B0;
	v8 =	vld [tilespmem:s1+$0x10]  }
0x1fa: {  	v9 =	vld [tilespmem:s2+$0x10];
	_ =	sdelay $0x3  }
0x1fb: {  	v10 =	vld [tilespmem:s1+$0xFFFFFFF0]  }
0x1fc: {  	v11 =	vld [tilespmem:s2+$0xFFFFFFE0];
	v8 =	vadd.f32 v9, v8  }
0x1fd: {  	v9 =	vld [tilespmem:s2+$0xFFFFFFF0]  }
0x1fe: {  	v13 =	vld [tilespmem:s1+$0xFFFFFFE0];
	v12 =	vmul.f32 $2.000000030e-01, v8;
	_ =	sdelay $0x1  }
0x1ff: {  	v8 =	vmax.f32 v8, v12  }
0x200: {  	v8 =	vsub.f32 v8, v7  }
0x201: {  	v9 =	vadd.f32 v9, v10  }
0x202: {  	v11 =	vadd.f32 v11, v13;
	v8 =	vmul.f32 $1.442695020e+00, v8  }
0x203: {  	v10 =	vmul.f32 $2.000000030e-01, v9  }
0x204: {  	v12 =	vld [tilespmem:s2+$0x0];
	(erf) = vpow2.f32 v8;
	v8 =	vmul.f32 $2.000000030e-01, v11  }
0x205: {  	v9 =	vmax.f32 v9, v10;
	v10 =	vld [tilespmem:s1+$0x0]  }
0x206: {  	v9 =	vsub.f32 v9, v7;
	v8 =	vmax.f32 v11, v8  }
0x207: {  	v8 =	vsub.f32 v8, v7  }
0x208: {  	s3 =	simm.s32 $0x18;
	v9 =	vmul.f32 $1.442695020e+00, v9  }
0x209: {  	v11 =	vor.u32 s3, v3;
	v8 =	vmul.f32 $1.442695020e+00, v8  }
0x20a: {  	(erf) = vpow2.f32 v9;
	v9 =	vadd.f32 v12, v10;
	_ =	sdelay $0x1  }
0x20b: {  	(erf) = vpow2.f32 v8;
	v10 =	vmul.f32 $2.000000030e-01, v9  }
0x20c: {  	v8 =	vpop (erf)  }
0x20d: {  	s0 =	simm.s32 $0x2A10;
	s4 =	simm.s32 $0x8;
	v9 =	vmax.f32 v9, v10;
	[tilespmem:v11+s17+$0x0] =	vst.idx.msk $0xff, v8  }
0x20e: {  	v11 =	vor.u32 s4, v3;
	v9 =	vsub.f32 v9, v7;
	v12 =	vld [tilespmem:s0+$0x40]  }
0x20f: {  	s13 =	simm.s32 $0x0  }
0x210: {  	s15 =	simm.s32 $0x24F0;
	v10 =	vor.u32 s13, v3;
	v9 =	vmul.f32 $1.442695020e+00, v9  }
0x211: {  	s14 =	simm.s32 $0x1FF0;
	v16 =	vld [tilespmem:s15+$0xFFFFFFE0]  }
0x212: {  	v17 =	vld [tilespmem:s14+$0xFFFFFFF0];
	v14 =	vperm.xlane v8, v0;
	v13 =	vpop (erf)  }
0x213: {  	v19 =	vld [tilespmem:s15+$0xFFFFFFF0];
	(erf) = vpow2.f32 v9;
	[tilespmem:v11+s17+$0x0] =	vst.idx.msk $0xff, v13;
	v11 =	vshll.u32 v12, $0x10  }
0x214: {  	v30 =	vld [tilespmem:s15+$0x0];
	v9 =	vpop (erf);
	v12 =	vand.u32 $0xFFFF0000, v12;
	v11 =	vmul.f32 v11, v14  }
0x215: {  	s4 =	simm.s32 $0x3E90;
	[tilespmem:v10+s17+$0x0] =	vst.idx.msk $0xff, v9;
	v10 =	vmul.f32 v12, v14;
	v12 =	vld [tilespmem:s14+$0x10]  }
0x216: {  	s3 =	simm.s32 $0x2030;
	[tilespmem:s4+$0x80] =	vst v11;
	v11 =	vld [tilespmem:s15+$0x10]  }
0x217: {  	v59 =	vld [tilespmem:s3+$0x10];
	[tilespmem:s4+$0x90] =	vst v10  }
0x218: {  	s15 =	simm.s32 $0x2530;
	v10 =	vld [tilespmem:s0+$0x50]  }
0x219: {  	s16 =	simm.s32 $0x10;
	v60 =	vld [tilespmem:s15+$0x10]  }
0x21a: {  	v22 =	vor.u32 s16, v3;
	v24 =	vperm.xlane v8, v4;
	v14 =	vld [tilespmem:s0+$0xFFFFFF80]  }
0x21b: {  	v18 =	vperm.xlane v13, v0;
	v28 =	vperm.xlane v13, v4;
	v15 =	vld [tilespmem:s0+$0xFFFFFFC0];
	v11 =	vadd.f32 v11, v12  }
0x21c: {  	v25 =	vld [tilespmem:s14+$0xFFFFFFE0];
	v17 =	vadd.f32 v19, v17;
	v21 =	vperm.xlane v9, v4;
	v23 =	vpop (erf);
	v12 =	vperm.xlane v9, v0  }
0x21d: {  	v27 =	vperm.xlane v23, v0;
	v29 =	vshll.u32 v10, $0x10;
	v26 =	vmul.f32 $2.000000030e-01, v11  }
0x21e: {  	v20 =	vld [tilespmem:s14+$0x0];
	v10 =	vand.u32 $0xFFFF0000, v10;
	v37 =	vadd.f32 v60, v59;
	v29 =	vmul.f32 v29, v24  }
0x21f: {  	v10 =	vmul.f32 v10, v24;
	v24 =	vshll.u32 v14, $0x10;
	v11 =	vmax.f32 v11, v26  }
0x220: {  	v59 =	vmul.f32 $2.000000030e-01, v37;
	v26 =	vshll.u32 v15, $0x10;
	[tilespmem:s4+$0xA0] =	vst v29;
	v11 =	vsub.f32 v11, v7  }
0x221: {  	[tilespmem:s4+$0xB0] =	vst v10;
	v10 =	vadd.f32 v16, v25;
	v16 =	vmul.f32 v24, v12;
	v25 =	vmul.f32 $2.000000030e-01, v17  }
0x222: {  	v15 =	vand.u32 $0xFFFF0000, v15;
	v19 =	vmul.f32 v26, v18;
	v24 =	vld [tilespmem:s0+$0x60];
	v11 =	vmul.f32 $1.442695020e+00, v11  }
0x223: {  	v20 =	vadd.f32 v30, v20;
	v15 =	vmul.f32 v15, v18;
	v18 =	vperm.xlane v8, v5  }
0x224: {  	v14 =	vand.u32 $0xFFFF0000, v14;
	v26 =	vmul.f32 $2.000000030e-01, v10;
	(erf) = vpow2.f32 v11  }
0x225: {  	[tilespmem:v22+s17+$0x0] =	vst.idx.msk $0xff, v23;
	v11 =	vmul.f32 v14, v12;
	v12 =	vmul.f32 $2.000000030e-01, v20;
	v14 =	vmax.f32 v17, v25  }
0x226: {  	[tilespmem:s4+$0xFFFFFF90] =	vst v15;
	v15 =	vperm.xlane v9, v5;
	v10 =	vmax.f32 v10, v26;
	v17 =	vld [tilespmem:s0+$0x0];
	v14 =	vsub.f32 v14, v7  }
0x227: {  	[tilespmem:s4+$0xFFFFFF00] =	vst v16;
	v10 =	vsub.f32 v10, v7;
	v16 =	vshll.u32 v24, $0x10;
	v12 =	vmax.f32 v20, v12  }
0x228: {  	[tilespmem:s4+$0xFFFFFF10] =	vst v11;
	v11 =	vmul.f32 v16, v18;
	v12 =	vsub.f32 v12, v7;
	v14 =	vmul.f32 $1.442695020e+00, v14  }
0x229: {  	s24 =	simm.s32 $0x38;
	v10 =	vmul.f32 $1.442695020e+00, v10;
	v20 =	vand.u32 $0xFFFF0000, v24;
	v24 =	vperm.xlane v13, v5  }
0x22a: {  	[tilespmem:s4+$0xFFFFFF80] =	vst v19;
	v16 =	vor.u32 s24, v3;
	v19 =	vld [tilespmem:s0+$0xFFFFFF90];
	v12 =	vmul.f32 $1.442695020e+00, v12;
	(erf) = vpow2.f32 v14  }
0x22b: {  	[tilespmem:s4+$0xC0] =	vst v11;
	v14 =	vmul.f32 v20, v18;
	v11 =	vand.u32 $0xFFFF0000, v17;
	v18 =	vperm.xlane v13, v6  }
0x22c: {  	(erf) = vpow2.f32 v10;
	v10 =	vshll.u32 v17, $0x10;
	v11 =	vmul.f32 v11, v27  }
0x22d: {  	v22 =	vld [tilespmem:s0+$0xFFFFFFD0];
	(erf) = vpow2.f32 v12;
	v10 =	vmul.f32 v10, v27;
	[tilespmem:s4+$0xD0] =	vst v14  }
0x22e: {  	v12 =	vperm.xlane v23, v4;
	v14 =	vperm.xlane v23, v5;
	v20 =	vld [tilespmem:s0+$0x70];
	[tilespmem:s4+$0x10] =	vst v11  }
0x22f: {  	s26 =	simm.s32 $0x20;
	v11 =	vand.u32 $0xFFFF0000, v19;
	v17 =	vpop (erf);
	[tilespmem:s4+$0x0] =	vst v10;
	v10 =	vshll.u32 v19, $0x10;
	v19 =	vperm.xlane v9, v6  }
0x230: {  	s25 =	simm.s32 $0x28;
	s13 =	simm.s32 $0x2B10;
	v26 =	vor.u32 s26, v3;
	v11 =	vmul.f32 v11, v21;
	[tilespmem:v16+s17+$0x0] =	vst.idx.msk $0xff, v17;
	v10 =	vmul.f32 v10, v21  }
0x231: {  	v9 =	vperm.xlane v23, v6;
	v16 =	vor.u32 s25, v3;
	v21 =	vperm.xlane v8, v6;
	v25 =	vld [tilespmem:s13+$0x40]  }
0x232: {  	v27 =	vld [tilespmem:s0+$0x10];
	v13 =	vperm.xlane v17, v0;
	v54 =	vperm.xlane v17, v4;
	[tilespmem:s4+$0xFFFFFF20] =	vst v10;
	v10 =	vshll.u32 v22, $0x10  }
0x233: {  	[tilespmem:s4+$0xFFFFFF30] =	vst v11;
	v22 =	vand.u32 $0xFFFF0000, v22;
	v11 =	vand.u32 $0xFFFF0000, v20;
	v10 =	vmul.f32 v10, v28  }
0x234: {  	s2 =	simm.s32 $0x30;
	v22 =	vmul.f32 v22, v28;
	v8 =	vpop (erf);
	v11 =	vmul.f32 v11, v21  }
0x235: {  	v29 =	vor.u32 s2, v3;
	v30 =	vld [tilespmem:s0+$0xFFFFFFA0];
	v23 =	vpop (erf);
	[tilespmem:s4+$0xFFFFFFA0] =	vst v10;
	v36 =	vperm.xlane v8, v4;
	v10 =	vperm.xlane v8, v5  }
0x236: {  	[tilespmem:v16+s17+$0x0] =	vst.idx.msk $0xff, v8;
	v16 =	vshll.u32 v25, $0x10;
	v25 =	vand.u32 $0xFFFF0000, v25;
	v33 =	vperm.xlane v23, v4  }
0x237: {  	v31 =	vshll.u32 v27, $0x10;
	[tilespmem:s4+$0xFFFFFFB0] =	vst v22;
	v57 =	vld [tilespmem:s13+$0xFFFFFFC0];
	v16 =	vmul.f32 v16, v13;
	v13 =	vmul.f32 v25, v13  }
0x238: {  	s14 =	simm.s32 $0x4090;
	[tilespmem:v26+s17+$0x0] =	vst.idx.msk $0xff, v23;
	v26 =	vpop (erf);
	v61 =	vld [tilespmem:s0+$0xFFFFFFE0];
	v25 =	vand.u32 $0xFFFF0000, v27;
	v27 =	vmul.f32 v31, v12;
	v31 =	vperm.xlane v23, v0  }
0x239: {  	v28 =	vld [tilespmem:s13+$0xFFFFFF80];
	v35 =	vperm.xlane v26, v0;
	v38 =	vperm.xlane v26, v4;
	[tilespmem:s14+$0x80] =	vst v16  }
0x23a: {  	v52 =	vld [tilespmem:s3+$0xFFFFFFF0];
	v25 =	vmul.f32 v25, v12;
	v12 =	vperm.xlane v8, v0;
	v22 =	vshll.u32 v30, $0x10;
	[tilespmem:s14+$0x90] =	vst v13  }
0x23b: {  	v30 =	vand.u32 $0xFFFF0000, v30;
	v13 =	vperm.xlane v23, v5;
	v16 =	vperm.xlane v26, v5;
	v58 =	vld [tilespmem:s13+$0x50]  }
0x23c: {  	v55 =	vld [tilespmem:s15+$0xFFFFFFF0];
	v20 =	vshll.u32 v20, $0x10;
	[tilespmem:v29+s17+$0x0] =	vst.idx.msk $0xff, v26;
	v22 =	vmul.f32 v22, v15;
	v30 =	vmul.f32 v30, v15  }
0x23d: {  	v29 =	vld [tilespmem:s13+$0x0];
	[tilespmem:s4+$0x20] =	vst v27;
	v27 =	vmul.f32 v20, v21;
	v62 =	vshll.u32 v57, $0x10;
	v32 =	vand.u32 $0xFFFF0000, v57  }
0x23e: {  	v60 =	vshll.u32 v61, $0x10;
	v51 =	vshll.u32 v28, $0x10;
	v41 =	vmul.f32 v62, v12  }
0x23f: {  	v63 =	vld [tilespmem:s15+$0xFFFFFFE0];
	v28 =	vand.u32 $0xFFFF0000, v28;
	v32 =	vmul.f32 v32, v12;
	v43 =	vmul.f32 v51, v31  }
0x240: {  	s25 =	simm.s32 $0x48;
	[tilespmem:s4+$0x30] =	vst v25;
	v28 =	vmul.f32 v28, v31;
	v31 =	vshll.u32 v58, $0x10;
	v12 =	vand.u32 $0xFFFF0000, v58;
	v58 =	vld [tilespmem:s3+$0xFFFFFFE0]  }
0x241: {  	v56 =	vld [tilespmem:s3+$0x0];
	v40 =	vand.u32 $0xFFFF0000, v61;
	v61 =	vadd.f32 v55, v52;
	[tilespmem:s4+$0xFFFFFF50] =	vst v30;
	v30 =	vor.u32 s25, v3  }
0x242: {  	v57 =	vld [tilespmem:s15+$0x0];
	[tilespmem:s4+$0xFFFFFF40] =	vst v22;
	v22 =	vperm.xlane v17, v6;
	v53 =	vshll.u32 v29, $0x10;
	v12 =	vmul.f32 v12, v54  }
0x243: {  	s16 =	simm.s32 $0x58;
	v21 =	vld [tilespmem:s0+$0x20];
	v29 =	vand.u32 $0xFFFF0000, v29;
	v62 =	vmul.f32 $2.000000030e-01, v61;
	v31 =	vmul.f32 v31, v54  }
0x244: {  	v51 =	vor.u32 s16, v3;
	v45 =	vmul.f32 v53, v35;
	[tilespmem:s14+$0xB0] =	vst v12;
	v12 =	vmax.f32 v37, v59  }
0x245: {  	v34 =	vmax.f32 v61, v62;
	[tilespmem:s14+$0xA0] =	vst v31;
	v37 =	vsub.f32 v12, v7;
	v39 =	vadd.f32 v63, v58  }
0x246: {  	v29 =	vmul.f32 v29, v35;
	[tilespmem:s14+$0xFFFFFF00] =	vst v43;
	v34 =	vsub.f32 v34, v7;
	v15 =	vld [tilespmem:s13+$0x60];
	v12 =	vperm.xlane v23, v6  }
0x247: {  	[tilespmem:s14+$0xFFFFFF10] =	vst v28;
	v23 =	vadd.f32 v57, v56;
	v37 =	vmul.f32 $1.442695020e+00, v37;
	v28 =	vmul.f32 $2.000000030e-01, v39  }
0x248: {  	[tilespmem:s14+$0x0] =	vst v45;
	v54 =	vshll.u32 v21, $0x10;
	v31 =	vmul.f32 v60, v24;
	v24 =	vmul.f32 v40, v24  }
0x249: {  	[tilespmem:s14+$0x10] =	vst v29;
	v29 =	vld [tilespmem:s13+$0xFFFFFF90];
	v44 =	vmul.f32 $2.000000030e-01, v23;
	(erf) = vpow2.f32 v37;
	v28 =	vmax.f32 v39, v28  }
0x24a: {  	[tilespmem:s14+$0xFFFFFF80] =	vst v41;
	v50 =	vld [tilespmem:s13+$0x10];
	v49 =	vmul.f32 $1.442695020e+00, v34;
	v63 =	vperm.xlane v17, v5;
	v28 =	vsub.f32 v28, v7  }
0x24b: {  	[tilespmem:s14+$0xFFFFFF90] =	vst v32;
	v23 =	vmax.f32 v23, v44;
	v46 =	vshll.u32 v15, $0x10;
	v15 =	vand.u32 $0xFFFF0000, v15  }
0x24c: {  	v48 =	vld [tilespmem:s13+$0xFFFFFFD0];
	v23 =	vsub.f32 v23, v7;
	(erf) = vpow2.f32 v49;
	v28 =	vmul.f32 $1.442695020e+00, v28  }
0x24d: {  	[tilespmem:s4+$0xF0] =	vst v11;
	v21 =	vand.u32 $0xFFFF0000, v21;
	v32 =	vmul.f32 v46, v63;
	v47 =	vmul.f32 v15, v63  }
0x24e: {  	[tilespmem:s4+$0xFFFFFFD0] =	vst v24;
	v25 =	vshll.u32 v29, $0x10;
	v23 =	vmul.f32 $1.442695020e+00, v23;
	(erf) = vpow2.f32 v28  }
0x24f: {  	v52 =	vld [tilespmem:s0+$0xFFFFFFB0];
	v40 =	vmul.f32 v21, v14;
	v17 =	vshll.u32 v50, $0x10;
	v25 =	vmul.f32 v25, v33;
	[tilespmem:s14+$0xC0] =	vst v32  }
0x250: {  	v24 =	vand.u32 $0xFFFF0000, v50;
	v56 =	vmul.f32 v17, v38;
	[tilespmem:s14+$0xD0] =	vst v47;
	(erf) = vpow2.f32 v23  }
0x251: {  	[tilespmem:s4+$0xFFFFFFC0] =	vst v31;
	v37 =	vand.u32 $0xFFFF0000, v48;
	v15 =	vperm.xlane v8, v6;
	v8 =	vperm.xlane v26, v6;
	v26 =	vld [tilespmem:s13+$0x70]  }
0x252: {  	s24 =	simm.s32 $0x40;
	v38 =	vmul.f32 v24, v38;
	v55 =	vmul.f32 v37, v36;
	[tilespmem:s14+$0xFFFFFF20] =	vst v25;
	v28 =	vand.u32 $0xFFFF0000, v29;
	v20 =	vpop (erf)  }
0x253: {  	s31 =	simm.s32 $0x2C10;
	v29 =	vor.u32 s24, v3;
	v23 =	vshll.u32 v48, $0x10;
	v28 =	vmul.f32 v28, v33;
	[tilespmem:v51+s17+$0x0] =	vst.idx.msk $0xff, v20  }
0x254: {  	s26 =	simm.s32 $0x50;
	s3 =	simm.s32 $0x2070;
	v17 =	vshll.u32 v52, $0x10;
	[tilespmem:s14+$0xFFFFFFB0] =	vst v55;
	v32 =	vand.u32 $0xFFFF0000, v52;
	v23 =	vmul.f32 v23, v36;
	v35 =	vld [tilespmem:s31+$0x40]  }
0x255: {  	s15 =	simm.s32 $0x2570;
	v53 =	vor.u32 s26, v3;
	v25 =	vmul.f32 v17, v19;
	v49 =	vld [tilespmem:s3+$0x10];
	v19 =	vmul.f32 v32, v19;
	[tilespmem:s14+$0xFFFFFF30] =	vst v28  }
0x256: {  	v55 =	vld [tilespmem:s15+$0x10];
	v28 =	vmul.f32 v54, v14;
	v31 =	vand.u32 $0xFFFF0000, v26;
	v33 =	vpop (erf);
	[tilespmem:s14+$0xFFFFFFA0] =	vst v23;
	v23 =	vperm.xlane v20, v0  }
0x257: {  	v14 =	vld [tilespmem:s13+$0xFFFFFFA0];
	v51 =	vperm.xlane v20, v4;
	v26 =	vshll.u32 v26, $0x10;
	v31 =	vmul.f32 v31, v22;
	[tilespmem:v30+s17+$0x0] =	vst.idx.msk $0xff, v33;
	v30 =	vpop (erf)  }
0x258: {  	v57 =	vperm.xlane v33, v0;
	v22 =	vmul.f32 v26, v22;
	[tilespmem:v29+s17+$0x0] =	vst.idx.msk $0xff, v30;
	v29 =	vld [tilespmem:s31+$0xFFFFFFC0]  }
0x259: {  	[tilespmem:s4+$0xE0] =	vst v27;
	v17 =	vshll.u32 v35, $0x10;
	v42 =	vpop (erf);
	v58 =	vperm.xlane v30, v0;
	v24 =	vperm.xlane v30, v4;
	v59 =	vld [tilespmem:s31+$0xFFFFFF80]  }
0x25a: {  	v21 =	vand.u32 $0xFFFF0000, v35;
	v36 =	vperm.xlane v30, v5;
	v17 =	vmul.f32 v17, v23;
	[tilespmem:v53+s17+$0x0] =	vst.idx.msk $0xff, v42  }
0x25b: {  	s30 =	simm.s32 $0x4290;
	[tilespmem:s4+$0x50] =	vst v40;
	v48 =	vadd.f32 v55, v49;
	v23 =	vmul.f32 v21, v23;
	v44 =	vperm.xlane v42, v0;
	v60 =	vld [tilespmem:s31+$0x0]  }
0x25c: {  	v63 =	vld [tilespmem:s13+$0xFFFFFFE0];
	v61 =	vshll.u32 v14, $0x10;
	v21 =	vperm.xlane v33, v4;
	v11 =	vperm.xlane v42, v5;
	[tilespmem:s30+$0x80] =	vst v17  }
0x25d: {  	v50 =	vld [tilespmem:s15+$0xFFFFFFE0];
	[tilespmem:s30+$0x90] =	vst v23;
	v23 =	vperm.xlane v42, v4;
	v17 =	vperm.xlane v33, v5;
	v52 =	vshll.u32 v29, $0x10  }
0x25e: {  	[tilespmem:s14+$0x20] =	vst v56;
	v62 =	vld [tilespmem:s31+$0x50];
	v27 =	vand.u32 $0xFFFF0000, v29;
	v29 =	vmul.f32 v61, v13;
	v53 =	vshll.u32 v59, $0x10  }
0x25f: {  	v39 =	vld [tilespmem:s0+$0xFFFFFFF0];
	[tilespmem:s14+$0xF0] =	vst v31;
	v31 =	vand.u32 $0xFFFF0000, v59;
	v54 =	vmul.f32 v52, v57;
	v27 =	vmul.f32 v27, v57  }
0x260: {  	[tilespmem:s14+$0x30] =	vst v38;
	v61 =	vld [tilespmem:s3+$0x0];
	v34 =	vmul.f32 v53, v58;
	v56 =	vshll.u32 v60, $0x10;
	v45 =	vand.u32 $0xFFFF0000, v60  }
0x261: {  	v57 =	vld [tilespmem:s3+$0xFFFFFFF0];
	v31 =	vmul.f32 v31, v58;
	[tilespmem:s14+$0xFFFFFF40] =	vst v29;
	v29 =	vshll.u32 v63, $0x10;
	v37 =	vmul.f32 v56, v44  }
0x262: {  	[tilespmem:s4+$0xFFFFFF60] =	vst v25;
	v14 =	vand.u32 $0xFFFF0000, v14;
	v59 =	vld [tilespmem:s15+$0xFFFFFFF0];
	v44 =	vmul.f32 v45, v44;
	v29 =	vmul.f32 v29, v10  }
0x263: {  	[tilespmem:s4+$0xFFFFFF70] =	vst v19;
	v53 =	vld [tilespmem:s3+$0xFFFFFFE0];
	v58 =	vshll.u32 v62, $0x10;
	v46 =	vand.u32 $0xFFFF0000, v62;
	v62 =	vmul.f32 v14, v13  }
0x264: {  	v60 =	vand.u32 $0xFFFF0000, v63;
	v63 =	vld [tilespmem:s15+$0x0];
	[tilespmem:s30+$0xFFFFFF80] =	vst v54;
	v14 =	vperm.xlane v30, v6;
	v38 =	vmul.f32 v58, v51  }
0x265: {  	v52 =	vshll.u32 v39, $0x10;
	[tilespmem:s30+$0xFFFFFF90] =	vst v27;
	v30 =	vmul.f32 $2.000000030e-01, v48;
	v46 =	vmul.f32 v46, v51  }
0x266: {  	v39 =	vand.u32 $0xFFFF0000, v39;
	v43 =	vmul.f32 v60, v10;
	v10 =	vperm.xlane v42, v6;
	[tilespmem:s30+$0xA0] =	vst v38  }
0x267: {  	v13 =	vperm.xlane v33, v6;
	v27 =	vadd.f32 v59, v57;
	v30 =	vmax.f32 v48, v30;
	[tilespmem:s30+$0xB0] =	vst v46  }
0x268: {  	[tilespmem:s30+$0xFFFFFF10] =	vst v31;
	v31 =	vmul.f32 v52, v18;
	v30 =	vsub.f32 v30, v7;
	v57 =	vadd.f32 v50, v53;
	v54 =	vld [tilespmem:s31+$0x60]  }
0x269: {  	[tilespmem:s4+$0x40] =	vst v28;
	v18 =	vmul.f32 v39, v18;
	v55 =	vadd.f32 v63, v61;
	v35 =	vmul.f32 $2.000000030e-01, v27  }
0x26a: {  	s24 =	simm.s32 $0x60;
	[tilespmem:s14+$0xFFFFFFC0] =	vst v29;
	v30 =	vmul.f32 $1.442695020e+00, v30;
	v29 =	vmul.f32 $2.000000030e-01, v57  }
0x26b: {  	v19 =	vor.u32 s24, v3;
	[tilespmem:s30+$0xFFFFFF00] =	vst v34;
	v58 =	vperm.xlane v20, v5;
	v59 =	vmul.f32 $2.000000030e-01, v55  }
0x26c: {  	[tilespmem:s14+$0xE0] =	vst v22;
	v56 =	vld [tilespmem:s31+$0xFFFFFF90];
	v27 =	vmax.f32 v27, v35;
	(erf) = vpow2.f32 v30;
	v29 =	vmax.f32 v57, v29  }
0x26d: {  	[tilespmem:s30+$0x0] =	vst v37;
	v27 =	vsub.f32 v27, v7;
	v26 =	vmax.f32 v55, v59;
	v60 =	vshll.u32 v54, $0x10  }
0x26e: {  	[tilespmem:s30+$0x10] =	vst v44;
	v61 =	vld [tilespmem:s31+$0xFFFFFFD0];
	v29 =	vsub.f32 v29, v7;
	v34 =	vand.u32 $0xFFFF0000, v54;
	v42 =	vmul.f32 v60, v58  }
0x26f: {  	s25 =	simm.s32 $0x68;
	s16 =	simm.s32 $0x78;
	v49 =	vld [tilespmem:s13+$0x20];
	[tilespmem:s14+$0xFFFFFF50] =	vst v62;
	v26 =	vsub.f32 v26, v7;
	v27 =	vmul.f32 $1.442695020e+00, v27;
	v30 =	vmul.f32 v34, v58  }
0x270: {  	v51 =	vor.u32 s25, v3;
	v62 =	vld [tilespmem:s31+$0x10];
	v50 =	vor.u32 s16, v3;
	v29 =	vmul.f32 $1.442695020e+00, v29;
	[tilespmem:s30+$0xC0] =	vst v42  }
0x271: {  	v28 =	vshll.u32 v56, $0x10;
	v25 =	vmul.f32 $1.442695020e+00, v26;
	(erf) = vpow2.f32 v27;
	[tilespmem:s30+$0xD0] =	vst v30  }
0x272: {  	[tilespmem:s14+$0xFFFFFFD0] =	vst v43;
	v28 =	vmul.f32 v28, v24;
	v30 =	vand.u32 $0xFFFF0000, v56;
	(erf) = vpow2.f32 v29;
	v63 =	vld [tilespmem:s31+$0x70]  }
0x273: {  	[tilespmem:s4+$0xFFFFFFF0] =	vst v18;
	v48 =	vshll.u32 v61, $0x10;
	v27 =	vld [tilespmem:s13+$0xFFFFFFB0];
	(erf) = vpow2.f32 v25;
	v24 =	vmul.f32 v30, v24  }
0x274: {  	v18 =	vand.u32 $0xFFFF0000, v61;
	v52 =	vmul.f32 v48, v21;
	[tilespmem:s30+$0xFFFFFF20] =	vst v28;
	v26 =	vperm.xlane v20, v6;
	v20 =	vld [tilespmem:s13+$0xFFFFFFF0]  }
0x275: {  	s26 =	simm.s32 $0x70;
	v40 =	vld [tilespmem:s0+$0x30];
	v53 =	vmul.f32 v18, v21;
	v18 =	vand.u32 $0xFFFF0000, v49;
	v34 =	vand.u32 $0xFFFF0000, v62;
	[tilespmem:s30+$0xFFFFFF30] =	vst v24;
	v22 =	vpop (erf)  }
0x276: {  	s0 =	simm.s32 $0x2D10;
	v28 =	vmul.f32 v18, v16;
	v45 =	vmul.f32 v34, v23;
	v29 =	vor.u32 s26, v3;
	v59 =	vld [tilespmem:s31+$0xFFFFFFA0];
	[tilespmem:v50+s17+$0x0] =	vst.idx.msk $0xff, v22  }
0x277: {  	[tilespmem:s4+$0xFFFFFFE0] =	vst v31;
	v25 =	vshll.u32 v62, $0x10;
	v30 =	vshll.u32 v49, $0x10;
	v31 =	vand.u32 $0xFFFF0000, v63;
	v54 =	vld [tilespmem:s0+$0x40]  }
0x278: {  	[tilespmem:s30+$0xFFFFFFA0] =	vst v52;
	v55 =	vmul.f32 v25, v23;
	v21 =	vshll.u32 v27, $0x10;
	v31 =	vmul.f32 v31, v26  }
0x279: {  	[tilespmem:s30+$0xFFFFFFB0] =	vst v53;
	v30 =	vmul.f32 v30, v16;
	v35 =	vshll.u32 v20, $0x10;
	v33 =	vand.u32 $0xFFFF0000, v20  }
0x27a: {  	v37 =	vand.u32 $0xFFFF0000, v27;
	v27 =	vmul.f32 v21, v12;
	v16 =	vperm.xlane v22, v0;
	v20 =	vpop (erf);
	[tilespmem:s30+$0xF0] =	vst v31  }
0x27b: {  	v31 =	vshll.u32 v63, $0x10;
	[tilespmem:v51+s17+$0x0] =	vst.idx.msk $0xff, v20;
	v38 =	vperm.xlane v20, v0;
	v21 =	vpop (erf);
	v25 =	vperm.xlane v20, v4  }
0x27c: {  	v62 =	vshll.u32 v59, $0x10;
	[tilespmem:v19+s17+$0x0] =	vst.idx.msk $0xff, v21;
	v47 =	vperm.xlane v21, v0;
	v39 =	vld [tilespmem:s0+$0xFFFFFFC0];
	v18 =	vpop (erf);
	v19 =	vshll.u32 v54, $0x10  }
0x27d: {  	v63 =	vld [tilespmem:s31+$0xFFFFFFE0];
	v24 =	vperm.xlane v21, v4;
	[tilespmem:v29+s17+$0x0] =	vst.idx.msk $0xff, v18;
	v23 =	vand.u32 $0xFFFF0000, v54;
	v29 =	vmul.f32 v19, v16  }
0x27e: {  	s24 =	simm.s32 $0x4490;
	v50 =	vand.u32 $0xFFFF0000, v59;
	v42 =	vmul.f32 v62, v36;
	v60 =	vld [tilespmem:s0+$0xFFFFFF80];
	v43 =	vmul.f32 v23, v16  }
0x27f: {  	v32 =	vshll.u32 v40, $0x10;
	v36 =	vmul.f32 v50, v36;
	v48 =	vperm.xlane v18, v0;
	v61 =	vld [tilespmem:s0+$0x0];
	[tilespmem:s24+$0x80] =	vst v29  }
0x280: {  	v34 =	vand.u32 $0xFFFF0000, v40;
	v19 =	vperm.xlane v21, v5;
	v23 =	vperm.xlane v18, v4;
	[tilespmem:s24+$0x90] =	vst v43  }
0x281: {  	[tilespmem:s30+$0x30] =	vst v45;
	v16 =	vperm.xlane v18, v5;
	v29 =	vperm.xlane v20, v5;
	v56 =	vshll.u32 v39, $0x10;
	v58 =	vld [tilespmem:s0+$0x50]  }
0x282: {  	s15 =	simm.s32 $0x25B0;
	[tilespmem:s30+$0x20] =	vst v55;
	v54 =	vshll.u32 v63, $0x10;
	v57 =	vand.u32 $0xFFFF0000, v39;
	v43 =	vmul.f32 v56, v38  }
0x283: {  	v41 =	vld [tilespmem:s15+$0x10];
	s26 =	simm.s32 $0x20B0;
	[tilespmem:s30+$0xFFFFFF40] =	vst v42;
	v46 =	vand.u32 $0xFFFF0000, v63;
	v59 =	vshll.u32 v60, $0x10;
	v62 =	vmul.f32 v57, v38  }
0x284: {  	v39 =	vld [tilespmem:s26+$0x10];
	v52 =	vand.u32 $0xFFFF0000, v60;
	v44 =	vmul.f32 v59, v47;
	v60 =	vshll.u32 v61, $0x10;
	[tilespmem:s24+$0xFFFFFF80] =	vst v43  }
0x285: {  	v40 =	vld [tilespmem:s26+$0xFFFFFFF0];
	v53 =	vand.u32 $0xFFFF0000, v61;
	v61 =	vmul.f32 v52, v47;
	v47 =	vperm.xlane v22, v4;
	[tilespmem:s24+$0xFFFFFF90] =	vst v62  }
0x286: {  	v42 =	vmul.f32 v54, v17;
	v38 =	vld [tilespmem:s15+$0xFFFFFFE0];
	v45 =	vmul.f32 v60, v48;
	[tilespmem:s24+$0xFFFFFF00] =	vst v44;
	v63 =	vshll.u32 v58, $0x10  }
0x287: {  	s25 =	simm.s32 $0x10;
	s16 =	simm.s32 $0x14;
	v43 =	vmul.f32 v53, v48;
	[tilespmem:s24+$0xFFFFFF10] =	vst v61;
	v44 =	vld [tilespmem:s15+$0xFFFFFFF0];
	v49 =	vand.u32 $0xFFFF0000, v58;
	v48 =	vmul.f32 v63, v47  }
.LBB2_9:
0x288: {  	p0 =	slt.u32 s16, $0x4C;
	v50 =	vld [tilespmem:s26+$0x0];
	[tilespmem:s24+$0x0] =	vst v45;
	v45 =	vmul.f32 v49, v47;
	v46 =	vmul.f32 v46, v17;
	v17 =	vmov v29  }
0x289: {  	v21 =	vperm.xlane v21, v6;
	v20 =	vperm.xlane v20, v6;
	v29 =	vld [tilespmem:s15+$0x0];
	v39 =	vadd.f32 v41, v39;
	[tilespmem:s24+$0xA0] =	vst v48  }
0x28a: {  	v18 =	vperm.xlane v18, v6;
	v37 =	vmul.f32 v37, v12;
	v12 =	vmov v14;
	v41 =	vld [tilespmem:s26+$0xFFFFFFE0];
	[tilespmem:s24+$0xB0] =	vst v45  }
0x28b: {  	v35 =	vmul.f32 v35, v15;
	v14 =	vmov v21;
	v45 =	vmul.f32 $2.000000030e-01, v39;
	[tilespmem:s24+$0x10] =	vst v43;
	v43 =	vld [tilespmem:s0+$0x60]  }
0x28c: {  	v33 =	vmul.f32 v33, v15;
	v32 =	vmul.f32 v32, v9;
	v21 =	vadd.f32 v44, v40;
	v40 =	vld [tilespmem:s0+$0xFFFFFF90];
	[tilespmem:s30+$0xFFFFFF50] =	vst v36  }
0x28d: {  	v31 =	vmul.f32 v31, v26;
	v26 =	vmul.f32 v34, v9;
	v44 =	vmax.f32 v39, v45;
	v36 =	vld [tilespmem:s0+$0xFFFFFFD0];
	[tilespmem:s30+$0xFFFFFFC0] =	vst v42  }
0x28e: {  	v15 =	vmovc v13;
	v34 =	vmul.f32 $2.000000030e-01, v21;
	v29 =	vadd.f32 v29, v50;
	v39 =	vsub.f32 v44, v7;
	v42 =	vld [tilespmem:s0+$0x10];
	[tilespmem:s30+$0xFFFFFFD0] =	vst v46  }
0x28f: {  	v9 =	vmovc v8;
	v13 =	vmov v20;
	v38 =	vadd.f32 v38, v41;
	v41 =	vperm.xlane v22, v5;
	v44 =	vld [tilespmem:s31+$0x20];
	[tilespmem:s14+$0x40] =	vst v30  }
0x290: {  	v8 =	vmovc v10;
	v10 =	vmovc v18;
	v20 =	vmul.f32 $2.000000030e-01, v29;
	v30 =	vmul.f32 $1.442695020e+00, v39;
	v39 =	vshll.u32 v43, $0x10;
	[tilespmem:s14+$0x50] =	vst v28  }
0x291: {  	v28 =	vand.u32 $0xFFFF0000, v43;
	v18 =	vmul.f32 $2.000000030e-01, v38;
	v39 =	vmul.f32 v39, v41;
	v43 =	vld [tilespmem:s31+$0xFFFFFFB0];
	[tilespmem:s14+$0xFFFFFF60] =	vst v27  }
0x292: {  	v21 =	vmax.f32 v21, v34;
	v27 =	vmul.f32 v28, v41;
	(erf) = vpow2.f32 v30;
	v34 =	vld [tilespmem:s31+$0xFFFFFFF0];
	[tilespmem:s14+$0xFFFFFF70] =	vst v37  }
0x293: {  	v21 =	vsub.f32 v21, v7;
	v20 =	vmax.f32 v29, v20;
	v18 =	vmax.f32 v38, v18;
	[tilespmem:s24+$0xC0] =	vst v39;
	v29 =	vld [tilespmem:s13+$0x30];
	s13 =	smov.u32 s31;
	s31 =	smov.u32 s0  }
0x294: {  	v28 =	vshll.u32 v40, $0x10;
	v20 =	vsub.f32 v20, v7;
	v18 =	vsub.f32 v18, v7;
	[tilespmem:s24+$0xD0] =	vst v27  }
0x295: {  	s1 =	sshll.u32 s25, $0x3;
	s25 =	smov.u32 s16;
	v30 =	vshll.u32 v36, $0x10;
	v21 =	vmul.f32 $1.442695020e+00, v21;
	v27 =	vand.u32 $0xFFFF0000, v40;
	v38 =	vld [tilespmem:s0+$0x70];
	[tilespmem:s14+$0xFFFFFFE0] =	vst v35  }
0x296: {  	s2 =	sadd.s32 $0x8, s1;
	s3 =	sadd.s32 $0x10, s1;
	v39 =	vor.u32 s1, v3;
	s1 =	sadd.s32 $0x18, s1;
	v20 =	vmul.f32 $1.442695020e+00, v20;
	v18 =	vmul.f32 $1.442695020e+00, v18;
	[tilespmem:s14+$0xFFFFFFF0] =	vst v33  }
0x297: {  	v40 =	vor.u32 s2, v3;
	v33 =	vor.u32 s1, v3;
	(erf) = vpow2.f32 v21;
	[tilespmem:s4+$0x60] =	vst v32  }
0x298: {  	v41 =	vor.u32 s3, v3;
	(erf) = vpow2.f32 v18;
	v18 =	vand.u32 $0xFFFF0000, v36;
	[tilespmem:s4+$0x70] =	vst v26;
	s4 =	smov.u32 s14;
	s14 =	smov.u32 s30;
	s30 =	smov.u32 s24  }
0x299: {  	v26 =	vperm.xlane v22, v6;
	(erf) = vpow2.f32 v20;
	v20 =	vshll.u32 v42, $0x10;
	[tilespmem:s14+$0xE0] =	vst v31  }
0x29a: {  	v21 =	vmul.f32 v28, v24;
	v28 =	vand.u32 $0xFFFF0000, v42;
	v31 =	vand.u32 $0xFFFF0000, v38  }
0x29b: {  	v24 =	vmul.f32 v27, v24;
	v22 =	vpop (erf);
	v27 =	vmul.f32 v31, v26;
	v31 =	vshll.u32 v44, $0x10  }
0x29c: {  	s0 =	sadd.s32 $0x100, s0;
	v36 =	vmul.f32 v30, v25;
	v42 =	vmul.f32 v18, v25;
	v18 =	vand.u32 $0xFFFF0000, v44;
	[tilespmem:v33+s17+$0x0] =	vst.idx.msk $0xff, v22  }
0x29d: {  	v45 =	vmul.f32 v28, v23;
	v44 =	vmul.f32 v20, v23;
	v23 =	vshll.u32 v43, $0x10;
	v25 =	vld [tilespmem:s0+$0x40];
	[tilespmem:s24+$0xF0] =	vst v27  }
0x29e: {  	v37 =	vand.u32 $0xFFFF0000, v43;
	v28 =	vmul.f32 v18, v11;
	v30 =	vmul.f32 v31, v11;
	v11 =	vmovc v16;
	[tilespmem:s24+$0xFFFFFF20] =	vst v21  }
0x29f: {  	v35 =	vshll.u32 v34, $0x10;
	v32 =	vshll.u32 v29, $0x10;
	v33 =	vand.u32 $0xFFFF0000, v34;
	[tilespmem:s24+$0xFFFFFF30] =	vst v24  }
0x2a0: {  	v31 =	vshll.u32 v38, $0x10;
	v34 =	vand.u32 $0xFFFF0000, v29;
	v27 =	vmul.f32 v23, v12;
	v20 =	vpop (erf);
	v43 =	vld [tilespmem:s31+$0xFFFFFFA0];
	[tilespmem:s24+$0xFFFFFFA0] =	vst v36  }
0x2a1: {  	v16 =	vperm.xlane v22, v0;
	[tilespmem:v40+s17+$0x0] =	vst.idx.msk $0xff, v20;
	v36 =	vperm.xlane v20, v0;
	v21 =	vpop (erf)  }
0x2a2: {  	[tilespmem:v39+s17+$0x0] =	vst.idx.msk $0xff, v21;
	v38 =	vperm.xlane v21, v0;
	v24 =	vperm.xlane v21, v4;
	v39 =	vld [tilespmem:s0+$0xFFFFFFC0];
	v23 =	vshll.u32 v25, $0x10;
	v18 =	vpop (erf)  }
0x2a3: {  	v29 =	vand.u32 $0xFFFF0000, v25;
	v40 =	vld [tilespmem:s0+$0xFFFFFF80];
	[tilespmem:v41+s17+$0x0] =	vst.idx.msk $0xff, v18;
	v48 =	vperm.xlane v18, v0;
	v41 =	vmul.f32 v23, v16  }
0x2a4: {  	s24 =	sadd.s32 $0x200, s24;
	v25 =	vperm.xlane v20, v4;
	v47 =	vmul.f32 v29, v16;
	v46 =	vld [tilespmem:s0+$0x0];
	[tilespmem:s30+$0xFFFFFFB0] =	vst v42  }
0x2a5: {  	v23 =	vperm.xlane v18, v4;
	v42 =	vperm.xlane v21, v5;
	[tilespmem:s24+$0x80] =	vst v41;
	v41 =	vshll.u32 v43, $0x10;
	v49 =	vld [tilespmem:s31+$0xFFFFFFE0]  }
0x2a6: {  	v29 =	vperm.xlane v20, v5;
	v16 =	vperm.xlane v18, v5;
	v50 =	vand.u32 $0xFFFF0000, v43;
	[tilespmem:s24+$0x90] =	vst v47  }
0x2a7: {  	v41 =	vmul.f32 v41, v19;
	v43 =	vshll.u32 v39, $0x10;
	v47 =	vand.u32 $0xFFFF0000, v39;
	v51 =	vld [tilespmem:s0+$0x50];
	[tilespmem:s30+$0x20] =	vst v44  }
0x2a8: {  	s26 =	sadd.s32 $0x40, s26;
	v44 =	vshll.u32 v40, $0x10;
	v40 =	vand.u32 $0xFFFF0000, v40;
	v43 =	vmul.f32 v43, v36;
	[tilespmem:s30+$0x30] =	vst v45  }
.Ltmp4:
0x2a9: {  	s15 =	sadd.s32 $0x40, s15;
	v39 =	vld [tilespmem:s26+$0x10];
	v44 =	vmul.f32 v44, v38;
	v45 =	vshll.u32 v46, $0x10;
	v52 =	vand.u32 $0xFFFF0000, v46;
	[tilespmem:s30+$0xFFFFFF40] =	vst v41;
	(pc) =	sbr.rel @p0 .LBB2_9-.Ltmp4, $4  }
0x2aa: {  	v54 =	vmul.f32 v47, v36;
	v53 =	vmul.f32 v40, v38;
	v41 =	vld [tilespmem:s15+$0x10];
	[tilespmem:s24+$0xFFFFFF80] =	vst v43;
	v55 =	vshll.u32 v49, $0x10  }
0x2ab: {  	v47 =	vperm.xlane v22, v4;
	v45 =	vmul.f32 v45, v48;
	v46 =	vand.u32 $0xFFFF0000, v49;
	v38 =	vld [tilespmem:s15+$0xFFFFFFE0];
	[tilespmem:s24+$0xFFFFFF00] =	vst v44  }
0x2ac: {  	v36 =	vmul.f32 v50, v19;
	v19 =	vmovc v42;
	v43 =	vmul.f32 v52, v48;
	v40 =	vld [tilespmem:s26+$0xFFFFFFF0];
	[tilespmem:s24+$0xFFFFFF10] =	vst v53;
	v48 =	vshll.u32 v51, $0x10  }
0x2ad: {  	s16 =	sadd.s32 $0x4, s16;
	v42 =	vmul.f32 v55, v17;
	v49 =	vand.u32 $0xFFFF0000, v51;
	v44 =	vld [tilespmem:s15+$0xFFFFFFF0];
	[tilespmem:s24+$0xFFFFFF90] =	vst v54;
	v48 =	vmul.f32 v48, v47  }
0x2ae: {  	[tilespmem:s24+$0x0] =	vst v45  }
0x2af: {  	v50 =	vld [tilespmem:s26+$0x0];
	[tilespmem:s24+$0x10] =	vst v43  }
0x2b0: {  	v53 =	vld [tilespmem:s15+$0x0];
	[tilespmem:s30+$0xFFFFFF50] =	vst v36  }
0x2b1: {  	v47 =	vmul.f32 v49, v47;
	v54 =	vld [tilespmem:s26+$0xFFFFFFE0];
	[tilespmem:s14+$0x40] =	vst v30;
	v39 =	vadd.f32 v41, v39  }
0x2b2: {  	v17 =	vmul.f32 v46, v17;
	v12 =	vmul.f32 v37, v12;
	[tilespmem:s14+$0x50] =	vst v28;
	v45 =	vld [tilespmem:s0+$0xFFFFFF90]  }
0x2b3: {  	v59 =	vperm.xlane v22, v5;
	[tilespmem:s24+$0xA0] =	vst v48;
	v55 =	vmul.f32 $2.000000030e-01, v39  }
0x2b4: {  	v35 =	vmul.f32 v35, v15;
	v43 =	vmul.f32 v33, v15;
	[tilespmem:s24+$0xB0] =	vst v47  }
0x2b5: {  	v32 =	vmul.f32 v32, v9;
	[tilespmem:s14+$0xFFFFFF60] =	vst v27;
	v48 =	vld [tilespmem:s0+$0x60];
	v40 =	vadd.f32 v44, v40;
	v39 =	vmax.f32 v39, v55  }
0x2b6: {  	v26 =	vmul.f32 v31, v26;
	[tilespmem:s30+$0xFFFFFFC0] =	vst v42;
	v56 =	vadd.f32 v53, v50;
	v57 =	vsub.f32 v39, v7  }
0x2b7: {  	[tilespmem:s30+$0xFFFFFFD0] =	vst v17;
	v38 =	vadd.f32 v38, v54;
	v51 =	vshll.u32 v45, $0x10;
	v58 =	vmul.f32 $2.000000030e-01, v40  }
0x2b8: {  	[tilespmem:s14+$0xFFFFFF70] =	vst v12;
	v12 =	vmul.f32 v51, v24;
	v37 =	vmul.f32 $1.442695020e+00, v57  }
0x2b9: {  	[tilespmem:s14+$0xFFFFFFE0] =	vst v35;
	v52 =	vand.u32 $0xFFFF0000, v45;
	v60 =	vmul.f32 $2.000000030e-01, v56;
	v62 =	vmul.f32 $2.000000030e-01, v38  }
0x2ba: {  	[tilespmem:s14+$0xFFFFFFF0] =	vst v43;
	v61 =	vshll.u32 v48, $0x10;
	v63 =	vand.u32 $0xFFFF0000, v48;
	v48 =	vld [tilespmem:s0+$0xFFFFFFD0];
	(erf) = vpow2.f32 v37  }
0x2bb: {  	[tilespmem:s4+$0x60] =	vst v32;
	v15 =	vmul.f32 v52, v24;
	v40 =	vmax.f32 v40, v58;
	v42 =	vmul.f32 v61, v59  }
0x2bc: {  	s1 =	sshll.u32 s25, $0x3;
	[tilespmem:s24+$0xFFFFFF20] =	vst v12;
	v30 =	vmax.f32 v38, v62;
	v28 =	vsub.f32 v40, v7;
	v17 =	vmax.f32 v56, v60  }
0x2bd: {  	s2 =	sadd.s32 $0x18, s1;
	[tilespmem:s24+$0xFFFFFF30] =	vst v15;
	v41 =	vmul.f32 v63, v59;
	v59 =	vld [tilespmem:s0+$0x10];
	v30 =	vsub.f32 v30, v7;
	v44 =	vsub.f32 v17, v7  }
0x2be: {  	v49 =	vmul.f32 v34, v9;
	v47 =	vor.u32 s2, v3;
	[tilespmem:s24+$0xC0] =	vst v42;
	v28 =	vmul.f32 $1.442695020e+00, v28  }
0x2bf: {  	v61 =	vld [tilespmem:s0+$0xFFFFFFA0];
	[tilespmem:s24+$0xD0] =	vst v41;
	v46 =	vmul.f32 $1.442695020e+00, v30;
	v27 =	vmul.f32 $1.442695020e+00, v44;
	v54 =	vshll.u32 v48, $0x10  }
0x2c0: {  	[tilespmem:s4+$0x70] =	vst v49;
	v17 =	vld [tilespmem:s0+$0x70];
	(erf) = vpow2.f32 v28;
	v60 =	vand.u32 $0xFFFF0000, v48;
	v58 =	vmul.f32 v54, v25  }
0x2c1: {  	[tilespmem:s30+$0xE0] =	vst v26;
	(erf) = vpow2.f32 v46;
	v63 =	vmul.f32 v60, v25  }
0x2c2: {  	v40 =	vshll.u32 v59, $0x10;
	(erf) = vpow2.f32 v27;
	[tilespmem:s24+$0xFFFFFFA0] =	vst v58  }
0x2c3: {  	v41 =	vand.u32 $0xFFFF0000, v59;
	v42 =	vmul.f32 v40, v23;
	[tilespmem:s24+$0xFFFFFFB0] =	vst v63;
	v26 =	vpop (erf)  }
0x2c4: {  	v22 =	vperm.xlane v22, v6;
	s25 =	sadd.s32 $0x100, s0;
	s16 =	sadd.s32 $0x8, s1;
	v46 =	vshll.u32 v61, $0x10;
	v43 =	vmul.f32 v41, v23;
	[tilespmem:v47+s17+$0x0] =	vst.idx.msk $0xff, v26  }
0x2c5: {  	v53 =	vor.u32 s16, v3;
	v32 =	vmul.f32 v46, v19;
	v50 =	vand.u32 $0xFFFF0000, v17;
	[tilespmem:s24+$0x20] =	vst v42;
	v56 =	vld [tilespmem:s25+$0x40]  }
0x2c6: {  	v55 =	vor.u32 s1, v3;
	s1 =	sadd.s32 $0x10, s1;
	[tilespmem:s24+$0x30] =	vst v43;
	v17 =	vshll.u32 v17, $0x10;
	v9 =	vmul.f32 v50, v22  }
0x2c7: {  	v57 =	vor.u32 s1, v3;
	[tilespmem:s24+$0xFFFFFF40] =	vst v32;
	v17 =	vmul.f32 v17, v22  }
0x2c8: {  	v58 =	vld [tilespmem:s31+$0x20];
	[tilespmem:s24+$0xF0] =	vst v9  }
0x2c9: {  	v60 =	vld [tilespmem:s31+$0xFFFFFFB0];
	v62 =	vperm.xlane v26, v0;
	[tilespmem:s24+$0xE0] =	vst v17;
	v12 =	vpop (erf)  }
0x2ca: {  	v32 =	vld [tilespmem:s31+$0xFFFFFFF0];
	[tilespmem:v53+s17+$0x0] =	vst.idx.msk $0xff, v12;
	v15 =	vpop (erf);
	v37 =	vshll.u32 v56, $0x10  }
0x2cb: {  	[tilespmem:v55+s17+$0x0] =	vst.idx.msk $0xff, v15;
	v9 =	vpop (erf);
	v24 =	vand.u32 $0xFFFF0000, v56;
	v39 =	vmul.f32 v37, v62  }
0x2cc: {  	s26 =	sadd.s32 $0x200, s24;
	v28 =	vand.u32 $0xFFFF0000, v61;
	v36 =	vld [tilespmem:s25+$0xFFFFFFC0];
	[tilespmem:v57+s17+$0x0] =	vst.idx.msk $0xff, v9;
	v24 =	vmul.f32 v24, v62  }
0x2cd: {  	v63 =	vshll.u32 v58, $0x10;
	v62 =	vmul.f32 v28, v19;
	[tilespmem:s26+$0x80] =	vst v39  }
0x2ce: {  	v53 =	vld [tilespmem:s0+$0xFFFFFFE0];
	v28 =	vmul.f32 v63, v11;
	v37 =	vand.u32 $0xFFFF0000, v60;
	[tilespmem:s26+$0x90] =	vst v24  }
0x2cf: {  	v38 =	vld [tilespmem:s25+$0xFFFFFF80];
	v19 =	vand.u32 $0xFFFF0000, v32;
	v40 =	vmul.f32 v37, v14;
	[tilespmem:s24+$0xFFFFFF50] =	vst v62  }
0x2d0: {  	v34 =	vand.u32 $0xFFFF0000, v58;
	v44 =	vperm.xlane v12, v0;
	v46 =	vmul.f32 v19, v13;
	[tilespmem:s30+$0x40] =	vst v28  }
0x2d1: {  	v45 =	vld [tilespmem:s25+$0x0];
	v48 =	vshll.u32 v36, $0x10;
	v31 =	vand.u32 $0xFFFF0000, v36;
	v36 =	vmul.f32 v34, v11;
	[tilespmem:s30+$0xFFFFFF70] =	vst v40  }
0x2d2: {  	v33 =	vmul.f32 v48, v44;
	[tilespmem:s30+$0xFFFFFFF0] =	vst v46  }
0x2d3: {  	v47 =	vperm.xlane v15, v0;
	v24 =	vand.u32 $0xFFFF0000, v53;
	v49 =	vld [tilespmem:s25+$0x50];
	v25 =	vmul.f32 v31, v44;
	[tilespmem:s30+$0x50] =	vst v36  }
0x2d4: {  	v50 =	vshll.u32 v38, $0x10;
	v24 =	vmul.f32 v24, v29;
	[tilespmem:s26+$0xFFFFFF80] =	vst v33  }
0x2d5: {  	v52 =	vperm.xlane v9, v0;
	v63 =	vld [tilespmem:s0+$0x20];
	v51 =	vand.u32 $0xFFFF0000, v38;
	v27 =	vmul.f32 v50, v47;
	[tilespmem:s26+$0xFFFFFF90] =	vst v25  }
0x2d6: {  	v23 =	vmul.f32 v51, v47;
	v54 =	vshll.u32 v45, $0x10;
	[tilespmem:s24+$0xFFFFFFD0] =	vst v24  }
0x2d7: {  	v55 =	vperm.xlane v26, v4;
	v44 =	vld [tilespmem:s13+$0x30];
	v30 =	vand.u32 $0xFFFF0000, v45;
	v56 =	vmul.f32 v54, v52;
	[tilespmem:s26+$0xFFFFFF00] =	vst v27  }
0x2d8: {  	v30 =	vmul.f32 v30, v52;
	[tilespmem:s26+$0xFFFFFF10] =	vst v23;
	v57 =	vshll.u32 v49, $0x10  }
0x2d9: {  	v42 =	vld [tilespmem:s25+$0xFFFFFFD0];
	[tilespmem:s26+$0x0] =	vst v56;
	v59 =	vand.u32 $0xFFFF0000, v49;
	v23 =	vmul.f32 v57, v55  }
0x2da: {  	v34 =	vshll.u32 v63, $0x10;
	[tilespmem:s26+$0x10] =	vst v30;
	v25 =	vmul.f32 v59, v55  }
0x2db: {  	v61 =	vshll.u32 v53, $0x10;
	v22 =	vmul.f32 v34, v16;
	v38 =	vld [tilespmem:s25+$0xFFFFFF90];
	[tilespmem:s26+$0xA0] =	vst v23  }
0x2dc: {  	v54 =	vshll.u32 v44, $0x10;
	[tilespmem:s26+$0xB0] =	vst v25;
	v23 =	vmul.f32 v61, v29  }
0x2dd: {  	v35 =	vshll.u32 v60, $0x10;
	v48 =	vperm.xlane v12, v4;
	[tilespmem:s24+$0x40] =	vst v22;
	v56 =	vmul.f32 v54, v8;
	v25 =	vld [tilespmem:s25+$0x60]  }
0x2de: {  	v11 =	vand.u32 $0xFFFF0000, v42;
	[tilespmem:s24+$0xFFFFFFC0] =	vst v23;
	v23 =	vmul.f32 v35, v14  }
0x2df: {  	v43 =	vshll.u32 v32, $0x10;
	v45 =	vperm.xlane v15, v4;
	[tilespmem:s14+$0x60] =	vst v56;
	v11 =	vmul.f32 v11, v48  }
0x2e0: {  	v47 =	vshll.u32 v38, $0x10;
	[tilespmem:s30+$0xFFFFFF60] =	vst v23;
	v23 =	vmul.f32 v43, v13  }
0x2e1: {  	v39 =	vperm.xlane v26, v5;
	v36 =	vld [tilespmem:s31+$0x30];
	v50 =	vshll.u32 v42, $0x10;
	v19 =	vmul.f32 v47, v45;
	[tilespmem:s26+$0xFFFFFFB0] =	vst v11  }
0x2e2: {  	v41 =	vshll.u32 v25, $0x10;
	[tilespmem:s30+$0xFFFFFFE0] =	vst v23;
	v23 =	vmul.f32 v50, v48  }
0x2e3: {  	v53 =	vld [tilespmem:s25+$0x10];
	[tilespmem:s26+$0xFFFFFF20] =	vst v19;
	v25 =	vand.u32 $0xFFFF0000, v25;
	v24 =	vmul.f32 v41, v39  }
0x2e4: {  	v49 =	vand.u32 $0xFFFF0000, v38;
	v25 =	vmul.f32 v25, v39;
	[tilespmem:s26+$0xFFFFFFA0] =	vst v23  }
0x2e5: {  	v55 =	vand.u32 $0xFFFF0000, v44;
	v52 =	vmul.f32 v49, v45;
	[tilespmem:s26+$0xC0] =	vst v24  }
0x2e6: {  	v8 =	vmul.f32 v55, v8;
	v44 =	vshll.u32 v36, $0x10;
	[tilespmem:s26+$0xD0] =	vst v25;
	v61 =	vld [tilespmem:s25+$0xFFFFFFE0]  }
0x2e7: {  	v37 =	vand.u32 $0xFFFF0000, v63;
	v59 =	vperm.xlane v9, v4;
	v46 =	vmul.f32 v44, v10;
	[tilespmem:s26+$0xFFFFFF30] =	vst v52;
	v51 =	vld [tilespmem:s25+$0x70]  }
0x2e8: {  	[tilespmem:s14+$0x70] =	vst v8;
	v38 =	vmul.f32 v37, v16;
	v8 =	vshll.u32 v53, $0x10;
	v57 =	vld [tilespmem:s25+$0xFFFFFFA0]  }
0x2e9: {  	v58 =	vperm.xlane v26, v6;
	v26 =	vand.u32 $0xFFFF0000, v53;
	[tilespmem:s30+$0x60] =	vst v46;
	v8 =	vmul.f32 v8, v59  }
0x2ea: {  	v30 =	vld [tilespmem:s0+$0xFFFFFFB0];
	v17 =	vand.u32 $0xFFFF0000, v36;
	v29 =	vperm.xlane v12, v5;
	v11 =	vmul.f32 v26, v59;
	[tilespmem:s24+$0x50] =	vst v38  }
0x2eb: {  	v52 =	vmul.f32 v17, v10;
	[tilespmem:s26+$0x20] =	vst v8;
	v8 =	vshll.u32 v61, $0x10  }
0x2ec: {  	v62 =	vperm.xlane v15, v5;
	[tilespmem:s26+$0x30] =	vst v11;
	v60 =	vand.u32 $0xFFFF0000, v51;
	v8 =	vmul.f32 v8, v29  }
0x2ed: {  	v32 =	vld [tilespmem:s0+$0xFFFFFFF0];
	[tilespmem:s30+$0x70] =	vst v52;
	v19 =	vand.u32 $0xFFFF0000, v57;
	v14 =	vmul.f32 v60, v58  }
0x2ee: {  	v35 =	vperm.xlane v21, v6;
	v39 =	vld [tilespmem:s25+$0x20];
	v28 =	vshll.u32 v57, $0x10;
	v31 =	vmul.f32 v19, v62;
	[tilespmem:s26+$0xFFFFFFC0] =	vst v8  }
0x2ef: {  	v8 =	vshll.u32 v30, $0x10;
	[tilespmem:s26+$0xF0] =	vst v14;
	v14 =	vmul.f32 v28, v62  }
0x2f0: {  	v40 =	vand.u32 $0xFFFF0000, v30;
	[tilespmem:s26+$0xFFFFFF50] =	vst v31;
	v8 =	vmul.f32 v8, v35  }
0x2f1: {  	v20 =	vperm.xlane v20, v6;
	v11 =	vmul.f32 v40, v35;
	v33 =	vand.u32 $0xFFFF0000, v61;
	[tilespmem:s26+$0xFFFFFF40] =	vst v14  }
0x2f2: {  	v53 =	vld [tilespmem:s0+$0x30];
	v41 =	vshll.u32 v32, $0x10;
	v14 =	vmul.f32 v33, v29;
	[tilespmem:s24+$0xFFFFFF60] =	vst v8;
	v8 =	vperm.xlane v9, v5  }
0x2f3: {  	[tilespmem:s24+$0xFFFFFF70] =	vst v11;
	v43 =	vmul.f32 v41, v20;
	v47 =	vshll.u32 v39, $0x10;
	v45 =	vld [tilespmem:s25+$0xFFFFFFB0]  }
0x2f4: {  	[tilespmem:s26+$0xFFFFFFD0] =	vst v14;
	v14 =	vand.u32 $0xFFFF0000, v39;
	v49 =	vmul.f32 v47, v8  }
0x2f5: {  	v42 =	vand.u32 $0xFFFF0000, v32;
	[tilespmem:s24+$0xFFFFFFE0] =	vst v43;
	v48 =	vld [tilespmem:s25+$0xFFFFFFF0];
	v8 =	vmul.f32 v14, v8  }
0x2f6: {  	v59 =	vperm.xlane v18, v6;
	v16 =	vmul.f32 v42, v20;
	v51 =	vshll.u32 v51, $0x10;
	[tilespmem:s26+$0x40] =	vst v49  }
0x2f7: {  	v50 =	vperm.xlane v15, v6;
	v61 =	vshll.u32 v53, $0x10;
	v13 =	vmul.f32 v51, v58;
	[tilespmem:s26+$0x50] =	vst v8  }
0x2f8: {  	[tilespmem:s24+$0xFFFFFFF0] =	vst v16;
	v8 =	vperm.xlane v12, v6;
	v12 =	vmul.f32 v61, v59;
	v54 =	vshll.u32 v45, $0x10;
	v57 =	vld [tilespmem:s25+$0x30]  }
0x2f9: {  	[tilespmem:s26+$0xE0] =	vst v13;
	v55 =	vand.u32 $0xFFFF0000, v45;
	v56 =	vmul.f32 v54, v50  }
0x2fa: {  	v10 =	vmul.f32 v55, v50;
	[tilespmem:s24+$0x60] =	vst v12;
	v58 =	vshll.u32 v48, $0x10;
	v60 =	vand.u32 $0xFFFF0000, v48  }
0x2fb: {  	v13 =	vmul.f32 v58, v8;
	[tilespmem:s26+$0xFFFFFF60] =	vst v56;
	v8 =	vmul.f32 v60, v8  }
0x2fc: {  	v62 =	vand.u32 $0xFFFF0000, v53;
	v9 =	vperm.xlane v9, v6;
	[tilespmem:s26+$0xFFFFFF70] =	vst v10  }
0x2fd: {  	v10 =	vmul.f32 v62, v59;
	[tilespmem:s26+$0xFFFFFFF0] =	vst v8;
	v8 =	vshll.u32 v57, $0x10  }
0x2fe: {  	[tilespmem:s26+$0xFFFFFFE0] =	vst v13;
	v63 =	vand.u32 $0xFFFF0000, v57;
	v8 =	vmul.f32 v8, v9  }
0x2ff: {  	[tilespmem:s24+$0x70] =	vst v10;
	v9 =	vmul.f32 v63, v9  }
0x300: {  	[tilespmem:s26+$0x60] =	vst v8  }
0x301: {  	[tilespmem:s26+$0x70] =	vst v9  }
0x302: {  	[spmem:s22] =	stream.indirect.scatter.add.f32 [tilespmem:s17], [sflag:$0x5], $0x8, s5, s20, $0xb8;
	[tilespmem:$0x1BC20] =	vst v63  }
0x303: {  	_ =	swait.ge [sflag:s19], $0x280  }
0x304: {  	s12 =	sadd.s32 $0x1, s12;
	[sflag:s19] =	ssyncset.done $0x0  }
0x305: {  	p0 =	sne.s32 s12, $0x3E;
	[sflag:s19] =	ssyncadd.s32 $0xFFFFFD80  }
.Ltmp5:
0x306: {  	s31 =	rddreg [dreg:$0x2];
	(pc) =	sbr.rel @p0 .LBB2_6-.Ltmp5, $4  }
0x307: {  	[spmem:s31] =	stream.indirect.scatter.add.f32 [tilespmem:s18], [sflag:$0x5], $0x80, s5, s20, $0xb8;
	[tilespmem:$0x1BC20] =	vst v63  }
0x308: {  	_ =	swait.ge [sflag:s19], $0x2800  }
0x309: {  	[sflag:s19] =	ssyncset.done $0x0  }
0x30a: {  	[sflag:s19] =	ssyncadd.s32 $0xFFFFD800  }
0x30b: {  	_ =	swait.ge [sflag:s28], $0x500  }
0x30c: {  	[sflag:s28] =	ssyncset.done $0x0  }
0x30d: {  	[sflag:s28] =	ssyncadd.s32 $0xFFFFFB00  }
0x30e: {  	_ =	swait.ge [sflag:s28], $0x500  }
0x30f: {  	[sflag:s28] =	ssyncset.done $0x0  }
0x310: {  	[sflag:s28] =	ssyncadd.s32 $0xFFFFFB00  }
0x311: {  	_ =	swait.ge [sflag:s28], $0x1400  }
0x312: {  	[sflag:s28] =	ssyncset.done $0x0  }
0x313: {  	[sflag:s28] =	ssyncadd.s32 $0xFFFFEC00  }
0x314: {  	_ =	swait.ge [sflag:s29], $0x50  }
0x315: {  	[sflag:s29] =	ssyncset.done $0x0  }
0x316: {  	[sflag:s29] =	ssyncadd.s32 $0xFFFFFFB0  }
0x317: {  	_ =	swait.ge [sflag:s29], $0x50  }
0x318: {  	[sflag:s29] =	ssyncset.done $0x0  }
0x319: {  	s0 =	simm.s32 $0x1B0;
	[sflag:s29] =	ssyncadd.s32 $0xFFFFFFB0  }
0x31a: {  	s1 =	simm.s32 $0x6B0;
	v8 =	vld [tilespmem:s0+$0x10]  }
0x31b: {  	v9 =	vld [tilespmem:s1+$0x10];
	_ =	sdelay $0x3  }
0x31c: {  	v10 =	vld [tilespmem:s0+$0xFFFFFFF0]  }
0x31d: {  	v11 =	vld [tilespmem:s1+$0xFFFFFFE0];
	v8 =	vadd.f32 v9, v8  }
0x31e: {  	v9 =	vld [tilespmem:s1+$0xFFFFFFF0]  }
0x31f: {  	v13 =	vld [tilespmem:s0+$0xFFFFFFE0];
	v12 =	vmul.f32 $2.000000030e-01, v8;
	_ =	sdelay $0x1  }
0x320: {  	v8 =	vmax.f32 v8, v12  }
0x321: {  	v8 =	vsub.f32 v8, v7  }
0x322: {  	v9 =	vadd.f32 v9, v10  }
0x323: {  	v11 =	vadd.f32 v11, v13;
	v8 =	vmul.f32 $1.442695020e+00, v8  }
0x324: {  	v10 =	vmul.f32 $2.000000030e-01, v9  }
0x325: {  	v12 =	vld [tilespmem:s1+$0x0];
	(erf) = vpow2.f32 v8;
	v8 =	vmul.f32 $2.000000030e-01, v11  }
0x326: {  	v9 =	vmax.f32 v9, v10;
	v10 =	vld [tilespmem:s0+$0x0]  }
0x327: {  	v9 =	vsub.f32 v9, v7;
	v8 =	vmax.f32 v11, v8  }
0x328: {  	v8 =	vsub.f32 v8, v7  }
0x329: {  	s12 =	simm.s32 $0x18;
	v9 =	vmul.f32 $1.442695020e+00, v9  }
0x32a: {  	v11 =	vor.u32 s12, v3;
	v8 =	vmul.f32 $1.442695020e+00, v8  }
0x32b: {  	(erf) = vpow2.f32 v9;
	v9 =	vadd.f32 v12, v10;
	_ =	sdelay $0x1  }
0x32c: {  	(erf) = vpow2.f32 v8;
	v10 =	vmul.f32 $2.000000030e-01, v9  }
0x32d: {  	s15 =	simm.s32 $0x1F0;
	v8 =	vpop (erf)  }
0x32e: {  	s13 =	simm.s32 $0x8;
	v17 =	vld [tilespmem:s15+$0xFFFFFFF0];
	s0 =	simm.s32 $0xC10;
	v9 =	vmax.f32 v9, v10;
	[tilespmem:v11+s17+$0x0] =	vst.idx.msk $0xff, v8  }
0x32f: {  	s2 =	simm.s32 $0x6F0;
	v11 =	vor.u32 s13, v3;
	v9 =	vsub.f32 v9, v7;
	v12 =	vld [tilespmem:s0+$0x40]  }
0x330: {  	s14 =	simm.s32 $0x0;
	v19 =	vld [tilespmem:s2+$0xFFFFFFF0]  }
0x331: {  	s30 =	simm.s32 $0x230;
	v20 =	vld [tilespmem:s15+$0x0];
	v10 =	vor.u32 s14, v3;
	v9 =	vmul.f32 $1.442695020e+00, v9  }
0x332: {  	s31 =	simm.s32 $0x730;
	v37 =	vld [tilespmem:s30+$0x10]  }
0x333: {  	v39 =	vld [tilespmem:s31+$0x10];
	v14 =	vperm.xlane v8, v0;
	v13 =	vpop (erf)  }
0x334: {  	v44 =	vld [tilespmem:s30+$0xFFFFFFF0];
	[tilespmem:v11+s17+$0x0] =	vst.idx.msk $0xff, v13;
	v11 =	vshll.u32 v12, $0x10  }
0x335: {  	v47 =	vld [tilespmem:s31+$0xFFFFFFF0];
	(erf) = vpow2.f32 v9;
	v9 =	vpop (erf);
	v12 =	vand.u32 $0xFFFF0000, v12;
	v11 =	vmul.f32 v11, v14  }
0x336: {  	s4 =	simm.s32 $0x3E90;
	[tilespmem:v10+s17+$0x0] =	vst.idx.msk $0xff, v9;
	v10 =	vmul.f32 v12, v14;
	v12 =	vld [tilespmem:s15+$0x10]  }
0x337: {  	[tilespmem:s4+$0x80] =	vst v11;
	v11 =	vld [tilespmem:s2+$0x10]  }
0x338: {  	v30 =	vld [tilespmem:s2+$0x0];
	[tilespmem:s4+$0x90] =	vst v10  }
0x339: {  	v10 =	vld [tilespmem:s0+$0x50]  }
0x33a: {  	s3 =	simm.s32 $0x10;
	v37 =	vadd.f32 v39, v37  }
0x33b: {  	v22 =	vor.u32 s3, v3;
	v16 =	vld [tilespmem:s2+$0xFFFFFFE0];
	v61 =	vadd.f32 v47, v44  }
0x33c: {  	v17 =	vadd.f32 v19, v17;
	v60 =	vmul.f32 $2.000000030e-01, v37;
	v14 =	vld [tilespmem:s0+$0xFFFFFF80];
	v11 =	vadd.f32 v11, v12  }
0x33d: {  	v25 =	vld [tilespmem:s15+$0xFFFFFFE0];
	v20 =	vadd.f32 v30, v20;
	v62 =	vmul.f32 $2.000000030e-01, v61;
	v24 =	vperm.xlane v8, v4  }
0x33e: {  	v18 =	vperm.xlane v13, v0;
	v15 =	vld [tilespmem:s0+$0xFFFFFFC0];
	v29 =	vshll.u32 v10, $0x10;
	v26 =	vmul.f32 $2.000000030e-01, v11  }
0x33f: {  	v28 =	vperm.xlane v13, v4;
	v10 =	vand.u32 $0xFFFF0000, v10;
	v29 =	vmul.f32 v29, v24  }
0x340: {  	v12 =	vperm.xlane v9, v0;
	v10 =	vmul.f32 v10, v24;
	v11 =	vmax.f32 v11, v26  }
0x341: {  	v21 =	vperm.xlane v9, v4;
	v23 =	vpop (erf);
	v24 =	vshll.u32 v14, $0x10;
	[tilespmem:s4+$0xA0] =	vst v29;
	v11 =	vsub.f32 v11, v7  }
0x342: {  	v27 =	vperm.xlane v23, v0;
	[tilespmem:s4+$0xB0] =	vst v10;
	v10 =	vadd.f32 v16, v25;
	v16 =	vmul.f32 v24, v12  }
0x343: {  	v26 =	vshll.u32 v15, $0x10;
	v25 =	vmul.f32 $2.000000030e-01, v17;
	v24 =	vld [tilespmem:s0+$0x60];
	v11 =	vmul.f32 $1.442695020e+00, v11  }
0x344: {  	v15 =	vand.u32 $0xFFFF0000, v15;
	v19 =	vmul.f32 v26, v18;
	v26 =	vmul.f32 $2.000000030e-01, v10  }
0x345: {  	v14 =	vand.u32 $0xFFFF0000, v14;
	v15 =	vmul.f32 v15, v18;
	(erf) = vpow2.f32 v11  }
0x346: {  	[tilespmem:v22+s17+$0x0] =	vst.idx.msk $0xff, v23;
	v10 =	vmax.f32 v10, v26;
	v11 =	vmul.f32 v14, v12;
	v12 =	vmul.f32 $2.000000030e-01, v20  }
0x347: {  	v18 =	vperm.xlane v8, v5;
	[tilespmem:s4+$0xFFFFFF00] =	vst v16;
	v14 =	vmax.f32 v17, v25;
	v17 =	vld [tilespmem:s0+$0x0];
	v10 =	vsub.f32 v10, v7  }
0x348: {  	[tilespmem:s4+$0xFFFFFF90] =	vst v15;
	v14 =	vsub.f32 v14, v7;
	v16 =	vshll.u32 v24, $0x10;
	v12 =	vmax.f32 v20, v12  }
0x349: {  	s16 =	simm.s32 $0x38;
	v15 =	vperm.xlane v9, v5;
	[tilespmem:s4+$0xFFFFFF10] =	vst v11;
	v11 =	vmul.f32 v16, v18;
	v12 =	vsub.f32 v12, v7  }
0x34a: {  	v10 =	vmul.f32 $1.442695020e+00, v10;
	v16 =	vor.u32 s16, v3;
	v14 =	vmul.f32 $1.442695020e+00, v14  }
0x34b: {  	[tilespmem:s4+$0xFFFFFF80] =	vst v19;
	v20 =	vand.u32 $0xFFFF0000, v24;
	v24 =	vperm.xlane v13, v5;
	v19 =	vld [tilespmem:s0+$0xFFFFFF90];
	v12 =	vmul.f32 $1.442695020e+00, v12  }
0x34c: {  	[tilespmem:s4+$0xC0] =	vst v11;
	(erf) = vpow2.f32 v14;
	v14 =	vmul.f32 v20, v18;
	v11 =	vand.u32 $0xFFFF0000, v17  }
0x34d: {  	(erf) = vpow2.f32 v10;
	v10 =	vshll.u32 v17, $0x10;
	v11 =	vmul.f32 v11, v27  }
0x34e: {  	s3 =	simm.s32 $0x58;
	v18 =	vperm.xlane v13, v6;
	v10 =	vmul.f32 v10, v27;
	[tilespmem:s4+$0xD0] =	vst v14  }
0x34f: {  	v51 =	vor.u32 s3, v3;
	v22 =	vld [tilespmem:s0+$0xFFFFFFD0];
	(erf) = vpow2.f32 v12;
	v12 =	vperm.xlane v23, v4;
	[tilespmem:s4+$0x10] =	vst v11  }
0x350: {  	s24 =	simm.s32 $0x28;
	v14 =	vperm.xlane v23, v5;
	v20 =	vld [tilespmem:s0+$0x70];
	v11 =	vand.u32 $0xFFFF0000, v19;
	v17 =	vpop (erf);
	[tilespmem:s4+$0x0] =	vst v10;
	v10 =	vshll.u32 v19, $0x10  }
0x351: {  	s11 =	simm.s32 $0xD10;
	s26 =	simm.s32 $0x30;
	v19 =	vperm.xlane v9, v6;
	v11 =	vmul.f32 v11, v21;
	[tilespmem:v16+s17+$0x0] =	vst.idx.msk $0xff, v17;
	v16 =	vor.u32 s24, v3;
	v27 =	vld [tilespmem:s0+$0x10]  }
0x352: {  	s25 =	simm.s32 $0x20;
	v29 =	vor.u32 s26, v3;
	v9 =	vperm.xlane v23, v6;
	v10 =	vmul.f32 v10, v21;
	v25 =	vld [tilespmem:s11+$0x40]  }
0x353: {  	v26 =	vor.u32 s25, v3;
	v21 =	vperm.xlane v8, v6;
	v13 =	vperm.xlane v17, v0  }
0x354: {  	v42 =	vld [tilespmem:s31+$0xFFFFFFE0];
	v46 =	vperm.xlane v17, v4;
	v63 =	vperm.xlane v17, v5;
	[tilespmem:s4+$0xFFFFFF20] =	vst v10;
	v10 =	vshll.u32 v22, $0x10  }
0x355: {  	v59 =	vld [tilespmem:s30+$0xFFFFFFE0];
	[tilespmem:s4+$0xFFFFFF30] =	vst v11;
	v22 =	vand.u32 $0xFFFF0000, v22;
	v11 =	vand.u32 $0xFFFF0000, v20;
	v10 =	vmul.f32 v10, v28;
	v8 =	vpop (erf)  }
0x356: {  	v22 =	vmul.f32 v22, v28;
	v11 =	vmul.f32 v11, v21;
	[tilespmem:v16+s17+$0x0] =	vst.idx.msk $0xff, v8;
	v31 =	vshll.u32 v27, $0x10  }
0x357: {  	v30 =	vld [tilespmem:s0+$0xFFFFFFA0];
	v23 =	vpop (erf);
	[tilespmem:s4+$0xFFFFFFA0] =	vst v10;
	v36 =	vperm.xlane v8, v4;
	v10 =	vperm.xlane v8, v5;
	v16 =	vshll.u32 v25, $0x10  }
0x358: {  	[tilespmem:s4+$0xFFFFFFB0] =	vst v22;
	v25 =	vand.u32 $0xFFFF0000, v25;
	v33 =	vperm.xlane v23, v4;
	v16 =	vmul.f32 v16, v13  }
0x359: {  	s12 =	simm.s32 $0x4090;
	[tilespmem:v26+s17+$0x0] =	vst.idx.msk $0xff, v23;
	v26 =	vpop (erf);
	v32 =	vld [tilespmem:s11+$0xFFFFFFC0];
	v13 =	vmul.f32 v25, v13;
	v25 =	vand.u32 $0xFFFF0000, v27;
	v27 =	vmul.f32 v31, v12  }
0x35a: {  	v39 =	vadd.f32 v42, v59;
	v40 =	vld [tilespmem:s0+$0xFFFFFFE0];
	v31 =	vperm.xlane v23, v0;
	v35 =	vperm.xlane v26, v0;
	[tilespmem:s12+$0x80] =	vst v16  }
0x35b: {  	v20 =	vshll.u32 v20, $0x10;
	v28 =	vld [tilespmem:s11+$0xFFFFFF80];
	v38 =	vperm.xlane v26, v4;
	v25 =	vmul.f32 v25, v12;
	[tilespmem:s12+$0x90] =	vst v13  }
0x35c: {  	v12 =	vperm.xlane v8, v0;
	v22 =	vshll.u32 v30, $0x10;
	v13 =	vperm.xlane v23, v5;
	v34 =	vld [tilespmem:s11+$0x50]  }
0x35d: {  	[tilespmem:v29+s17+$0x0] =	vst.idx.msk $0xff, v26;
	v30 =	vand.u32 $0xFFFF0000, v30;
	v16 =	vperm.xlane v26, v5;
	v22 =	vmul.f32 v22, v15  }
0x35e: {  	v29 =	vld [tilespmem:s11+$0x0];
	v30 =	vmul.f32 v30, v15;
	[tilespmem:s4+$0x20] =	vst v27;
	v27 =	vmul.f32 v20, v21;
	v41 =	vshll.u32 v32, $0x10  }
0x35f: {  	v32 =	vand.u32 $0xFFFF0000, v32;
	v49 =	vshll.u32 v40, $0x10;
	v40 =	vand.u32 $0xFFFF0000, v40  }
0x360: {  	v43 =	vshll.u32 v28, $0x10;
	v28 =	vand.u32 $0xFFFF0000, v28;
	v41 =	vmul.f32 v41, v12  }
0x361: {  	v48 =	vld [tilespmem:s30+$0x0];
	[tilespmem:s4+$0x30] =	vst v25;
	v32 =	vmul.f32 v32, v12;
	v28 =	vmul.f32 v28, v31;
	v12 =	vand.u32 $0xFFFF0000, v34  }
0x362: {  	v58 =	vld [tilespmem:s31+$0x0];
	[tilespmem:s4+$0xFFFFFF40] =	vst v22;
	v43 =	vmul.f32 v43, v31;
	v31 =	vshll.u32 v34, $0x10;
	v12 =	vmul.f32 v12, v46  }
0x363: {  	v22 =	vperm.xlane v17, v6;
	v45 =	vshll.u32 v29, $0x10;
	[tilespmem:s12+$0xFFFFFF10] =	vst v28;
	v31 =	vmul.f32 v31, v46  }
0x364: {  	v21 =	vld [tilespmem:s0+$0x20];
	v29 =	vand.u32 $0xFFFF0000, v29;
	v28 =	vmul.f32 $2.000000030e-01, v39;
	[tilespmem:s12+$0xB0] =	vst v12;
	v12 =	vmax.f32 v37, v60  }
0x365: {  	v45 =	vmul.f32 v45, v35;
	v34 =	vmax.f32 v61, v62;
	[tilespmem:s12+$0xA0] =	vst v31;
	v37 =	vsub.f32 v12, v7  }
0x366: {  	v29 =	vmul.f32 v29, v35;
	[tilespmem:s12+$0xFFFFFF80] =	vst v41;
	v34 =	vsub.f32 v34, v7;
	v28 =	vmax.f32 v39, v28;
	v15 =	vld [tilespmem:s11+$0x60]  }
0x367: {  	[tilespmem:s12+$0xFFFFFF90] =	vst v32;
	v12 =	vperm.xlane v23, v6;
	v23 =	vadd.f32 v58, v48;
	v37 =	vmul.f32 $1.442695020e+00, v37  }
0x368: {  	[tilespmem:s12+$0xFFFFFF00] =	vst v43;
	v31 =	vmul.f32 v49, v24;
	v24 =	vmul.f32 v40, v24;
	v28 =	vsub.f32 v28, v7;
	v48 =	vld [tilespmem:s11+$0xFFFFFFD0]  }
0x369: {  	[tilespmem:s12+$0x10] =	vst v29;
	v29 =	vld [tilespmem:s11+$0xFFFFFF90];
	v54 =	vshll.u32 v21, $0x10;
	v44 =	vmul.f32 $2.000000030e-01, v23;
	(erf) = vpow2.f32 v37  }
0x36a: {  	v21 =	vand.u32 $0xFFFF0000, v21;
	v49 =	vmul.f32 $1.442695020e+00, v34;
	v28 =	vmul.f32 $1.442695020e+00, v28  }
0x36b: {  	[tilespmem:s12+$0x0] =	vst v45;
	v23 =	vmax.f32 v23, v44;
	v46 =	vshll.u32 v15, $0x10;
	v15 =	vand.u32 $0xFFFF0000, v15  }
0x36c: {  	[tilespmem:s4+$0xFFFFFF50] =	vst v30;
	v50 =	vld [tilespmem:s11+$0x10];
	v23 =	vsub.f32 v23, v7;
	(erf) = vpow2.f32 v49;
	v32 =	vmul.f32 v46, v63  }
0x36d: {  	[tilespmem:s4+$0xFFFFFFD0] =	vst v24;
	v37 =	vand.u32 $0xFFFF0000, v48;
	v47 =	vmul.f32 v15, v63;
	(erf) = vpow2.f32 v28  }
0x36e: {  	s14 =	simm.s32 $0x48;
	s16 =	simm.s32 $0x270;
	v52 =	vld [tilespmem:s0+$0xFFFFFFB0];
	v40 =	vmul.f32 v21, v14;
	v25 =	vshll.u32 v29, $0x10;
	v55 =	vmul.f32 v37, v36;
	[tilespmem:s12+$0xC0] =	vst v32  }
0x36f: {  	s24 =	simm.s32 $0x770;
	v25 =	vmul.f32 v25, v33;
	v49 =	vld [tilespmem:s16+$0x10];
	v28 =	vand.u32 $0xFFFF0000, v29;
	v23 =	vmul.f32 $1.442695020e+00, v23;
	[tilespmem:s12+$0xD0] =	vst v47  }
0x370: {  	v30 =	vor.u32 s14, v3;
	v15 =	vperm.xlane v8, v6;
	v28 =	vmul.f32 v28, v33;
	[tilespmem:s12+$0xFFFFFFB0] =	vst v55;
	v55 =	vld [tilespmem:s24+$0x10]  }
0x371: {  	s13 =	simm.s32 $0x40;
	v17 =	vshll.u32 v50, $0x10;
	[tilespmem:s12+$0xFFFFFF20] =	vst v25;
	v8 =	vperm.xlane v26, v6;
	v26 =	vld [tilespmem:s11+$0x70];
	(erf) = vpow2.f32 v23  }
0x372: {  	v56 =	vmul.f32 v17, v38;
	v29 =	vor.u32 s13, v3;
	v23 =	vshll.u32 v48, $0x10;
	[tilespmem:s12+$0xFFFFFF30] =	vst v28;
	v20 =	vpop (erf)  }
0x373: {  	s14 =	simm.s32 $0xE10;
	v24 =	vand.u32 $0xFFFF0000, v50;
	v28 =	vmul.f32 v54, v14;
	v23 =	vmul.f32 v23, v36;
	v14 =	vld [tilespmem:s11+$0xFFFFFFA0];
	[tilespmem:v51+s17+$0x0] =	vst.idx.msk $0xff, v20  }
0x374: {  	s15 =	simm.s32 $0x50;
	[tilespmem:s4+$0xFFFFFFC0] =	vst v31;
	v38 =	vmul.f32 v24, v38;
	v17 =	vshll.u32 v52, $0x10;
	v32 =	vand.u32 $0xFFFF0000, v52;
	v35 =	vld [tilespmem:s14+$0x40]  }
0x375: {  	v53 =	vor.u32 s15, v3;
	v25 =	vmul.f32 v17, v19;
	v19 =	vmul.f32 v32, v19;
	[tilespmem:s12+$0xFFFFFFA0] =	vst v23;
	v33 =	vpop (erf)  }
0x376: {  	v48 =	vadd.f32 v55, v49;
	v31 =	vand.u32 $0xFFFF0000, v26;
	v23 =	vperm.xlane v20, v0;
	[tilespmem:v30+s17+$0x0] =	vst.idx.msk $0xff, v33;
	v30 =	vpop (erf)  }
0x377: {  	v51 =	vperm.xlane v20, v4;
	v26 =	vshll.u32 v26, $0x10;
	v31 =	vmul.f32 v31, v22;
	[tilespmem:v29+s17+$0x0] =	vst.idx.msk $0xff, v30;
	v29 =	vld [tilespmem:s14+$0xFFFFFFC0]  }
0x378: {  	[tilespmem:s4+$0xF0] =	vst v11;
	v57 =	vperm.xlane v33, v0;
	v61 =	vshll.u32 v14, $0x10;
	v22 =	vmul.f32 v26, v22;
	v59 =	vld [tilespmem:s14+$0xFFFFFF80]  }
0x379: {  	[tilespmem:s4+$0xE0] =	vst v27;
	v58 =	vperm.xlane v30, v0;
	v24 =	vperm.xlane v30, v4;
	v17 =	vshll.u32 v35, $0x10  }
0x37a: {  	[tilespmem:s4+$0x50] =	vst v40;
	v39 =	vld [tilespmem:s0+$0xFFFFFFF0];
	v36 =	vperm.xlane v30, v5;
	v42 =	vpop (erf);
	v21 =	vand.u32 $0xFFFF0000, v35;
	v17 =	vmul.f32 v17, v23  }
0x37b: {  	s13 =	simm.s32 $0x4290;
	v63 =	vld [tilespmem:s11+$0xFFFFFFE0];
	v14 =	vand.u32 $0xFFFF0000, v14;
	[tilespmem:v53+s17+$0x0] =	vst.idx.msk $0xff, v42;
	v44 =	vperm.xlane v42, v0;
	v23 =	vmul.f32 v21, v23  }
0x37c: {  	v11 =	vperm.xlane v42, v5;
	v60 =	vld [tilespmem:s14+$0x0];
	v21 =	vperm.xlane v33, v4;
	v52 =	vshll.u32 v29, $0x10;
	[tilespmem:s13+$0x80] =	vst v17  }
0x37d: {  	v27 =	vand.u32 $0xFFFF0000, v29;
	v29 =	vmul.f32 v61, v13;
	v53 =	vshll.u32 v59, $0x10;
	[tilespmem:s13+$0x90] =	vst v23  }
0x37e: {  	[tilespmem:s12+$0xF0] =	vst v31;
	v31 =	vand.u32 $0xFFFF0000, v59;
	v54 =	vmul.f32 v52, v57;
	v27 =	vmul.f32 v27, v57;
	v62 =	vld [tilespmem:s14+$0x50]  }
0x37f: {  	v50 =	vld [tilespmem:s24+$0xFFFFFFE0];
	[tilespmem:s12+$0x20] =	vst v56;
	v52 =	vshll.u32 v39, $0x10;
	v39 =	vand.u32 $0xFFFF0000, v39;
	v23 =	vperm.xlane v42, v4  }
0x380: {  	v57 =	vld [tilespmem:s16+$0xFFFFFFF0];
	v17 =	vperm.xlane v33, v5;
	v31 =	vmul.f32 v31, v58;
	[tilespmem:s12+$0xFFFFFF40] =	vst v29;
	v29 =	vshll.u32 v63, $0x10  }
0x381: {  	[tilespmem:s12+$0x30] =	vst v38;
	v59 =	vld [tilespmem:s24+$0xFFFFFFF0];
	v34 =	vmul.f32 v53, v58;
	v29 =	vmul.f32 v29, v10;
	v56 =	vshll.u32 v60, $0x10  }
0x382: {  	v61 =	vld [tilespmem:s16+$0x0];
	v45 =	vand.u32 $0xFFFF0000, v60;
	[tilespmem:s13+$0xFFFFFF10] =	vst v31;
	v31 =	vmul.f32 v52, v18;
	v18 =	vmul.f32 v39, v18  }
0x383: {  	[tilespmem:s4+$0xFFFFFF60] =	vst v25;
	v53 =	vld [tilespmem:s16+$0xFFFFFFE0];
	v58 =	vshll.u32 v62, $0x10;
	v46 =	vand.u32 $0xFFFF0000, v62;
	v62 =	vmul.f32 v14, v13  }
0x384: {  	s26 =	simm.s32 $0x60;
	[tilespmem:s4+$0xFFFFFF70] =	vst v19;
	v60 =	vand.u32 $0xFFFF0000, v63;
	v63 =	vld [tilespmem:s24+$0x0];
	v14 =	vperm.xlane v30, v6;
	v30 =	vmul.f32 $2.000000030e-01, v48  }
0x385: {  	v19 =	vor.u32 s26, v3;
	[tilespmem:s13+$0xFFFFFF90] =	vst v27;
	v37 =	vmul.f32 v56, v44;
	v44 =	vmul.f32 v45, v44  }
0x386: {  	[tilespmem:s13+$0xFFFFFF00] =	vst v34;
	v27 =	vadd.f32 v59, v57;
	v38 =	vmul.f32 v58, v51;
	v30 =	vmax.f32 v48, v30  }
0x387: {  	[tilespmem:s13+$0xFFFFFF80] =	vst v54;
	v43 =	vmul.f32 v60, v10;
	v56 =	vld [tilespmem:s14+$0xFFFFFF90];
	v46 =	vmul.f32 v46, v51;
	v30 =	vsub.f32 v30, v7  }
0x388: {  	s25 =	simm.s32 $0x78;
	v10 =	vperm.xlane v42, v6;
	v57 =	vadd.f32 v50, v53;
	v35 =	vmul.f32 $2.000000030e-01, v27;
	[tilespmem:s13+$0xA0] =	vst v38  }
0x389: {  	v50 =	vor.u32 s25, v3;
	v55 =	vadd.f32 v63, v61;
	[tilespmem:s13+$0xB0] =	vst v46;
	v30 =	vmul.f32 $1.442695020e+00, v30  }
0x38a: {  	[tilespmem:s12+$0xFFFFFFC0] =	vst v29;
	v13 =	vperm.xlane v33, v6;
	v29 =	vmul.f32 $2.000000030e-01, v57;
	v27 =	vmax.f32 v27, v35;
	v54 =	vld [tilespmem:s14+$0x60]  }
0x38b: {  	[tilespmem:s4+$0x40] =	vst v28;
	v59 =	vmul.f32 $2.000000030e-01, v55;
	v27 =	vsub.f32 v27, v7;
	(erf) = vpow2.f32 v30  }
0x38c: {  	[tilespmem:s12+$0xE0] =	vst v22;
	v58 =	vperm.xlane v20, v5;
	v61 =	vld [tilespmem:s14+$0xFFFFFFD0];
	v28 =	vshll.u32 v56, $0x10;
	v29 =	vmax.f32 v57, v29  }
0x38d: {  	s30 =	simm.s32 $0x68;
	[tilespmem:s4+$0xFFFFFFF0] =	vst v18;
	v29 =	vsub.f32 v29, v7;
	v26 =	vmax.f32 v55, v59;
	v27 =	vmul.f32 $1.442695020e+00, v27  }
0x38e: {  	v49 =	vld [tilespmem:s11+$0x20];
	[tilespmem:s13+$0x0] =	vst v37;
	v51 =	vor.u32 s30, v3;
	v28 =	vmul.f32 v28, v24;
	v26 =	vsub.f32 v26, v7  }
0x38f: {  	[tilespmem:s13+$0x10] =	vst v44;
	v29 =	vmul.f32 $1.442695020e+00, v29;
	(erf) = vpow2.f32 v27;
	v60 =	vshll.u32 v54, $0x10  }
0x390: {  	[tilespmem:s12+$0xFFFFFF50] =	vst v62;
	v62 =	vld [tilespmem:s14+$0x10];
	v25 =	vmul.f32 $1.442695020e+00, v26;
	v34 =	vand.u32 $0xFFFF0000, v54;
	v42 =	vmul.f32 v60, v58  }
0x391: {  	[tilespmem:s12+$0xFFFFFFD0] =	vst v43;
	v48 =	vshll.u32 v61, $0x10;
	v27 =	vld [tilespmem:s11+$0xFFFFFFB0];
	(erf) = vpow2.f32 v29;
	v30 =	vmul.f32 v34, v58  }
0x392: {  	v18 =	vand.u32 $0xFFFF0000, v61;
	v26 =	vperm.xlane v20, v6;
	v20 =	vld [tilespmem:s11+$0xFFFFFFF0];
	(erf) = vpow2.f32 v25;
	[tilespmem:s13+$0xC0] =	vst v42  }
0x393: {  	s31 =	simm.s32 $0x70;
	v52 =	vmul.f32 v48, v21;
	v53 =	vmul.f32 v18, v21;
	v18 =	vand.u32 $0xFFFF0000, v49;
	[tilespmem:s13+$0xD0] =	vst v30  }
0x394: {  	[tilespmem:s13+$0xFFFFFF20] =	vst v28;
	v28 =	vmul.f32 v18, v16;
	v29 =	vor.u32 s31, v3;
	v30 =	vand.u32 $0xFFFF0000, v56;
	v63 =	vld [tilespmem:s14+$0x70];
	v22 =	vpop (erf)  }
0x395: {  	v40 =	vld [tilespmem:s0+$0x30];
	s0 =	simm.s32 $0xF10;
	v25 =	vshll.u32 v62, $0x10;
	v34 =	vand.u32 $0xFFFF0000, v62;
	v24 =	vmul.f32 v30, v24;
	[tilespmem:v50+s17+$0x0] =	vst.idx.msk $0xff, v22  }
0x396: {  	[tilespmem:s4+$0xFFFFFFE0] =	vst v31;
	v55 =	vmul.f32 v25, v23;
	v45 =	vmul.f32 v34, v23;
	v30 =	vshll.u32 v49, $0x10;
	v54 =	vld [tilespmem:s0+$0x40]  }
0x397: {  	v21 =	vshll.u32 v27, $0x10;
	v37 =	vand.u32 $0xFFFF0000, v27;
	v35 =	vshll.u32 v20, $0x10;
	[tilespmem:s13+$0xFFFFFF30] =	vst v24  }
0x398: {  	[tilespmem:s13+$0xFFFFFFA0] =	vst v52;
	v33 =	vand.u32 $0xFFFF0000, v20;
	v30 =	vmul.f32 v30, v16;
	v27 =	vmul.f32 v21, v12;
	v59 =	vld [tilespmem:s14+$0xFFFFFFA0];
	v20 =	vpop (erf)  }
0x399: {  	[tilespmem:s13+$0xFFFFFFB0] =	vst v53;
	v16 =	vperm.xlane v22, v0;
	v31 =	vand.u32 $0xFFFF0000, v63;
	v38 =	vperm.xlane v20, v0  }
0x39a: {  	v32 =	vshll.u32 v40, $0x10;
	[tilespmem:v51+s17+$0x0] =	vst.idx.msk $0xff, v20;
	v21 =	vpop (erf);
	v25 =	vperm.xlane v20, v4;
	v31 =	vmul.f32 v31, v26  }
0x39b: {  	[tilespmem:v19+s17+$0x0] =	vst.idx.msk $0xff, v21;
	v47 =	vperm.xlane v21, v0;
	v24 =	vperm.xlane v21, v4;
	v39 =	vld [tilespmem:s0+$0xFFFFFFC0];
	v18 =	vpop (erf);
	v19 =	vshll.u32 v54, $0x10  }
0x39c: {  	v60 =	vld [tilespmem:s0+$0xFFFFFF80];
	[tilespmem:v29+s17+$0x0] =	vst.idx.msk $0xff, v18;
	v48 =	vperm.xlane v18, v0;
	v23 =	vand.u32 $0xFFFF0000, v54;
	v29 =	vmul.f32 v19, v16  }
0x39d: {  	s24 =	simm.s32 $0x4490;
	[tilespmem:s13+$0xF0] =	vst v31;
	v62 =	vshll.u32 v59, $0x10;
	v50 =	vand.u32 $0xFFFF0000, v59;
	v43 =	vmul.f32 v23, v16  }
0x39e: {  	v34 =	vand.u32 $0xFFFF0000, v40;
	v61 =	vld [tilespmem:s0+$0x0];
	v42 =	vmul.f32 v62, v36;
	v36 =	vmul.f32 v50, v36;
	[tilespmem:s24+$0x80] =	vst v29  }
0x39f: {  	v31 =	vshll.u32 v63, $0x10;
	v63 =	vld [tilespmem:s14+$0xFFFFFFE0];
	v19 =	vperm.xlane v21, v5;
	v23 =	vperm.xlane v18, v4;
	[tilespmem:s24+$0x90] =	vst v43  }
0x3a0: {  	[tilespmem:s13+$0x20] =	vst v55;
	v16 =	vperm.xlane v18, v5;
	v56 =	vshll.u32 v39, $0x10;
	v57 =	vand.u32 $0xFFFF0000, v39;
	v58 =	vld [tilespmem:s0+$0x50]  }
0x3a1: {  	s15 =	simm.s32 $0x7B0;
	[tilespmem:s13+$0x30] =	vst v45;
	v59 =	vshll.u32 v60, $0x10;
	v62 =	vmul.f32 v57, v38;
	v29 =	vperm.xlane v20, v5  }
0x3a2: {  	v41 =	vld [tilespmem:s15+$0x10];
	s26 =	simm.s32 $0x2B0;
	[tilespmem:s13+$0xFFFFFF40] =	vst v42;
	v52 =	vand.u32 $0xFFFF0000, v60;
	v43 =	vmul.f32 v56, v38;
	v44 =	vmul.f32 v59, v47  }
0x3a3: {  	v39 =	vld [tilespmem:s26+$0x10];
	v60 =	vshll.u32 v61, $0x10;
	v53 =	vand.u32 $0xFFFF0000, v61;
	v61 =	vmul.f32 v52, v47;
	[tilespmem:s24+$0xFFFFFF90] =	vst v62  }
0x3a4: {  	v40 =	vld [tilespmem:s26+$0xFFFFFFF0];
	v54 =	vshll.u32 v63, $0x10;
	v47 =	vperm.xlane v22, v4;
	v46 =	vand.u32 $0xFFFF0000, v63;
	[tilespmem:s24+$0xFFFFFF80] =	vst v43  }
0x3a5: {  	v38 =	vld [tilespmem:s15+$0xFFFFFFE0];
	v45 =	vmul.f32 v60, v48;
	v42 =	vmul.f32 v54, v17;
	[tilespmem:s24+$0xFFFFFF00] =	vst v44;
	v63 =	vshll.u32 v58, $0x10  }
0x3a6: {  	s16 =	simm.s32 $0x14;
	s25 =	simm.s32 $0x10;
	[tilespmem:s24+$0xFFFFFF10] =	vst v61;
	v43 =	vmul.f32 v53, v48;
	v44 =	vld [tilespmem:s15+$0xFFFFFFF0];
	v49 =	vand.u32 $0xFFFF0000, v58;
	v48 =	vmul.f32 v63, v47  }
.LBB2_12:
0x3a7: {  	p0 =	slt.u32 s16, $0x4C;
	v50 =	vld [tilespmem:s26+$0x0];
	[tilespmem:s24+$0x0] =	vst v45;
	v45 =	vmul.f32 v49, v47;
	v46 =	vmul.f32 v46, v17;
	v17 =	vmov v29  }
0x3a8: {  	v21 =	vperm.xlane v21, v6;
	v20 =	vperm.xlane v20, v6;
	v29 =	vld [tilespmem:s15+$0x0];
	v39 =	vadd.f32 v41, v39;
	[tilespmem:s24+$0xA0] =	vst v48  }
0x3a9: {  	v18 =	vperm.xlane v18, v6;
	v37 =	vmul.f32 v37, v12;
	v12 =	vmov v14;
	v41 =	vld [tilespmem:s26+$0xFFFFFFE0];
	[tilespmem:s24+$0xB0] =	vst v45  }
0x3aa: {  	v35 =	vmul.f32 v35, v15;
	v14 =	vmov v21;
	v45 =	vmul.f32 $2.000000030e-01, v39;
	[tilespmem:s24+$0x10] =	vst v43;
	v43 =	vld [tilespmem:s0+$0x60]  }
0x3ab: {  	v33 =	vmul.f32 v33, v15;
	v32 =	vmul.f32 v32, v9;
	v21 =	vadd.f32 v44, v40;
	v40 =	vld [tilespmem:s0+$0xFFFFFF90];
	[tilespmem:s13+$0xFFFFFF50] =	vst v36  }
0x3ac: {  	v31 =	vmul.f32 v31, v26;
	v26 =	vmul.f32 v34, v9;
	v44 =	vmax.f32 v39, v45;
	v36 =	vld [tilespmem:s0+$0xFFFFFFD0];
	[tilespmem:s13+$0xFFFFFFC0] =	vst v42  }
0x3ad: {  	v15 =	vmovc v13;
	v34 =	vmul.f32 $2.000000030e-01, v21;
	v29 =	vadd.f32 v29, v50;
	v39 =	vsub.f32 v44, v7;
	v42 =	vld [tilespmem:s0+$0x10];
	[tilespmem:s13+$0xFFFFFFD0] =	vst v46  }
0x3ae: {  	v9 =	vmovc v8;
	v13 =	vmov v20;
	v38 =	vadd.f32 v38, v41;
	v41 =	vperm.xlane v22, v5;
	v44 =	vld [tilespmem:s14+$0x20];
	[tilespmem:s12+$0x40] =	vst v30  }
0x3af: {  	v8 =	vmovc v10;
	v10 =	vmovc v18;
	v20 =	vmul.f32 $2.000000030e-01, v29;
	v30 =	vmul.f32 $1.442695020e+00, v39;
	v39 =	vshll.u32 v43, $0x10;
	[tilespmem:s12+$0x50] =	vst v28  }
0x3b0: {  	v28 =	vand.u32 $0xFFFF0000, v43;
	v18 =	vmul.f32 $2.000000030e-01, v38;
	v39 =	vmul.f32 v39, v41;
	v43 =	vld [tilespmem:s14+$0xFFFFFFB0];
	[tilespmem:s12+$0xFFFFFF60] =	vst v27  }
0x3b1: {  	v21 =	vmax.f32 v21, v34;
	v27 =	vmul.f32 v28, v41;
	(erf) = vpow2.f32 v30;
	v34 =	vld [tilespmem:s14+$0xFFFFFFF0];
	[tilespmem:s12+$0xFFFFFF70] =	vst v37  }
0x3b2: {  	v21 =	vsub.f32 v21, v7;
	v20 =	vmax.f32 v29, v20;
	v18 =	vmax.f32 v38, v18;
	[tilespmem:s24+$0xC0] =	vst v39;
	v29 =	vld [tilespmem:s11+$0x30];
	s11 =	smov.u32 s14;
	s14 =	smov.u32 s0  }
0x3b3: {  	v28 =	vshll.u32 v40, $0x10;
	v20 =	vsub.f32 v20, v7;
	v18 =	vsub.f32 v18, v7;
	[tilespmem:s24+$0xD0] =	vst v27  }
0x3b4: {  	s1 =	sshll.u32 s25, $0x3;
	s25 =	smov.u32 s16;
	v30 =	vshll.u32 v36, $0x10;
	v21 =	vmul.f32 $1.442695020e+00, v21;
	v27 =	vand.u32 $0xFFFF0000, v40;
	v38 =	vld [tilespmem:s0+$0x70];
	[tilespmem:s12+$0xFFFFFFE0] =	vst v35  }
0x3b5: {  	s2 =	sadd.s32 $0x8, s1;
	s3 =	sadd.s32 $0x10, s1;
	v39 =	vor.u32 s1, v3;
	s1 =	sadd.s32 $0x18, s1;
	v20 =	vmul.f32 $1.442695020e+00, v20;
	v18 =	vmul.f32 $1.442695020e+00, v18;
	[tilespmem:s12+$0xFFFFFFF0] =	vst v33  }
0x3b6: {  	v40 =	vor.u32 s2, v3;
	v33 =	vor.u32 s1, v3;
	(erf) = vpow2.f32 v21;
	[tilespmem:s4+$0x60] =	vst v32  }
0x3b7: {  	v41 =	vor.u32 s3, v3;
	(erf) = vpow2.f32 v18;
	v18 =	vand.u32 $0xFFFF0000, v36;
	[tilespmem:s4+$0x70] =	vst v26;
	s4 =	smov.u32 s12;
	s12 =	smov.u32 s13;
	s13 =	smov.u32 s24  }
0x3b8: {  	v26 =	vperm.xlane v22, v6;
	(erf) = vpow2.f32 v20;
	v20 =	vshll.u32 v42, $0x10;
	[tilespmem:s12+$0xE0] =	vst v31  }
0x3b9: {  	v21 =	vmul.f32 v28, v24;
	v28 =	vand.u32 $0xFFFF0000, v42;
	v31 =	vand.u32 $0xFFFF0000, v38  }
0x3ba: {  	v24 =	vmul.f32 v27, v24;
	v22 =	vpop (erf);
	v27 =	vmul.f32 v31, v26;
	v31 =	vshll.u32 v44, $0x10  }
0x3bb: {  	s0 =	sadd.s32 $0x100, s0;
	v36 =	vmul.f32 v30, v25;
	v42 =	vmul.f32 v18, v25;
	v18 =	vand.u32 $0xFFFF0000, v44;
	[tilespmem:v33+s17+$0x0] =	vst.idx.msk $0xff, v22  }
0x3bc: {  	v45 =	vmul.f32 v28, v23;
	v44 =	vmul.f32 v20, v23;
	v23 =	vshll.u32 v43, $0x10;
	v25 =	vld [tilespmem:s0+$0x40];
	[tilespmem:s24+$0xF0] =	vst v27  }
0x3bd: {  	v37 =	vand.u32 $0xFFFF0000, v43;
	v28 =	vmul.f32 v18, v11;
	v30 =	vmul.f32 v31, v11;
	v11 =	vmovc v16;
	[tilespmem:s24+$0xFFFFFF20] =	vst v21  }
0x3be: {  	v35 =	vshll.u32 v34, $0x10;
	v32 =	vshll.u32 v29, $0x10;
	v33 =	vand.u32 $0xFFFF0000, v34;
	[tilespmem:s24+$0xFFFFFF30] =	vst v24  }
0x3bf: {  	v31 =	vshll.u32 v38, $0x10;
	v34 =	vand.u32 $0xFFFF0000, v29;
	v27 =	vmul.f32 v23, v12;
	v20 =	vpop (erf);
	v43 =	vld [tilespmem:s14+$0xFFFFFFA0];
	[tilespmem:s24+$0xFFFFFFA0] =	vst v36  }
0x3c0: {  	v16 =	vperm.xlane v22, v0;
	[tilespmem:v40+s17+$0x0] =	vst.idx.msk $0xff, v20;
	v36 =	vperm.xlane v20, v0;
	v21 =	vpop (erf)  }
0x3c1: {  	[tilespmem:v39+s17+$0x0] =	vst.idx.msk $0xff, v21;
	v38 =	vperm.xlane v21, v0;
	v24 =	vperm.xlane v21, v4;
	v39 =	vld [tilespmem:s0+$0xFFFFFFC0];
	v23 =	vshll.u32 v25, $0x10;
	v18 =	vpop (erf)  }
0x3c2: {  	v29 =	vand.u32 $0xFFFF0000, v25;
	v40 =	vld [tilespmem:s0+$0xFFFFFF80];
	[tilespmem:v41+s17+$0x0] =	vst.idx.msk $0xff, v18;
	v48 =	vperm.xlane v18, v0;
	v41 =	vmul.f32 v23, v16  }
0x3c3: {  	s24 =	sadd.s32 $0x200, s24;
	v25 =	vperm.xlane v20, v4;
	v47 =	vmul.f32 v29, v16;
	v46 =	vld [tilespmem:s0+$0x0];
	[tilespmem:s13+$0xFFFFFFB0] =	vst v42  }
0x3c4: {  	v23 =	vperm.xlane v18, v4;
	v42 =	vperm.xlane v21, v5;
	[tilespmem:s24+$0x80] =	vst v41;
	v41 =	vshll.u32 v43, $0x10;
	v49 =	vld [tilespmem:s14+$0xFFFFFFE0]  }
0x3c5: {  	v29 =	vperm.xlane v20, v5;
	v16 =	vperm.xlane v18, v5;
	v50 =	vand.u32 $0xFFFF0000, v43;
	[tilespmem:s24+$0x90] =	vst v47  }
0x3c6: {  	v41 =	vmul.f32 v41, v19;
	v43 =	vshll.u32 v39, $0x10;
	v47 =	vand.u32 $0xFFFF0000, v39;
	v51 =	vld [tilespmem:s0+$0x50];
	[tilespmem:s13+$0x20] =	vst v44  }
0x3c7: {  	s26 =	sadd.s32 $0x40, s26;
	v44 =	vshll.u32 v40, $0x10;
	v40 =	vand.u32 $0xFFFF0000, v40;
	v43 =	vmul.f32 v43, v36;
	[tilespmem:s13+$0x30] =	vst v45  }
.Ltmp6:
0x3c8: {  	s15 =	sadd.s32 $0x40, s15;
	v39 =	vld [tilespmem:s26+$0x10];
	v44 =	vmul.f32 v44, v38;
	v45 =	vshll.u32 v46, $0x10;
	v52 =	vand.u32 $0xFFFF0000, v46;
	[tilespmem:s13+$0xFFFFFF40] =	vst v41;
	(pc) =	sbr.rel @p0 .LBB2_12-.Ltmp6, $4  }
0x3c9: {  	v54 =	vmul.f32 v47, v36;
	v53 =	vmul.f32 v40, v38;
	v41 =	vld [tilespmem:s15+$0x10];
	[tilespmem:s24+$0xFFFFFF80] =	vst v43;
	v55 =	vshll.u32 v49, $0x10  }
0x3ca: {  	v47 =	vperm.xlane v22, v4;
	v45 =	vmul.f32 v45, v48;
	v46 =	vand.u32 $0xFFFF0000, v49;
	v38 =	vld [tilespmem:s15+$0xFFFFFFE0];
	[tilespmem:s24+$0xFFFFFF00] =	vst v44  }
0x3cb: {  	v36 =	vmul.f32 v50, v19;
	v19 =	vmovc v42;
	v43 =	vmul.f32 v52, v48;
	v40 =	vld [tilespmem:s26+$0xFFFFFFF0];
	[tilespmem:s24+$0xFFFFFF10] =	vst v53;
	v48 =	vshll.u32 v51, $0x10  }
0x3cc: {  	s16 =	sadd.s32 $0x4, s16;
	v42 =	vmul.f32 v55, v17;
	v49 =	vand.u32 $0xFFFF0000, v51;
	v44 =	vld [tilespmem:s15+$0xFFFFFFF0];
	[tilespmem:s24+$0xFFFFFF90] =	vst v54;
	v48 =	vmul.f32 v48, v47  }
0x3cd: {  	v50 =	vld [tilespmem:s26+$0x0];
	[tilespmem:s24+$0x0] =	vst v45  }
0x3ce: {  	v53 =	vld [tilespmem:s15+$0x0];
	[tilespmem:s24+$0x10] =	vst v43  }
0x3cf: {  	v47 =	vmul.f32 v49, v47;
	v54 =	vld [tilespmem:s26+$0xFFFFFFE0];
	[tilespmem:s13+$0xFFFFFF50] =	vst v36;
	v39 =	vadd.f32 v41, v39  }
0x3d0: {  	v17 =	vmul.f32 v46, v17;
	[tilespmem:s24+$0xA0] =	vst v48  }
0x3d1: {  	v12 =	vmul.f32 v37, v12;
	[tilespmem:s24+$0xB0] =	vst v47;
	v55 =	vmul.f32 $2.000000030e-01, v39  }
0x3d2: {  	v59 =	vperm.xlane v22, v5;
	[tilespmem:s12+$0x40] =	vst v30;
	v35 =	vmul.f32 v35, v15;
	v48 =	vld [tilespmem:s0+$0x60]  }
0x3d3: {  	[tilespmem:s12+$0x50] =	vst v28;
	v40 =	vadd.f32 v44, v40;
	v39 =	vmax.f32 v39, v55;
	v56 =	vadd.f32 v53, v50  }
0x3d4: {  	v33 =	vmul.f32 v33, v15;
	[tilespmem:s12+$0xFFFFFF60] =	vst v27;
	v38 =	vadd.f32 v38, v54;
	v57 =	vsub.f32 v39, v7  }
0x3d5: {  	[tilespmem:s13+$0xFFFFFFC0] =	vst v42;
	v58 =	vmul.f32 $2.000000030e-01, v40;
	v60 =	vmul.f32 $2.000000030e-01, v56  }
0x3d6: {  	[tilespmem:s13+$0xFFFFFFD0] =	vst v17;
	v62 =	vmul.f32 $2.000000030e-01, v38;
	v37 =	vmul.f32 $1.442695020e+00, v57  }
0x3d7: {  	[tilespmem:s12+$0xFFFFFF70] =	vst v12;
	v61 =	vshll.u32 v48, $0x10;
	v63 =	vand.u32 $0xFFFF0000, v48;
	v40 =	vmax.f32 v40, v58;
	v48 =	vld [tilespmem:s0+$0xFFFFFF90]  }
0x3d8: {  	[tilespmem:s12+$0xFFFFFFE0] =	vst v35;
	v42 =	vmul.f32 v61, v59;
	v43 =	vmul.f32 v63, v59;
	v30 =	vmax.f32 v38, v62  }
0x3d9: {  	s1 =	sshll.u32 s25, $0x3;
	[tilespmem:s12+$0xFFFFFFF0] =	vst v33;
	v28 =	vsub.f32 v40, v7;
	v44 =	vmax.f32 v56, v60;
	v60 =	vld [tilespmem:s0+$0x10];
	(erf) = vpow2.f32 v37  }
0x3da: {  	v46 =	vmul.f32 v32, v9;
	v26 =	vmul.f32 v31, v26;
	s2 =	sadd.s32 $0x18, s1;
	v45 =	vsub.f32 v30, v7;
	[tilespmem:s24+$0xC0] =	vst v42  }
0x3db: {  	v52 =	vmul.f32 v34, v9;
	v50 =	vor.u32 s2, v3;
	[tilespmem:s24+$0xD0] =	vst v43;
	v47 =	vmul.f32 $1.442695020e+00, v28  }
0x3dc: {  	[tilespmem:s4+$0x60] =	vst v46;
	v7 =	vsub.f32 v44, v7;
	v15 =	vld [tilespmem:s0+$0x70];
	v49 =	vmul.f32 $1.442695020e+00, v45;
	v53 =	vshll.u32 v48, $0x10  }
0x3dd: {  	[tilespmem:s4+$0x70] =	vst v52;
	(erf) = vpow2.f32 v47;
	v54 =	vand.u32 $0xFFFF0000, v48;
	v9 =	vmul.f32 v53, v24  }
0x3de: {  	v51 =	vld [tilespmem:s0+$0xFFFFFFD0];
	[tilespmem:s13+$0xE0] =	vst v26;
	(erf) = vpow2.f32 v49;
	v12 =	vmul.f32 v54, v24;
	v40 =	vshll.u32 v60, $0x10  }
0x3df: {  	v7 =	vmul.f32 $1.442695020e+00, v7;
	v41 =	vand.u32 $0xFFFF0000, v60;
	v42 =	vmul.f32 v40, v23;
	[tilespmem:s24+$0xFFFFFF20] =	vst v9  }
0x3e0: {  	v17 =	vperm.xlane v22, v6;
	v43 =	vmul.f32 v41, v23;
	[tilespmem:s24+$0xFFFFFF30] =	vst v12  }
0x3e1: {  	s31 =	sadd.s32 $0x8, s1;
	(erf) = vpow2.f32 v7;
	v7 =	vand.u32 $0xFFFF0000, v15;
	[tilespmem:s24+$0x20] =	vst v42  }
0x3e2: {  	v55 =	vor.u32 s31, v3;
	v61 =	vld [tilespmem:s0+$0xFFFFFFA0];
	[tilespmem:s24+$0x30] =	vst v43;
	v15 =	vshll.u32 v15, $0x10;
	v7 =	vmul.f32 v7, v17;
	v22 =	vpop (erf)  }
0x3e3: {  	s2 =	sadd.s32 $0x100, s0;
	v57 =	vor.u32 s1, v3;
	v56 =	vshll.u32 v51, $0x10;
	v15 =	vmul.f32 v15, v17;
	[tilespmem:v50+s17+$0x0] =	vst.idx.msk $0xff, v22  }
0x3e4: {  	[tilespmem:s24+$0xF0] =	vst v7;
	v7 =	vmul.f32 v56, v25;
	v58 =	vld [tilespmem:s2+$0x40]  }
0x3e5: {  	s1 =	sadd.s32 $0x10, s1;
	[tilespmem:s24+$0xE0] =	vst v15  }
0x3e6: {  	v59 =	vor.u32 s1, v3;
	v9 =	vpop (erf);
	[tilespmem:s24+$0xFFFFFFA0] =	vst v7;
	v7 =	vand.u32 $0xFFFF0000, v51  }
0x3e7: {  	v60 =	vld [tilespmem:s14+$0xFFFFFFB0];
	v46 =	vshll.u32 v61, $0x10;
	[tilespmem:v55+s17+$0x0] =	vst.idx.msk $0xff, v9;
	v12 =	vpop (erf);
	v63 =	vmul.f32 v7, v25  }
0x3e8: {  	v33 =	vld [tilespmem:s14+$0xFFFFFFF0];
	v62 =	vperm.xlane v22, v0;
	v31 =	vmul.f32 v46, v19;
	[tilespmem:v57+s17+$0x0] =	vst.idx.msk $0xff, v12  }
0x3e9: {  	v36 =	vld [tilespmem:s2+$0xFFFFFFC0];
	[tilespmem:s24+$0xFFFFFFB0] =	vst v63;
	v37 =	vshll.u32 v58, $0x10  }
0x3ea: {  	v7 =	vpop (erf);
	[tilespmem:s24+$0xFFFFFF40] =	vst v31;
	v24 =	vand.u32 $0xFFFF0000, v58;
	v39 =	vmul.f32 v37, v62  }
0x3eb: {  	s3 =	sadd.s32 $0x200, s24;
	v27 =	vand.u32 $0xFFFF0000, v61;
	v38 =	vld [tilespmem:s2+$0xFFFFFF80];
	[tilespmem:v59+s17+$0x0] =	vst.idx.msk $0xff, v7;
	v24 =	vmul.f32 v24, v62  }
0x3ec: {  	v62 =	vmul.f32 v27, v19;
	v37 =	vand.u32 $0xFFFF0000, v60;
	[tilespmem:s3+$0x80] =	vst v39  }
0x3ed: {  	v44 =	vperm.xlane v9, v0;
	v53 =	vld [tilespmem:s0+$0xFFFFFFE0];
	v19 =	vand.u32 $0xFFFF0000, v33;
	v40 =	vmul.f32 v37, v14;
	[tilespmem:s3+$0x90] =	vst v24  }
0x3ee: {  	v58 =	vld [tilespmem:s14+$0x20];
	v46 =	vmul.f32 v19, v13;
	v48 =	vshll.u32 v36, $0x10;
	[tilespmem:s24+$0xFFFFFF50] =	vst v62  }
0x3ef: {  	v47 =	vperm.xlane v12, v0;
	v30 =	vand.u32 $0xFFFF0000, v36;
	v32 =	vmul.f32 v48, v44;
	[tilespmem:s13+$0xFFFFFF70] =	vst v40  }
0x3f0: {  	v45 =	vld [tilespmem:s2+$0x0];
	v50 =	vshll.u32 v38, $0x10;
	v25 =	vmul.f32 v30, v44;
	[tilespmem:s13+$0xFFFFFFF0] =	vst v46  }
0x3f1: {  	v51 =	vand.u32 $0xFFFF0000, v38;
	v26 =	vmul.f32 v50, v47;
	[tilespmem:s3+$0xFFFFFF80] =	vst v32  }
0x3f2: {  	v49 =	vld [tilespmem:s2+$0x50];
	v23 =	vmul.f32 v51, v47;
	v24 =	vand.u32 $0xFFFF0000, v53;
	[tilespmem:s3+$0xFFFFFF90] =	vst v25  }
0x3f3: {  	v63 =	vshll.u32 v58, $0x10;
	v24 =	vmul.f32 v24, v29;
	[tilespmem:s3+$0xFFFFFF00] =	vst v26  }
0x3f4: {  	v52 =	vperm.xlane v7, v0;
	v44 =	vld [tilespmem:s11+$0x30];
	v34 =	vand.u32 $0xFFFF0000, v58;
	v27 =	vmul.f32 v63, v11;
	[tilespmem:s3+$0xFFFFFF10] =	vst v23  }
0x3f5: {  	v54 =	vshll.u32 v45, $0x10;
	v36 =	vmul.f32 v34, v11;
	[tilespmem:s24+$0xFFFFFFD0] =	vst v24  }
0x3f6: {  	v55 =	vperm.xlane v22, v4;
	v28 =	vand.u32 $0xFFFF0000, v45;
	v56 =	vmul.f32 v54, v52;
	[tilespmem:s13+$0x40] =	vst v27  }
0x3f7: {  	v28 =	vmul.f32 v28, v52;
	[tilespmem:s13+$0x50] =	vst v36;
	v57 =	vshll.u32 v49, $0x10  }
0x3f8: {  	v42 =	vld [tilespmem:s2+$0xFFFFFFD0];
	v59 =	vand.u32 $0xFFFF0000, v49;
	[tilespmem:s3+$0x0] =	vst v56;
	v23 =	vmul.f32 v57, v55  }
0x3f9: {  	[tilespmem:s3+$0x10] =	vst v28;
	v54 =	vshll.u32 v44, $0x10;
	v25 =	vmul.f32 v59, v55  }
0x3fa: {  	v61 =	vshll.u32 v53, $0x10;
	v38 =	vld [tilespmem:s2+$0xFFFFFF90];
	v56 =	vmul.f32 v54, v8;
	[tilespmem:s3+$0xA0] =	vst v23  }
0x3fb: {  	v55 =	vand.u32 $0xFFFF0000, v44;
	[tilespmem:s3+$0xB0] =	vst v25;
	v23 =	vmul.f32 v61, v29  }
0x3fc: {  	v35 =	vshll.u32 v60, $0x10;
	v48 =	vperm.xlane v9, v4;
	v8 =	vmul.f32 v55, v8;
	[tilespmem:s12+$0x60] =	vst v56;
	v25 =	vld [tilespmem:s2+$0x60]  }
0x3fd: {  	v11 =	vand.u32 $0xFFFF0000, v42;
	[tilespmem:s24+$0xFFFFFFC0] =	vst v23;
	v23 =	vmul.f32 v35, v14  }
0x3fe: {  	v43 =	vshll.u32 v33, $0x10;
	v45 =	vperm.xlane v12, v4;
	v11 =	vmul.f32 v11, v48;
	[tilespmem:s12+$0x70] =	vst v8  }
0x3ff: {  	v63 =	vld [tilespmem:s0+$0x20];
	v47 =	vshll.u32 v38, $0x10;
	[tilespmem:s13+$0xFFFFFF60] =	vst v23;
	v23 =	vmul.f32 v43, v13  }
0x400: {  	v39 =	vperm.xlane v22, v5;
	v37 =	vld [tilespmem:s14+$0x30];
	v50 =	vshll.u32 v42, $0x10;
	v19 =	vmul.f32 v47, v45;
	[tilespmem:s3+$0xFFFFFFB0] =	vst v11  }
0x401: {  	v53 =	vld [tilespmem:s2+$0x10];
	v41 =	vshll.u32 v25, $0x10;
	[tilespmem:s13+$0xFFFFFFE0] =	vst v23;
	v23 =	vmul.f32 v50, v48  }
0x402: {  	[tilespmem:s3+$0xFFFFFF20] =	vst v19;
	v25 =	vand.u32 $0xFFFF0000, v25;
	v24 =	vmul.f32 v41, v39  }
0x403: {  	v49 =	vand.u32 $0xFFFF0000, v38;
	v25 =	vmul.f32 v25, v39;
	[tilespmem:s3+$0xFFFFFFA0] =	vst v23  }
0x404: {  	v52 =	vmul.f32 v49, v45;
	v35 =	vshll.u32 v63, $0x10;
	[tilespmem:s3+$0xC0] =	vst v24  }
0x405: {  	v59 =	vperm.xlane v7, v4;
	v44 =	vshll.u32 v37, $0x10;
	v17 =	vmul.f32 v35, v16;
	[tilespmem:s3+$0xD0] =	vst v25;
	v61 =	vld [tilespmem:s2+$0xFFFFFFE0]  }
0x406: {  	v8 =	vshll.u32 v53, $0x10;
	v46 =	vmul.f32 v44, v10;
	[tilespmem:s3+$0xFFFFFF30] =	vst v52;
	v51 =	vld [tilespmem:s2+$0x70]  }
0x407: {  	v28 =	vand.u32 $0xFFFF0000, v53;
	v8 =	vmul.f32 v8, v59;
	v57 =	vld [tilespmem:s2+$0xFFFFFFA0];
	[tilespmem:s24+$0x40] =	vst v17  }
0x408: {  	v15 =	vand.u32 $0xFFFF0000, v37;
	v11 =	vmul.f32 v28, v59;
	[tilespmem:s13+$0x60] =	vst v46  }
0x409: {  	v30 =	vperm.xlane v9, v5;
	v31 =	vld [tilespmem:s0+$0xFFFFFFB0];
	v38 =	vand.u32 $0xFFFF0000, v63;
	v52 =	vmul.f32 v15, v10;
	[tilespmem:s3+$0x20] =	vst v8  }
0x40a: {  	v58 =	vperm.xlane v22, v6;
	[tilespmem:s3+$0x30] =	vst v11;
	v39 =	vmul.f32 v38, v16;
	v8 =	vshll.u32 v61, $0x10  }
0x40b: {  	v62 =	vperm.xlane v12, v5;
	[tilespmem:s13+$0x70] =	vst v52;
	v60 =	vand.u32 $0xFFFF0000, v51;
	v8 =	vmul.f32 v8, v30  }
0x40c: {  	v33 =	vld [tilespmem:s0+$0xFFFFFFF0];
	[tilespmem:s24+$0x50] =	vst v39;
	v19 =	vand.u32 $0xFFFF0000, v57;
	v14 =	vmul.f32 v60, v58  }
0x40d: {  	v36 =	vperm.xlane v21, v6;
	v40 =	vld [tilespmem:s2+$0x20];
	v29 =	vshll.u32 v57, $0x10;
	v32 =	vmul.f32 v19, v62;
	[tilespmem:s3+$0xFFFFFFC0] =	vst v8  }
0x40e: {  	v8 =	vshll.u32 v31, $0x10;
	[tilespmem:s3+$0xF0] =	vst v14;
	v14 =	vmul.f32 v29, v62  }
0x40f: {  	v41 =	vand.u32 $0xFFFF0000, v31;
	[tilespmem:s3+$0xFFFFFF50] =	vst v32;
	v8 =	vmul.f32 v8, v36  }
0x410: {  	v20 =	vperm.xlane v20, v6;
	v11 =	vmul.f32 v41, v36;
	v34 =	vand.u32 $0xFFFF0000, v61;
	[tilespmem:s3+$0xFFFFFF40] =	vst v14  }
0x411: {  	v42 =	vshll.u32 v33, $0x10;
	v53 =	vld [tilespmem:s0+$0x30];
	v14 =	vmul.f32 v34, v30;
	[tilespmem:s24+$0xFFFFFF60] =	vst v8;
	v8 =	vperm.xlane v7, v5  }
0x412: {  	v17 =	vmul.f32 v42, v20;
	[tilespmem:s24+$0xFFFFFF70] =	vst v11;
	v47 =	vshll.u32 v40, $0x10;
	v45 =	vld [tilespmem:s2+$0xFFFFFFB0]  }
0x413: {  	[tilespmem:s3+$0xFFFFFFD0] =	vst v14;
	v14 =	vand.u32 $0xFFFF0000, v40;
	v49 =	vmul.f32 v47, v8  }
0x414: {  	v43 =	vand.u32 $0xFFFF0000, v33;
	[tilespmem:s24+$0xFFFFFFE0] =	vst v17;
	v48 =	vld [tilespmem:s2+$0xFFFFFFF0];
	v8 =	vmul.f32 v14, v8  }
0x415: {  	v59 =	vperm.xlane v18, v6;
	v16 =	vmul.f32 v43, v20;
	v51 =	vshll.u32 v51, $0x10;
	[tilespmem:s3+$0x40] =	vst v49  }
0x416: {  	v50 =	vperm.xlane v12, v6;
	v61 =	vshll.u32 v53, $0x10;
	v12 =	vmul.f32 v51, v58;
	[tilespmem:s3+$0x50] =	vst v8  }
0x417: {  	[tilespmem:s24+$0xFFFFFFF0] =	vst v16;
	v10 =	vmul.f32 v61, v59;
	v54 =	vshll.u32 v45, $0x10;
	v57 =	vld [tilespmem:s2+$0x30]  }
0x418: {  	[tilespmem:s3+$0xE0] =	vst v12;
	v8 =	vperm.xlane v9, v6;
	v55 =	vand.u32 $0xFFFF0000, v45;
	v56 =	vmul.f32 v54, v50  }
0x419: {  	[tilespmem:s24+$0x60] =	vst v10;
	v9 =	vmul.f32 v55, v50;
	v58 =	vshll.u32 v48, $0x10;
	v60 =	vand.u32 $0xFFFF0000, v48  }
0x41a: {  	v12 =	vmul.f32 v58, v8;
	[tilespmem:s3+$0xFFFFFF60] =	vst v56;
	v8 =	vmul.f32 v60, v8  }
0x41b: {  	v62 =	vand.u32 $0xFFFF0000, v53;
	v7 =	vperm.xlane v7, v6;
	[tilespmem:s3+$0xFFFFFF70] =	vst v9  }
0x41c: {  	v9 =	vmul.f32 v62, v59;
	[tilespmem:s3+$0xFFFFFFF0] =	vst v8;
	v8 =	vshll.u32 v57, $0x10  }
0x41d: {  	[tilespmem:s3+$0xFFFFFFE0] =	vst v12;
	v63 =	vand.u32 $0xFFFF0000, v57;
	v8 =	vmul.f32 v8, v7  }
0x41e: {  	[tilespmem:s24+$0x70] =	vst v9;
	v7 =	vmul.f32 v63, v7  }
0x41f: {  	[tilespmem:s3+$0x60] =	vst v8  }
0x420: {  	[tilespmem:s3+$0x70] =	vst v7  }
0x421: {  	[spmem:s22] =	stream.indirect.scatter.add.f32 [tilespmem:s17], [sflag:$0x5], $0x8, s20, s20, $0xb8;
	[tilespmem:$0x1BC20] =	vst v63  }
0x422: {  	_ =	swait.ge [sflag:s19], $0x280  }
0x423: {  	[sflag:s19] =	ssyncset.done $0x0  }
0x424: {  	[sflag:s19] =	ssyncadd.s32 $0xFFFFFD80  }
0x425: {  	s15 =	rddreg [dreg:$0x2]  }
0x426: {  	[spmem:s15] =	stream.indirect.scatter.add.f32 [tilespmem:s18], [sflag:$0x5], $0x80, s20, s20, $0xb8;
	[tilespmem:$0x1BC20] =	vst v63  }
0x427: {  	_ =	swait.ge [sflag:s19], $0x2800  }
0x428: {  	[sflag:s19] =	ssyncset.done $0x0  }
0x429: {  	[sflag:s19] =	ssyncadd.s32 $0xFFFFD800  }
0x42a: {  	[bflag:$0x0] =	sbarrier.arrive $0xFFFF  }
0x42b: {  	s16 =	stileid.u32;
	s25 =	sld [smem:$0x7FC]  }
0x42c: {  	s0 =	sshll.u32 s16, $0x6  }
0x42d: {  	s0 =	sor.u32 $0x1C05, s0;
	s24 =	rddreg [dreg:$0xd]  }
0x42e: {  	[hbm:s24], [sflag:s0] =	dma.local [spmem:s25], $0x2800  }
0x42f: {  	_ =	swait.ge [sflag:s19], $0x2800  }
0x430: {  	s30 =	sld [smem:$0x7FD]  }
0x431: {  	[sflag:s19] =	ssyncset.done $0x0  }
0x432: {  	s26 =	rddreg [dreg:$0x11];
	[sflag:s19] =	ssyncadd.s32 $0xFFFFD800  }
0x433: {  	[hbm:s26], [sflag:s0] =	dma.local [spmem:s30], $0x280  }
0x434: {  	_ =	swait.ge [sflag:s19], $0x280  }
0x435: {  	s3 =	rddreg [dreg:$0x5]  }
0x436: {  	s31 =	rddreg [dreg:$0xe];
	s3 =	sadd.s32 $0x1, s3  }
0x437: {  	p0 =	sne.s32 s3, s31  }
.Ltmp7:
0x438: {  	_ = 	snop;
	(pc) =	sbr.rel @p0 .LBB2_1-.Ltmp7, $3  }
0x439: {  	_ =	sdelay $0x1  }
0x43a: {  	[sflag:s19] =	ssyncset.done $0x0  }
0x43b: {  	[sflag:s19] =	ssyncadd.s32 $0xFFFFFD80  }
0x43c: {  	_ =	sfence.sel $0x180000  }
0x43d: {  	[bflag:$0x0] =	sbarrier.arrive $0xFFFF  }
0x43e: {  	_ =	strace $0x90000047  }
0x43f: {  	s0 =	stileid.u32;
	[bflag:$0x2] =	sbarrier.arrive $0xFFFF  }
0x440: {  	p0 =	sne.s32 s0, $0x0;
	s0 =	rddreg [dreg:$0x4]  }
0x441: {  	s0 =	sadd.s32 @!p0 $0x100000, s0  }
0x442: {  	[sflag:s0] =	ssyncadd.tile.s32 @!p0 $0x1;
	_ =	shalt  }
.Lfunc_end2:
_tile_overlayer_lowered:
.L_overlay_start_2:
0x443: {  	(tag) =	ssettag $0x2  }
0x444: {  	s0 =	rddreg [dreg:$0x0];
	s2 =	stileid.u32  }
0x445: {  	s1 =	rddreg [dreg:$0x1];
	p0 =	sne.s32 s2, $0x0  }
0x446: {  	s3 =	rddreg [dreg:$0x2];
	[bflag:$0x3] =	sbarrier.arrive $0xFFFF;
	s2 =	simm.s32 @!p0 $0x1C05  }
0x447: {  	[timem:s3], [sflag:s2] =	dma.local @!p0 [hbm:s0], s1  }
0x448: {  	s0 =	simm.s32 @!p0 $0x5  }
0x449: {  	_ =	swait.ge @!p0 [sflag:s0], s1  }
0x44a: {  	s1 =	ssub.s32 @!p0 $0x0, s1;
	[sflag:s0] =	ssyncset.done @!p0 $0x0  }
0x44b: {  	[sflag:s0] =	ssyncadd.s32 @!p0 s1  }
0x44c: {  	[bflag:$0x3] =	sbarrier.arrive $0xFFFF  }
0x44d: {  	_ =	shalt  }

</sc_bundles>
